<compile_context>
chip_gen: v7x
topology: tpu7x:2x2x1
jax: 0.10.2.dev20260603
libtpu: 0.0.44.dev20260713+nightly
codegen_flags: <defaults>
</compile_context>

<pallas_src>
import functools

import jax
import jax.numpy as jnp
from jax import lax
from jax.experimental import pallas as pl
from jax.experimental.pallas import tpu as pltpu
from jax.experimental.pallas import tpu_sc as plsc

_NUM_CORES = 2
_NUM_SUBCORES = 16
_NW = _NUM_CORES * _NUM_SUBCORES

_LANES = 128
_SUBS = 8
_TILE_WORDS = _SUBS * _LANES
_CHUNK_TILES = 128


@functools.partial(jax.jit, static_argnums=(2, 3))
def _gather2(x, table_t, B, D):
    b_per_w = B // _NW
    V = table_t.shape[1]
    n_tc = (V + _LANES - 1) // _LANES
    n_tr = D // _SUBS
    n_full = n_tc // _CHUNK_TILES
    rem_tiles = n_tc - n_full * _CHUNK_TILES
    n_ck = n_full + 1
    full_total = n_tr * n_full
    per_w = (full_total + _NW - 1) // _NW
    chunk_lanes = _CHUNK_TILES * _LANES
    flat_rows = n_tr * n_ck * _SUBS
    tr_stride_flat = n_ck * _CHUNK_TILES * _TILE_WORDS
    flat_len = flat_rows * chunk_lanes
    mesh = plsc.VectorSubcoreMesh(core_axis_name="c", subcore_axis_name="s")

    @functools.partial(
        pl.kernel,
        out_type=jax.ShapeDtypeStruct((flat_rows, chunk_lanes), jnp.float32),
        mesh=mesh,
        scratch_types=[pltpu.SemaphoreType.DMA],
        compiler_params=pltpu.CompilerParams(disable_bounds_checks=True),
    )
    def ka(table_hbm, flat_hbm, sem):
        wid = lax.axis_index("s") * _NUM_CORES + lax.axis_index("c")
        copies = []
        for k in range(per_w):
            cf = wid * per_w + k
            live = cf < full_total
            tr = cf // n_full
            cc = cf % n_full
            src = table_hbm.at[
                pl.ds(pl.multiple_of(tr * _SUBS, _SUBS), _SUBS),
                pl.ds(pl.multiple_of(cc * chunk_lanes, _LANES), chunk_lanes),
            ]
            dst = flat_hbm.at[
                pl.ds(
                    pl.multiple_of((tr * n_ck + cc) * _SUBS, _SUBS), _SUBS
                ),
                :,
            ]
            d = pltpu.make_async_copy(src, dst, sem)
            pl.when(live)(d.start)
            copies.append((live, d))
        rem_live = wid < n_tr
        rem_src = table_hbm.at[
            pl.ds(pl.multiple_of(wid * _SUBS, _SUBS), _SUBS),
            pl.ds(
                pl.multiple_of(n_full * chunk_lanes, _LANES),
                rem_tiles * _LANES,
            ),
        ]
        rem_dst = flat_hbm.at[
            pl.ds(
                pl.multiple_of((wid * n_ck + n_full) * _SUBS, _SUBS), _SUBS
            ),
            pl.ds(0, rem_tiles * _LANES),
        ]
        rd = pltpu.make_async_copy(rem_src, rem_dst, sem)
        pl.when(rem_live)(rd.start)
        for live, d in copies:
            pl.when(live)(d.wait)
        pl.when(rem_live)(rd.wait)

    @functools.partial(
        pl.kernel,
        out_type=jax.ShapeDtypeStruct((D, B), jnp.float32),
        mesh=mesh,
        scratch_types=[
            pltpu.VMEM((b_per_w,), jnp.int32),
            pltpu.VMEM((D, b_per_w), jnp.int32),
            pltpu.VMEM((D, b_per_w), jnp.float32),
            pltpu.SemaphoreType.DMA,
        ],
        compiler_params=pltpu.CompilerParams(use_tc_tiling_on_sc=False),
    )
    def kb(x_hbm, flat_hbm, out_t_hbm, idx_v, offs_v, rows_v, sem):
        wid = lax.axis_index("s") * _NUM_CORES + lax.axis_index("c")
        base = wid * b_per_w
        pltpu.sync_copy(x_hbm.at[pl.ds(base, b_per_w)], idx_v)
        n16 = b_per_w // 16

        def obody(j, carry):
            v = idx_v[pl.ds(j * 16, 16)]
            b0 = (v >> 14) * (_SUBS * chunk_lanes) + (v & (chunk_lanes - 1))
            for d in range(D):
                doff = (
                    (d // _SUBS) * tr_stride_flat
                    + (d % _SUBS) * chunk_lanes
                )
                offs_v[d, pl.ds(j * 16, 16)] = b0 + doff
            return carry

        lax.fori_loop(0, n16, obody, 0)
        copies = [
            pltpu.async_copy(flat_hbm.at[offs_v.at[d]], rows_v.at[d], sem)
            for d in range(D)
        ]
        for c in copies:
            c.wait()
        pltpu.sync_copy(rows_v, out_t_hbm.at[:, pl.ds(base, b_per_w)])

    flat = ka(table_t).reshape(flat_len)
    return kb(x, flat)


def kernel(x, table):
    (B,) = x.shape
    D = table.shape[1]
    out_t = _gather2(x.astype(jnp.int32), table.T, B, D)
    return out_t.T

# --- scband reference (transcript-rebuilt; emitter-appended) ---
"""Pipeline reference for scband-one-hot-embedder-59219009077877 (READ-ONLY COPY).

The authoritative reference and input builder live on the scoring server;
editing this copy changes nothing except your own understanding.
"""

import jax, jax.numpy as jnp
import numpy as np

NUM_CLASSES = 1000000
EMBED_DIM = 32
BATCH = 16384
# embedding_dropout=0.1 > 0 -> use_cfg_embedding=True -> table has num_classes+1 rows
TABLE_ROWS = NUM_CLASSES + 1

def setup_inputs(seed: int = 0) -> dict:
    key = jax.random.key(seed)
    k1, k2 = jax.random.split(key)
    x = jax.random.randint(k1, (BATCH,), 0, NUM_CLASSES, dtype=jnp.int64 if jax.config.jax_enable_x64 else jnp.int32)
    table = jax.random.normal(k2, (TABLE_ROWS, EMBED_DIM), dtype=jnp.float32)
    return {"x": x, "table": table}

def reference(x, table):
    # forward with drop_ids=False (default), force_drop_ids=None -> no token drop
    embeddings = jnp.take(table, x, axis=0)
    return embeddings

if __name__ == "__main__":
    import jax
    _d = setup_inputs()
    print(jax.jit(kernel)(*tuple(_d.values())))

</pallas_src>

<mosaic_0001>
#map = affine_map<(d0, d1) -> (0, 0)>
module attributes {stable_mosaic.version = 14 : i64} {
  func.func @ka(%arg0: i32, %arg1: i32, %arg2: memref<32x1000001xf32, #tpu.memory_space<hbm>>, %arg3: memref<1984x16384xf32, #tpu.memory_space<hbm>>, %arg4: memref<!tpu.dma_semaphore, #tpu.memory_space<semaphore_mem>>) attributes {dimension_semantics = [#tpu.dimension_semantics<core_parallel>, #tpu.dimension_semantics<subcore_parallel>], iteration_bounds = array<i64: 2, 16>, scalar_prefetch = 0 : i64, scratch_operands = 1 : i64, tpu.core_type = #tpu.core_type<sc_vector_subcore>, window_params = [{transform_indices = #map}, {transform_indices = #map}]} {
    %mul3A = arith.constant 2 : i32
    %mul3A_0 = arith.muli %arg1, %mul3A : i32
    %add3A = arith.addi %mul3A_0, %arg0 : i32
    %mul3A_1 = arith.constant 8 : i32
    %mul3A_2 = arith.muli %add3A, %mul3A_1 : i32
    %add3A_3 = arith.constant 0 : i32
    %add3A_4 = arith.addi %mul3A_2, %add3A_3 : i32
    %lt3A = arith.constant 244 : i32
    %lt3A_5 = arith.cmpi slt, %add3A_4, %lt3A : i32
    %jit3A = arith.constant 61 : i32
    %div3A = arith.divsi %add3A_4, %jit3A : i32
    %sign3A = arith.constant 0 : i32
    %sign3A_6 = arith.cmpi sgt, %add3A_4, %sign3A : i32
    %sign3A_7 = arith.extui %sign3A_6 : i1 to i32
    %sign3A_8 = arith.constant 0 : i32
    %sign3A_9 = arith.cmpi slt, %add3A_4, %sign3A_8 : i32
    %sign3A_10 = arith.extui %sign3A_9 : i1 to i32
    %sign3A_11 = arith.subi %sign3A_7, %sign3A_10 : i32
    %sign3A_12 = arith.constant 0 : i32
    %sign3A_13 = arith.cmpi sgt, %jit3A, %sign3A_12 : i32
    %sign3A_14 = arith.extui %sign3A_13 : i1 to i32
    %sign3A_15 = arith.constant 0 : i32
    %sign3A_16 = arith.cmpi slt, %jit3A, %sign3A_15 : i32
    %sign3A_17 = arith.extui %sign3A_16 : i1 to i32
    %sign3A_18 = arith.subi %sign3A_14, %sign3A_17 : i32
    %ne3A = arith.cmpi ne, %sign3A_11, %sign3A_18 : i32
    %rem3A = arith.remsi %add3A_4, %jit3A : i32
    %ne3A_19 = arith.constant 0 : i32
    %ne3A_20 = arith.cmpi ne, %rem3A, %ne3A_19 : i32
    %and3A = arith.andi %ne3A, %ne3A_20 : i1
    %sub3A = arith.constant 1 : i32
    %sub3A_21 = arith.subi %div3A, %sub3A : i32
    %select_n3A = arith.select %and3A, %sub3A_21, %div3A : i32
    %jit3A_22 = arith.constant 61 : i32
    %eq3A = arith.constant 0 : i32
    %eq3A_23 = arith.cmpi eq, %jit3A_22, %eq3A : i32
    %jit3A_24 = arith.constant 1 : i32
    %select_n3A_25 = arith.select %eq3A_23, %jit3A_24, %jit3A_22 : i32
    %rem3A_26 = arith.remsi %add3A_4, %select_n3A_25 : i32
    %ne3A_27 = arith.constant 0 : i32
    %ne3A_28 = arith.cmpi ne, %rem3A_26, %ne3A_27 : i32
    %lt3A_29 = arith.constant 0 : i32
    %lt3A_30 = arith.cmpi slt, %rem3A_26, %lt3A_29 : i32
    %lt3A_31 = arith.constant 0 : i32
    %lt3A_32 = arith.cmpi slt, %select_n3A_25, %lt3A_31 : i32
    %ne3A_33 = arith.xori %lt3A_30, %lt3A_32 : i1
    %and3A_34 = arith.andi %ne3A_33, %ne3A_28 : i1
    %add3A_35 = arith.addi %rem3A_26, %select_n3A_25 : i32
    %select_n3A_36 = arith.select %and3A_34, %add3A_35, %rem3A_26 : i32
    %mul3A_37 = arith.constant 8 : i32
    %mul3A_38 = arith.muli %select_n3A, %mul3A_37 : i32
    %multiple_of3A = tpu.assume_multiple %mul3A_38, 8 : i32
    %mul3A_39 = arith.constant 16384 : i32
    %mul3A_40 = arith.muli %select_n3A_36, %mul3A_39 : i32
    %multiple_of3A_41 = tpu.assume_multiple %mul3A_40, 128 : i32
    %mul3A_42 = arith.constant 62 : i32
    %mul3A_43 = arith.muli %select_n3A, %mul3A_42 : i32
    %add3A_44 = arith.addi %mul3A_43, %select_n3A_36 : i32
    %mul3A_45 = arith.constant 8 : i32
    %mul3A_46 = arith.muli %add3A_44, %mul3A_45 : i32
    %multiple_of3A_47 = tpu.assume_multiple %mul3A_46, 8 : i32
    %convert_element_type3A = arith.extui %lt3A_5 : i1 to i32
    %cond3A = arith.constant 0 : i32
    %cond3A_48 = arith.cmpi ne, %convert_element_type3A, %cond3A : i32
    scf.if %cond3A_48 {
      %dma_start3A = arith.constant 0 : i32
      %dma_start3A_520 = tpu.memref_slice %arg3[%multiple_of3A_47, %dma_start3A] : memref<1984x16384xf32, #tpu.memory_space<hbm>> -> memref<8x16384xf32, #tpu.memory_space<hbm>>
      %dma_start3A_521 = tpu.memref_slice %arg2[%multiple_of3A, %multiple_of3A_41] : memref<32x1000001xf32, #tpu.memory_space<hbm>> -> memref<8x16384xf32, #tpu.memory_space<hbm>>
      tpu.enqueue_dma source(%dma_start3A_521 : memref<8x16384xf32, #tpu.memory_space<hbm>>) target(%dma_start3A_520 : memref<8x16384xf32, #tpu.memory_space<hbm>>) target_semaphore(%arg4 : memref<!tpu.dma_semaphore, #tpu.memory_space<semaphore_mem>>)
    } else {
    }
    %mul3A_49 = arith.constant 8 : i32
    %mul3A_50 = arith.muli %add3A, %mul3A_49 : i32
    %add3A_51 = arith.constant 1 : i32
    %add3A_52 = arith.addi %mul3A_50, %add3A_51 : i32
    %lt3A_53 = arith.constant 244 : i32
    %lt3A_54 = arith.cmpi slt, %add3A_52, %lt3A_53 : i32
    %jit3A_55 = arith.constant 61 : i32
    %div3A_56 = arith.divsi %add3A_52, %jit3A_55 : i32
    %sign3A_57 = arith.constant 0 : i32
    %sign3A_58 = arith.cmpi sgt, %add3A_52, %sign3A_57 : i32
    %sign3A_59 = arith.extui %sign3A_58 : i1 to i32
    %sign3A_60 = arith.constant 0 : i32
    %sign3A_61 = arith.cmpi slt, %add3A_52, %sign3A_60 : i32
    %sign3A_62 = arith.extui %sign3A_61 : i1 to i32
    %sign3A_63 = arith.subi %sign3A_59, %sign3A_62 : i32
    %sign3A_64 = arith.constant 0 : i32
    %sign3A_65 = arith.cmpi sgt, %jit3A_55, %sign3A_64 : i32
    %sign3A_66 = arith.extui %sign3A_65 : i1 to i32
    %sign3A_67 = arith.constant 0 : i32
    %sign3A_68 = arith.cmpi slt, %jit3A_55, %sign3A_67 : i32
    %sign3A_69 = arith.extui %sign3A_68 : i1 to i32
    %sign3A_70 = arith.subi %sign3A_66, %sign3A_69 : i32
    %ne3A_71 = arith.cmpi ne, %sign3A_63, %sign3A_70 : i32
    %rem3A_72 = arith.remsi %add3A_52, %jit3A_55 : i32
    %ne3A_73 = arith.constant 0 : i32
    %ne3A_74 = arith.cmpi ne, %rem3A_72, %ne3A_73 : i32
    %and3A_75 = arith.andi %ne3A_71, %ne3A_74 : i1
    %sub3A_76 = arith.constant 1 : i32
    %sub3A_77 = arith.subi %div3A_56, %sub3A_76 : i32
    %select_n3A_78 = arith.select %and3A_75, %sub3A_77, %div3A_56 : i32
    %jit3A_79 = arith.constant 61 : i32
    %eq3A_80 = arith.constant 0 : i32
    %eq3A_81 = arith.cmpi eq, %jit3A_79, %eq3A_80 : i32
    %jit3A_82 = arith.constant 1 : i32
    %select_n3A_83 = arith.select %eq3A_81, %jit3A_82, %jit3A_79 : i32
    %rem3A_84 = arith.remsi %add3A_52, %select_n3A_83 : i32
    %ne3A_85 = arith.constant 0 : i32
    %ne3A_86 = arith.cmpi ne, %rem3A_84, %ne3A_85 : i32
    %lt3A_87 = arith.constant 0 : i32
    %lt3A_88 = arith.cmpi slt, %rem3A_84, %lt3A_87 : i32
    %lt3A_89 = arith.constant 0 : i32
    %lt3A_90 = arith.cmpi slt, %select_n3A_83, %lt3A_89 : i32
    %ne3A_91 = arith.xori %lt3A_88, %lt3A_90 : i1
    %and3A_92 = arith.andi %ne3A_91, %ne3A_86 : i1
    %add3A_93 = arith.addi %rem3A_84, %select_n3A_83 : i32
    %select_n3A_94 = arith.select %and3A_92, %add3A_93, %rem3A_84 : i32
    %mul3A_95 = arith.constant 8 : i32
    %mul3A_96 = arith.muli %select_n3A_78, %mul3A_95 : i32
    %multiple_of3A_97 = tpu.assume_multiple %mul3A_96, 8 : i32
    %mul3A_98 = arith.constant 16384 : i32
    %mul3A_99 = arith.muli %select_n3A_94, %mul3A_98 : i32
    %multiple_of3A_100 = tpu.assume_multiple %mul3A_99, 128 : i32
    %mul3A_101 = arith.constant 62 : i32
    %mul3A_102 = arith.muli %select_n3A_78, %mul3A_101 : i32
    %add3A_103 = arith.addi %mul3A_102, %select_n3A_94 : i32
    %mul3A_104 = arith.constant 8 : i32
    %mul3A_105 = arith.muli %add3A_103, %mul3A_104 : i32
    %multiple_of3A_106 = tpu.assume_multiple %mul3A_105, 8 : i32
    %convert_element_type3A_107 = arith.extui %lt3A_54 : i1 to i32
    %cond3A_108 = arith.constant 0 : i32
    %cond3A_109 = arith.cmpi ne, %convert_element_type3A_107, %cond3A_108 : i32
    scf.if %cond3A_109 {
      %dma_start3A = arith.constant 0 : i32
      %dma_start3A_520 = tpu.memref_slice %arg3[%multiple_of3A_106, %dma_start3A] : memref<1984x16384xf32, #tpu.memory_space<hbm>> -> memref<8x16384xf32, #tpu.memory_space<hbm>>
      %dma_start3A_521 = tpu.memref_slice %arg2[%multiple_of3A_97, %multiple_of3A_100] : memref<32x1000001xf32, #tpu.memory_space<hbm>> -> memref<8x16384xf32, #tpu.memory_space<hbm>>
      tpu.enqueue_dma source(%dma_start3A_521 : memref<8x16384xf32, #tpu.memory_space<hbm>>) target(%dma_start3A_520 : memref<8x16384xf32, #tpu.memory_space<hbm>>) target_semaphore(%arg4 : memref<!tpu.dma_semaphore, #tpu.memory_space<semaphore_mem>>)
    } else {
    }
    %mul3A_110 = arith.constant 8 : i32
    %mul3A_111 = arith.muli %add3A, %mul3A_110 : i32
    %add3A_112 = arith.constant 2 : i32
    %add3A_113 = arith.addi %mul3A_111, %add3A_112 : i32
    %lt3A_114 = arith.constant 244 : i32
    %lt3A_115 = arith.cmpi slt, %add3A_113, %lt3A_114 : i32
    %jit3A_116 = arith.constant 61 : i32
    %div3A_117 = arith.divsi %add3A_113, %jit3A_116 : i32
    %sign3A_118 = arith.constant 0 : i32
    %sign3A_119 = arith.cmpi sgt, %add3A_113, %sign3A_118 : i32
    %sign3A_120 = arith.extui %sign3A_119 : i1 to i32
    %sign3A_121 = arith.constant 0 : i32
    %sign3A_122 = arith.cmpi slt, %add3A_113, %sign3A_121 : i32
    %sign3A_123 = arith.extui %sign3A_122 : i1 to i32
    %sign3A_124 = arith.subi %sign3A_120, %sign3A_123 : i32
    %sign3A_125 = arith.constant 0 : i32
    %sign3A_126 = arith.cmpi sgt, %jit3A_116, %sign3A_125 : i32
    %sign3A_127 = arith.extui %sign3A_126 : i1 to i32
    %sign3A_128 = arith.constant 0 : i32
    %sign3A_129 = arith.cmpi slt, %jit3A_116, %sign3A_128 : i32
    %sign3A_130 = arith.extui %sign3A_129 : i1 to i32
    %sign3A_131 = arith.subi %sign3A_127, %sign3A_130 : i32
    %ne3A_132 = arith.cmpi ne, %sign3A_124, %sign3A_131 : i32
    %rem3A_133 = arith.remsi %add3A_113, %jit3A_116 : i32
    %ne3A_134 = arith.constant 0 : i32
    %ne3A_135 = arith.cmpi ne, %rem3A_133, %ne3A_134 : i32
    %and3A_136 = arith.andi %ne3A_132, %ne3A_135 : i1
    %sub3A_137 = arith.constant 1 : i32
    %sub3A_138 = arith.subi %div3A_117, %sub3A_137 : i32
    %select_n3A_139 = arith.select %and3A_136, %sub3A_138, %div3A_117 : i32
    %jit3A_140 = arith.constant 61 : i32
    %eq3A_141 = arith.constant 0 : i32
    %eq3A_142 = arith.cmpi eq, %jit3A_140, %eq3A_141 : i32
    %jit3A_143 = arith.constant 1 : i32
    %select_n3A_144 = arith.select %eq3A_142, %jit3A_143, %jit3A_140 : i32
    %rem3A_145 = arith.remsi %add3A_113, %select_n3A_144 : i32
    %ne3A_146 = arith.constant 0 : i32
    %ne3A_147 = arith.cmpi ne, %rem3A_145, %ne3A_146 : i32
    %lt3A_148 = arith.constant 0 : i32
    %lt3A_149 = arith.cmpi slt, %rem3A_145, %lt3A_148 : i32
    %lt3A_150 = arith.constant 0 : i32
    %lt3A_151 = arith.cmpi slt, %select_n3A_144, %lt3A_150 : i32
    %ne3A_152 = arith.xori %lt3A_149, %lt3A_151 : i1
    %and3A_153 = arith.andi %ne3A_152, %ne3A_147 : i1
    %add3A_154 = arith.addi %rem3A_145, %select_n3A_144 : i32
    %select_n3A_155 = arith.select %and3A_153, %add3A_154, %rem3A_145 : i32
    %mul3A_156 = arith.constant 8 : i32
    %mul3A_157 = arith.muli %select_n3A_139, %mul3A_156 : i32
    %multiple_of3A_158 = tpu.assume_multiple %mul3A_157, 8 : i32
    %mul3A_159 = arith.constant 16384 : i32
    %mul3A_160 = arith.muli %select_n3A_155, %mul3A_159 : i32
    %multiple_of3A_161 = tpu.assume_multiple %mul3A_160, 128 : i32
    %mul3A_162 = arith.constant 62 : i32
    %mul3A_163 = arith.muli %select_n3A_139, %mul3A_162 : i32
    %add3A_164 = arith.addi %mul3A_163, %select_n3A_155 : i32
    %mul3A_165 = arith.constant 8 : i32
    %mul3A_166 = arith.muli %add3A_164, %mul3A_165 : i32
    %multiple_of3A_167 = tpu.assume_multiple %mul3A_166, 8 : i32
    %convert_element_type3A_168 = arith.extui %lt3A_115 : i1 to i32
    %cond3A_169 = arith.constant 0 : i32
    %cond3A_170 = arith.cmpi ne, %convert_element_type3A_168, %cond3A_169 : i32
    scf.if %cond3A_170 {
      %dma_start3A = arith.constant 0 : i32
      %dma_start3A_520 = tpu.memref_slice %arg3[%multiple_of3A_167, %dma_start3A] : memref<1984x16384xf32, #tpu.memory_space<hbm>> -> memref<8x16384xf32, #tpu.memory_space<hbm>>
      %dma_start3A_521 = tpu.memref_slice %arg2[%multiple_of3A_158, %multiple_of3A_161] : memref<32x1000001xf32, #tpu.memory_space<hbm>> -> memref<8x16384xf32, #tpu.memory_space<hbm>>
      tpu.enqueue_dma source(%dma_start3A_521 : memref<8x16384xf32, #tpu.memory_space<hbm>>) target(%dma_start3A_520 : memref<8x16384xf32, #tpu.memory_space<hbm>>) target_semaphore(%arg4 : memref<!tpu.dma_semaphore, #tpu.memory_space<semaphore_mem>>)
    } else {
    }
    %mul3A_171 = arith.constant 8 : i32
    %mul3A_172 = arith.muli %add3A, %mul3A_171 : i32
    %add3A_173 = arith.constant 3 : i32
    %add3A_174 = arith.addi %mul3A_172, %add3A_173 : i32
    %lt3A_175 = arith.constant 244 : i32
    %lt3A_176 = arith.cmpi slt, %add3A_174, %lt3A_175 : i32
    %jit3A_177 = arith.constant 61 : i32
    %div3A_178 = arith.divsi %add3A_174, %jit3A_177 : i32
    %sign3A_179 = arith.constant 0 : i32
    %sign3A_180 = arith.cmpi sgt, %add3A_174, %sign3A_179 : i32
    %sign3A_181 = arith.extui %sign3A_180 : i1 to i32
    %sign3A_182 = arith.constant 0 : i32
    %sign3A_183 = arith.cmpi slt, %add3A_174, %sign3A_182 : i32
    %sign3A_184 = arith.extui %sign3A_183 : i1 to i32
    %sign3A_185 = arith.subi %sign3A_181, %sign3A_184 : i32
    %sign3A_186 = arith.constant 0 : i32
    %sign3A_187 = arith.cmpi sgt, %jit3A_177, %sign3A_186 : i32
    %sign3A_188 = arith.extui %sign3A_187 : i1 to i32
    %sign3A_189 = arith.constant 0 : i32
    %sign3A_190 = arith.cmpi slt, %jit3A_177, %sign3A_189 : i32
    %sign3A_191 = arith.extui %sign3A_190 : i1 to i32
    %sign3A_192 = arith.subi %sign3A_188, %sign3A_191 : i32
    %ne3A_193 = arith.cmpi ne, %sign3A_185, %sign3A_192 : i32
    %rem3A_194 = arith.remsi %add3A_174, %jit3A_177 : i32
    %ne3A_195 = arith.constant 0 : i32
    %ne3A_196 = arith.cmpi ne, %rem3A_194, %ne3A_195 : i32
    %and3A_197 = arith.andi %ne3A_193, %ne3A_196 : i1
    %sub3A_198 = arith.constant 1 : i32
    %sub3A_199 = arith.subi %div3A_178, %sub3A_198 : i32
    %select_n3A_200 = arith.select %and3A_197, %sub3A_199, %div3A_178 : i32
    %jit3A_201 = arith.constant 61 : i32
    %eq3A_202 = arith.constant 0 : i32
    %eq3A_203 = arith.cmpi eq, %jit3A_201, %eq3A_202 : i32
    %jit3A_204 = arith.constant 1 : i32
    %select_n3A_205 = arith.select %eq3A_203, %jit3A_204, %jit3A_201 : i32
    %rem3A_206 = arith.remsi %add3A_174, %select_n3A_205 : i32
    %ne3A_207 = arith.constant 0 : i32
    %ne3A_208 = arith.cmpi ne, %rem3A_206, %ne3A_207 : i32
    %lt3A_209 = arith.constant 0 : i32
    %lt3A_210 = arith.cmpi slt, %rem3A_206, %lt3A_209 : i32
    %lt3A_211 = arith.constant 0 : i32
    %lt3A_212 = arith.cmpi slt, %select_n3A_205, %lt3A_211 : i32
    %ne3A_213 = arith.xori %lt3A_210, %lt3A_212 : i1
    %and3A_214 = arith.andi %ne3A_213, %ne3A_208 : i1
    %add3A_215 = arith.addi %rem3A_206, %select_n3A_205 : i32
    %select_n3A_216 = arith.select %and3A_214, %add3A_215, %rem3A_206 : i32
    %mul3A_217 = arith.constant 8 : i32
    %mul3A_218 = arith.muli %select_n3A_200, %mul3A_217 : i32
    %multiple_of3A_219 = tpu.assume_multiple %mul3A_218, 8 : i32
    %mul3A_220 = arith.constant 16384 : i32
    %mul3A_221 = arith.muli %select_n3A_216, %mul3A_220 : i32
    %multiple_of3A_222 = tpu.assume_multiple %mul3A_221, 128 : i32
    %mul3A_223 = arith.constant 62 : i32
    %mul3A_224 = arith.muli %select_n3A_200, %mul3A_223 : i32
    %add3A_225 = arith.addi %mul3A_224, %select_n3A_216 : i32
    %mul3A_226 = arith.constant 8 : i32
    %mul3A_227 = arith.muli %add3A_225, %mul3A_226 : i32
    %multiple_of3A_228 = tpu.assume_multiple %mul3A_227, 8 : i32
    %convert_element_type3A_229 = arith.extui %lt3A_176 : i1 to i32
    %cond3A_230 = arith.constant 0 : i32
    %cond3A_231 = arith.cmpi ne, %convert_element_type3A_229, %cond3A_230 : i32
    scf.if %cond3A_231 {
      %dma_start3A = arith.constant 0 : i32
      %dma_start3A_520 = tpu.memref_slice %arg3[%multiple_of3A_228, %dma_start3A] : memref<1984x16384xf32, #tpu.memory_space<hbm>> -> memref<8x16384xf32, #tpu.memory_space<hbm>>
      %dma_start3A_521 = tpu.memref_slice %arg2[%multiple_of3A_219, %multiple_of3A_222] : memref<32x1000001xf32, #tpu.memory_space<hbm>> -> memref<8x16384xf32, #tpu.memory_space<hbm>>
      tpu.enqueue_dma source(%dma_start3A_521 : memref<8x16384xf32, #tpu.memory_space<hbm>>) target(%dma_start3A_520 : memref<8x16384xf32, #tpu.memory_space<hbm>>) target_semaphore(%arg4 : memref<!tpu.dma_semaphore, #tpu.memory_space<semaphore_mem>>)
    } else {
    }
    %mul3A_232 = arith.constant 8 : i32
    %mul3A_233 = arith.muli %add3A, %mul3A_232 : i32
    %add3A_234 = arith.constant 4 : i32
    %add3A_235 = arith.addi %mul3A_233, %add3A_234 : i32
    %lt3A_236 = arith.constant 244 : i32
    %lt3A_237 = arith.cmpi slt, %add3A_235, %lt3A_236 : i32
    %jit3A_238 = arith.constant 61 : i32
    %div3A_239 = arith.divsi %add3A_235, %jit3A_238 : i32
    %sign3A_240 = arith.constant 0 : i32
    %sign3A_241 = arith.cmpi sgt, %add3A_235, %sign3A_240 : i32
    %sign3A_242 = arith.extui %sign3A_241 : i1 to i32
    %sign3A_243 = arith.constant 0 : i32
    %sign3A_244 = arith.cmpi slt, %add3A_235, %sign3A_243 : i32
    %sign3A_245 = arith.extui %sign3A_244 : i1 to i32
    %sign3A_246 = arith.subi %sign3A_242, %sign3A_245 : i32
    %sign3A_247 = arith.constant 0 : i32
    %sign3A_248 = arith.cmpi sgt, %jit3A_238, %sign3A_247 : i32
    %sign3A_249 = arith.extui %sign3A_248 : i1 to i32
    %sign3A_250 = arith.constant 0 : i32
    %sign3A_251 = arith.cmpi slt, %jit3A_238, %sign3A_250 : i32
    %sign3A_252 = arith.extui %sign3A_251 : i1 to i32
    %sign3A_253 = arith.subi %sign3A_249, %sign3A_252 : i32
    %ne3A_254 = arith.cmpi ne, %sign3A_246, %sign3A_253 : i32
    %rem3A_255 = arith.remsi %add3A_235, %jit3A_238 : i32
    %ne3A_256 = arith.constant 0 : i32
    %ne3A_257 = arith.cmpi ne, %rem3A_255, %ne3A_256 : i32
    %and3A_258 = arith.andi %ne3A_254, %ne3A_257 : i1
    %sub3A_259 = arith.constant 1 : i32
    %sub3A_260 = arith.subi %div3A_239, %sub3A_259 : i32
    %select_n3A_261 = arith.select %and3A_258, %sub3A_260, %div3A_239 : i32
    %jit3A_262 = arith.constant 61 : i32
    %eq3A_263 = arith.constant 0 : i32
    %eq3A_264 = arith.cmpi eq, %jit3A_262, %eq3A_263 : i32
    %jit3A_265 = arith.constant 1 : i32
    %select_n3A_266 = arith.select %eq3A_264, %jit3A_265, %jit3A_262 : i32
    %rem3A_267 = arith.remsi %add3A_235, %select_n3A_266 : i32
    %ne3A_268 = arith.constant 0 : i32
    %ne3A_269 = arith.cmpi ne, %rem3A_267, %ne3A_268 : i32
    %lt3A_270 = arith.constant 0 : i32
    %lt3A_271 = arith.cmpi slt, %rem3A_267, %lt3A_270 : i32
    %lt3A_272 = arith.constant 0 : i32
    %lt3A_273 = arith.cmpi slt, %select_n3A_266, %lt3A_272 : i32
    %ne3A_274 = arith.xori %lt3A_271, %lt3A_273 : i1
    %and3A_275 = arith.andi %ne3A_274, %ne3A_269 : i1
    %add3A_276 = arith.addi %rem3A_267, %select_n3A_266 : i32
    %select_n3A_277 = arith.select %and3A_275, %add3A_276, %rem3A_267 : i32
    %mul3A_278 = arith.constant 8 : i32
    %mul3A_279 = arith.muli %select_n3A_261, %mul3A_278 : i32
    %multiple_of3A_280 = tpu.assume_multiple %mul3A_279, 8 : i32
    %mul3A_281 = arith.constant 16384 : i32
    %mul3A_282 = arith.muli %select_n3A_277, %mul3A_281 : i32
    %multiple_of3A_283 = tpu.assume_multiple %mul3A_282, 128 : i32
    %mul3A_284 = arith.constant 62 : i32
    %mul3A_285 = arith.muli %select_n3A_261, %mul3A_284 : i32
    %add3A_286 = arith.addi %mul3A_285, %select_n3A_277 : i32
    %mul3A_287 = arith.constant 8 : i32
    %mul3A_288 = arith.muli %add3A_286, %mul3A_287 : i32
    %multiple_of3A_289 = tpu.assume_multiple %mul3A_288, 8 : i32
    %convert_element_type3A_290 = arith.extui %lt3A_237 : i1 to i32
    %cond3A_291 = arith.constant 0 : i32
    %cond3A_292 = arith.cmpi ne, %convert_element_type3A_290, %cond3A_291 : i32
    scf.if %cond3A_292 {
      %dma_start3A = arith.constant 0 : i32
      %dma_start3A_520 = tpu.memref_slice %arg3[%multiple_of3A_289, %dma_start3A] : memref<1984x16384xf32, #tpu.memory_space<hbm>> -> memref<8x16384xf32, #tpu.memory_space<hbm>>
      %dma_start3A_521 = tpu.memref_slice %arg2[%multiple_of3A_280, %multiple_of3A_283] : memref<32x1000001xf32, #tpu.memory_space<hbm>> -> memref<8x16384xf32, #tpu.memory_space<hbm>>
      tpu.enqueue_dma source(%dma_start3A_521 : memref<8x16384xf32, #tpu.memory_space<hbm>>) target(%dma_start3A_520 : memref<8x16384xf32, #tpu.memory_space<hbm>>) target_semaphore(%arg4 : memref<!tpu.dma_semaphore, #tpu.memory_space<semaphore_mem>>)
    } else {
    }
    %mul3A_293 = arith.constant 8 : i32
    %mul3A_294 = arith.muli %add3A, %mul3A_293 : i32
    %add3A_295 = arith.constant 5 : i32
    %add3A_296 = arith.addi %mul3A_294, %add3A_295 : i32
    %lt3A_297 = arith.constant 244 : i32
    %lt3A_298 = arith.cmpi slt, %add3A_296, %lt3A_297 : i32
    %jit3A_299 = arith.constant 61 : i32
    %div3A_300 = arith.divsi %add3A_296, %jit3A_299 : i32
    %sign3A_301 = arith.constant 0 : i32
    %sign3A_302 = arith.cmpi sgt, %add3A_296, %sign3A_301 : i32
    %sign3A_303 = arith.extui %sign3A_302 : i1 to i32
    %sign3A_304 = arith.constant 0 : i32
    %sign3A_305 = arith.cmpi slt, %add3A_296, %sign3A_304 : i32
    %sign3A_306 = arith.extui %sign3A_305 : i1 to i32
    %sign3A_307 = arith.subi %sign3A_303, %sign3A_306 : i32
    %sign3A_308 = arith.constant 0 : i32
    %sign3A_309 = arith.cmpi sgt, %jit3A_299, %sign3A_308 : i32
    %sign3A_310 = arith.extui %sign3A_309 : i1 to i32
    %sign3A_311 = arith.constant 0 : i32
    %sign3A_312 = arith.cmpi slt, %jit3A_299, %sign3A_311 : i32
    %sign3A_313 = arith.extui %sign3A_312 : i1 to i32
    %sign3A_314 = arith.subi %sign3A_310, %sign3A_313 : i32
    %ne3A_315 = arith.cmpi ne, %sign3A_307, %sign3A_314 : i32
    %rem3A_316 = arith.remsi %add3A_296, %jit3A_299 : i32
    %ne3A_317 = arith.constant 0 : i32
    %ne3A_318 = arith.cmpi ne, %rem3A_316, %ne3A_317 : i32
    %and3A_319 = arith.andi %ne3A_315, %ne3A_318 : i1
    %sub3A_320 = arith.constant 1 : i32
    %sub3A_321 = arith.subi %div3A_300, %sub3A_320 : i32
    %select_n3A_322 = arith.select %and3A_319, %sub3A_321, %div3A_300 : i32
    %jit3A_323 = arith.constant 61 : i32
    %eq3A_324 = arith.constant 0 : i32
    %eq3A_325 = arith.cmpi eq, %jit3A_323, %eq3A_324 : i32
    %jit3A_326 = arith.constant 1 : i32
    %select_n3A_327 = arith.select %eq3A_325, %jit3A_326, %jit3A_323 : i32
    %rem3A_328 = arith.remsi %add3A_296, %select_n3A_327 : i32
    %ne3A_329 = arith.constant 0 : i32
    %ne3A_330 = arith.cmpi ne, %rem3A_328, %ne3A_329 : i32
    %lt3A_331 = arith.constant 0 : i32
    %lt3A_332 = arith.cmpi slt, %rem3A_328, %lt3A_331 : i32
    %lt3A_333 = arith.constant 0 : i32
    %lt3A_334 = arith.cmpi slt, %select_n3A_327, %lt3A_333 : i32
    %ne3A_335 = arith.xori %lt3A_332, %lt3A_334 : i1
    %and3A_336 = arith.andi %ne3A_335, %ne3A_330 : i1
    %add3A_337 = arith.addi %rem3A_328, %select_n3A_327 : i32
    %select_n3A_338 = arith.select %and3A_336, %add3A_337, %rem3A_328 : i32
    %mul3A_339 = arith.constant 8 : i32
    %mul3A_340 = arith.muli %select_n3A_322, %mul3A_339 : i32
    %multiple_of3A_341 = tpu.assume_multiple %mul3A_340, 8 : i32
    %mul3A_342 = arith.constant 16384 : i32
    %mul3A_343 = arith.muli %select_n3A_338, %mul3A_342 : i32
    %multiple_of3A_344 = tpu.assume_multiple %mul3A_343, 128 : i32
    %mul3A_345 = arith.constant 62 : i32
    %mul3A_346 = arith.muli %select_n3A_322, %mul3A_345 : i32
    %add3A_347 = arith.addi %mul3A_346, %select_n3A_338 : i32
    %mul3A_348 = arith.constant 8 : i32
    %mul3A_349 = arith.muli %add3A_347, %mul3A_348 : i32
    %multiple_of3A_350 = tpu.assume_multiple %mul3A_349, 8 : i32
    %convert_element_type3A_351 = arith.extui %lt3A_298 : i1 to i32
    %cond3A_352 = arith.constant 0 : i32
    %cond3A_353 = arith.cmpi ne, %convert_element_type3A_351, %cond3A_352 : i32
    scf.if %cond3A_353 {
      %dma_start3A = arith.constant 0 : i32
      %dma_start3A_520 = tpu.memref_slice %arg3[%multiple_of3A_350, %dma_start3A] : memref<1984x16384xf32, #tpu.memory_space<hbm>> -> memref<8x16384xf32, #tpu.memory_space<hbm>>
      %dma_start3A_521 = tpu.memref_slice %arg2[%multiple_of3A_341, %multiple_of3A_344] : memref<32x1000001xf32, #tpu.memory_space<hbm>> -> memref<8x16384xf32, #tpu.memory_space<hbm>>
      tpu.enqueue_dma source(%dma_start3A_521 : memref<8x16384xf32, #tpu.memory_space<hbm>>) target(%dma_start3A_520 : memref<8x16384xf32, #tpu.memory_space<hbm>>) target_semaphore(%arg4 : memref<!tpu.dma_semaphore, #tpu.memory_space<semaphore_mem>>)
    } else {
    }
    %mul3A_354 = arith.constant 8 : i32
    %mul3A_355 = arith.muli %add3A, %mul3A_354 : i32
    %add3A_356 = arith.constant 6 : i32
    %add3A_357 = arith.addi %mul3A_355, %add3A_356 : i32
    %lt3A_358 = arith.constant 244 : i32
    %lt3A_359 = arith.cmpi slt, %add3A_357, %lt3A_358 : i32
    %jit3A_360 = arith.constant 61 : i32
    %div3A_361 = arith.divsi %add3A_357, %jit3A_360 : i32
    %sign3A_362 = arith.constant 0 : i32
    %sign3A_363 = arith.cmpi sgt, %add3A_357, %sign3A_362 : i32
    %sign3A_364 = arith.extui %sign3A_363 : i1 to i32
    %sign3A_365 = arith.constant 0 : i32
    %sign3A_366 = arith.cmpi slt, %add3A_357, %sign3A_365 : i32
    %sign3A_367 = arith.extui %sign3A_366 : i1 to i32
    %sign3A_368 = arith.subi %sign3A_364, %sign3A_367 : i32
    %sign3A_369 = arith.constant 0 : i32
    %sign3A_370 = arith.cmpi sgt, %jit3A_360, %sign3A_369 : i32
    %sign3A_371 = arith.extui %sign3A_370 : i1 to i32
    %sign3A_372 = arith.constant 0 : i32
    %sign3A_373 = arith.cmpi slt, %jit3A_360, %sign3A_372 : i32
    %sign3A_374 = arith.extui %sign3A_373 : i1 to i32
    %sign3A_375 = arith.subi %sign3A_371, %sign3A_374 : i32
    %ne3A_376 = arith.cmpi ne, %sign3A_368, %sign3A_375 : i32
    %rem3A_377 = arith.remsi %add3A_357, %jit3A_360 : i32
    %ne3A_378 = arith.constant 0 : i32
    %ne3A_379 = arith.cmpi ne, %rem3A_377, %ne3A_378 : i32
    %and3A_380 = arith.andi %ne3A_376, %ne3A_379 : i1
    %sub3A_381 = arith.constant 1 : i32
    %sub3A_382 = arith.subi %div3A_361, %sub3A_381 : i32
    %select_n3A_383 = arith.select %and3A_380, %sub3A_382, %div3A_361 : i32
    %jit3A_384 = arith.constant 61 : i32
    %eq3A_385 = arith.constant 0 : i32
    %eq3A_386 = arith.cmpi eq, %jit3A_384, %eq3A_385 : i32
    %jit3A_387 = arith.constant 1 : i32
    %select_n3A_388 = arith.select %eq3A_386, %jit3A_387, %jit3A_384 : i32
    %rem3A_389 = arith.remsi %add3A_357, %select_n3A_388 : i32
    %ne3A_390 = arith.constant 0 : i32
    %ne3A_391 = arith.cmpi ne, %rem3A_389, %ne3A_390 : i32
    %lt3A_392 = arith.constant 0 : i32
    %lt3A_393 = arith.cmpi slt, %rem3A_389, %lt3A_392 : i32
    %lt3A_394 = arith.constant 0 : i32
    %lt3A_395 = arith.cmpi slt, %select_n3A_388, %lt3A_394 : i32
    %ne3A_396 = arith.xori %lt3A_393, %lt3A_395 : i1
    %and3A_397 = arith.andi %ne3A_396, %ne3A_391 : i1
    %add3A_398 = arith.addi %rem3A_389, %select_n3A_388 : i32
    %select_n3A_399 = arith.select %and3A_397, %add3A_398, %rem3A_389 : i32
    %mul3A_400 = arith.constant 8 : i32
    %mul3A_401 = arith.muli %select_n3A_383, %mul3A_400 : i32
    %multiple_of3A_402 = tpu.assume_multiple %mul3A_401, 8 : i32
    %mul3A_403 = arith.constant 16384 : i32
    %mul3A_404 = arith.muli %select_n3A_399, %mul3A_403 : i32
    %multiple_of3A_405 = tpu.assume_multiple %mul3A_404, 128 : i32
    %mul3A_406 = arith.constant 62 : i32
    %mul3A_407 = arith.muli %select_n3A_383, %mul3A_406 : i32
    %add3A_408 = arith.addi %mul3A_407, %select_n3A_399 : i32
    %mul3A_409 = arith.constant 8 : i32
    %mul3A_410 = arith.muli %add3A_408, %mul3A_409 : i32
    %multiple_of3A_411 = tpu.assume_multiple %mul3A_410, 8 : i32
    %convert_element_type3A_412 = arith.extui %lt3A_359 : i1 to i32
    %cond3A_413 = arith.constant 0 : i32
    %cond3A_414 = arith.cmpi ne, %convert_element_type3A_412, %cond3A_413 : i32
    scf.if %cond3A_414 {
      %dma_start3A = arith.constant 0 : i32
      %dma_start3A_520 = tpu.memref_slice %arg3[%multiple_of3A_411, %dma_start3A] : memref<1984x16384xf32, #tpu.memory_space<hbm>> -> memref<8x16384xf32, #tpu.memory_space<hbm>>
      %dma_start3A_521 = tpu.memref_slice %arg2[%multiple_of3A_402, %multiple_of3A_405] : memref<32x1000001xf32, #tpu.memory_space<hbm>> -> memref<8x16384xf32, #tpu.memory_space<hbm>>
      tpu.enqueue_dma source(%dma_start3A_521 : memref<8x16384xf32, #tpu.memory_space<hbm>>) target(%dma_start3A_520 : memref<8x16384xf32, #tpu.memory_space<hbm>>) target_semaphore(%arg4 : memref<!tpu.dma_semaphore, #tpu.memory_space<semaphore_mem>>)
    } else {
    }
    %mul3A_415 = arith.constant 8 : i32
    %mul3A_416 = arith.muli %add3A, %mul3A_415 : i32
    %add3A_417 = arith.constant 7 : i32
    %add3A_418 = arith.addi %mul3A_416, %add3A_417 : i32
    %lt3A_419 = arith.constant 244 : i32
    %lt3A_420 = arith.cmpi slt, %add3A_418, %lt3A_419 : i32
    %jit3A_421 = arith.constant 61 : i32
    %div3A_422 = arith.divsi %add3A_418, %jit3A_421 : i32
    %sign3A_423 = arith.constant 0 : i32
    %sign3A_424 = arith.cmpi sgt, %add3A_418, %sign3A_423 : i32
    %sign3A_425 = arith.extui %sign3A_424 : i1 to i32
    %sign3A_426 = arith.constant 0 : i32
    %sign3A_427 = arith.cmpi slt, %add3A_418, %sign3A_426 : i32
    %sign3A_428 = arith.extui %sign3A_427 : i1 to i32
    %sign3A_429 = arith.subi %sign3A_425, %sign3A_428 : i32
    %sign3A_430 = arith.constant 0 : i32
    %sign3A_431 = arith.cmpi sgt, %jit3A_421, %sign3A_430 : i32
    %sign3A_432 = arith.extui %sign3A_431 : i1 to i32
    %sign3A_433 = arith.constant 0 : i32
    %sign3A_434 = arith.cmpi slt, %jit3A_421, %sign3A_433 : i32
    %sign3A_435 = arith.extui %sign3A_434 : i1 to i32
    %sign3A_436 = arith.subi %sign3A_432, %sign3A_435 : i32
    %ne3A_437 = arith.cmpi ne, %sign3A_429, %sign3A_436 : i32
    %rem3A_438 = arith.remsi %add3A_418, %jit3A_421 : i32
    %ne3A_439 = arith.constant 0 : i32
    %ne3A_440 = arith.cmpi ne, %rem3A_438, %ne3A_439 : i32
    %and3A_441 = arith.andi %ne3A_437, %ne3A_440 : i1
    %sub3A_442 = arith.constant 1 : i32
    %sub3A_443 = arith.subi %div3A_422, %sub3A_442 : i32
    %select_n3A_444 = arith.select %and3A_441, %sub3A_443, %div3A_422 : i32
    %jit3A_445 = arith.constant 61 : i32
    %eq3A_446 = arith.constant 0 : i32
    %eq3A_447 = arith.cmpi eq, %jit3A_445, %eq3A_446 : i32
    %jit3A_448 = arith.constant 1 : i32
    %select_n3A_449 = arith.select %eq3A_447, %jit3A_448, %jit3A_445 : i32
    %rem3A_450 = arith.remsi %add3A_418, %select_n3A_449 : i32
    %ne3A_451 = arith.constant 0 : i32
    %ne3A_452 = arith.cmpi ne, %rem3A_450, %ne3A_451 : i32
    %lt3A_453 = arith.constant 0 : i32
    %lt3A_454 = arith.cmpi slt, %rem3A_450, %lt3A_453 : i32
    %lt3A_455 = arith.constant 0 : i32
    %lt3A_456 = arith.cmpi slt, %select_n3A_449, %lt3A_455 : i32
    %ne3A_457 = arith.xori %lt3A_454, %lt3A_456 : i1
    %and3A_458 = arith.andi %ne3A_457, %ne3A_452 : i1
    %add3A_459 = arith.addi %rem3A_450, %select_n3A_449 : i32
    %select_n3A_460 = arith.select %and3A_458, %add3A_459, %rem3A_450 : i32
    %mul3A_461 = arith.constant 8 : i32
    %mul3A_462 = arith.muli %select_n3A_444, %mul3A_461 : i32
    %multiple_of3A_463 = tpu.assume_multiple %mul3A_462, 8 : i32
    %mul3A_464 = arith.constant 16384 : i32
    %mul3A_465 = arith.muli %select_n3A_460, %mul3A_464 : i32
    %multiple_of3A_466 = tpu.assume_multiple %mul3A_465, 128 : i32
    %mul3A_467 = arith.constant 62 : i32
    %mul3A_468 = arith.muli %select_n3A_444, %mul3A_467 : i32
    %add3A_469 = arith.addi %mul3A_468, %select_n3A_460 : i32
    %mul3A_470 = arith.constant 8 : i32
    %mul3A_471 = arith.muli %add3A_469, %mul3A_470 : i32
    %multiple_of3A_472 = tpu.assume_multiple %mul3A_471, 8 : i32
    %convert_element_type3A_473 = arith.extui %lt3A_420 : i1 to i32
    %cond3A_474 = arith.constant 0 : i32
    %cond3A_475 = arith.cmpi ne, %convert_element_type3A_473, %cond3A_474 : i32
    scf.if %cond3A_475 {
      %dma_start3A = arith.constant 0 : i32
      %dma_start3A_520 = tpu.memref_slice %arg3[%multiple_of3A_472, %dma_start3A] : memref<1984x16384xf32, #tpu.memory_space<hbm>> -> memref<8x16384xf32, #tpu.memory_space<hbm>>
      %dma_start3A_521 = tpu.memref_slice %arg2[%multiple_of3A_463, %multiple_of3A_466] : memref<32x1000001xf32, #tpu.memory_space<hbm>> -> memref<8x16384xf32, #tpu.memory_space<hbm>>
      tpu.enqueue_dma source(%dma_start3A_521 : memref<8x16384xf32, #tpu.memory_space<hbm>>) target(%dma_start3A_520 : memref<8x16384xf32, #tpu.memory_space<hbm>>) target_semaphore(%arg4 : memref<!tpu.dma_semaphore, #tpu.memory_space<semaphore_mem>>)
    } else {
    }
    %lt3A_476 = arith.constant 4 : i32
    %lt3A_477 = arith.cmpi slt, %add3A, %lt3A_476 : i32
    %mul3A_478 = arith.constant 8 : i32
    %mul3A_479 = arith.muli %add3A, %mul3A_478 : i32
    %multiple_of3A_480 = tpu.assume_multiple %mul3A_479, 8 : i32
    %multiple_of3A_481 = arith.constant 999424 : i32
    %multiple_of3A_482 = tpu.assume_multiple %multiple_of3A_481, 128 : i32
    %mul3A_483 = arith.constant 62 : i32
    %mul3A_484 = arith.muli %add3A, %mul3A_483 : i32
    %add3A_485 = arith.constant 61 : i32
    %add3A_486 = arith.addi %mul3A_484, %add3A_485 : i32
    %mul3A_487 = arith.constant 8 : i32
    %mul3A_488 = arith.muli %add3A_486, %mul3A_487 : i32
    %multiple_of3A_489 = tpu.assume_multiple %mul3A_488, 8 : i32
    %convert_element_type3A_490 = arith.extui %lt3A_477 : i1 to i32
    %cond3A_491 = arith.constant 0 : i32
    %cond3A_492 = arith.cmpi ne, %convert_element_type3A_490, %cond3A_491 : i32
    scf.if %cond3A_492 {
      %dma_start3A = arith.constant 0 : i32
      %dma_start3A_520 = tpu.memref_slice %arg3[%multiple_of3A_489, %dma_start3A] : memref<1984x16384xf32, #tpu.memory_space<hbm>> -> memref<8x640xf32, #tpu.memory_space<hbm>>
      %dma_start3A_521 = tpu.memref_slice %arg2[%multiple_of3A_480, %multiple_of3A_482] : memref<32x1000001xf32, #tpu.memory_space<hbm>> -> memref<8x640xf32, #tpu.memory_space<hbm>>
      tpu.enqueue_dma source(%dma_start3A_521 : memref<8x640xf32, #tpu.memory_space<hbm>>) target(%dma_start3A_520 : memref<8x640xf32, #tpu.memory_space<hbm>>) target_semaphore(%arg4 : memref<!tpu.dma_semaphore, #tpu.memory_space<semaphore_mem>>)
    } else {
    }
    %convert_element_type3A_493 = arith.extui %lt3A_5 : i1 to i32
    %cond3A_494 = arith.constant 0 : i32
    %cond3A_495 = arith.cmpi ne, %convert_element_type3A_493, %cond3A_494 : i32
    scf.if %cond3A_495 {
      %dma_wait3A = arith.constant 0 : i32
      %dma_wait3A_520 = tpu.memref_slice %arg3[%multiple_of3A_47, %dma_wait3A] : memref<1984x16384xf32, #tpu.memory_space<hbm>> -> memref<8x16384xf32, #tpu.memory_space<hbm>>
      %dma_wait3A_521 = tpu.memref_slice %arg2[%multiple_of3A, %multiple_of3A_41] : memref<32x1000001xf32, #tpu.memory_space<hbm>> -> memref<8x16384xf32, #tpu.memory_space<hbm>>
      tpu.wait_dma2 semaphore(%arg4 : memref<!tpu.dma_semaphore, #tpu.memory_space<semaphore_mem>>) src(%dma_wait3A_521 : memref<8x16384xf32, #tpu.memory_space<hbm>>) dst(%dma_wait3A_520 : memref<8x16384xf32, #tpu.memory_space<hbm>>)
    } else {
    }
    %convert_element_type3A_496 = arith.extui %lt3A_54 : i1 to i32
    %cond3A_497 = arith.constant 0 : i32
    %cond3A_498 = arith.cmpi ne, %convert_element_type3A_496, %cond3A_497 : i32
    scf.if %cond3A_498 {
      %dma_wait3A = arith.constant 0 : i32
      %dma_wait3A_520 = tpu.memref_slice %arg3[%multiple_of3A_106, %dma_wait3A] : memref<1984x16384xf32, #tpu.memory_space<hbm>> -> memref<8x16384xf32, #tpu.memory_space<hbm>>
      %dma_wait3A_521 = tpu.memref_slice %arg2[%multiple_of3A_97, %multiple_of3A_100] : memref<32x1000001xf32, #tpu.memory_space<hbm>> -> memref<8x16384xf32, #tpu.memory_space<hbm>>
      tpu.wait_dma2 semaphore(%arg4 : memref<!tpu.dma_semaphore, #tpu.memory_space<semaphore_mem>>) src(%dma_wait3A_521 : memref<8x16384xf32, #tpu.memory_space<hbm>>) dst(%dma_wait3A_520 : memref<8x16384xf32, #tpu.memory_space<hbm>>)
    } else {
    }
    %convert_element_type3A_499 = arith.extui %lt3A_115 : i1 to i32
    %cond3A_500 = arith.constant 0 : i32
    %cond3A_501 = arith.cmpi ne, %convert_element_type3A_499, %cond3A_500 : i32
    scf.if %cond3A_501 {
      %dma_wait3A = arith.constant 0 : i32
      %dma_wait3A_520 = tpu.memref_slice %arg3[%multiple_of3A_167, %dma_wait3A] : memref<1984x16384xf32, #tpu.memory_space<hbm>> -> memref<8x16384xf32, #tpu.memory_space<hbm>>
      %dma_wait3A_521 = tpu.memref_slice %arg2[%multiple_of3A_158, %multiple_of3A_161] : memref<32x1000001xf32, #tpu.memory_space<hbm>> -> memref<8x16384xf32, #tpu.memory_space<hbm>>
      tpu.wait_dma2 semaphore(%arg4 : memref<!tpu.dma_semaphore, #tpu.memory_space<semaphore_mem>>) src(%dma_wait3A_521 : memref<8x16384xf32, #tpu.memory_space<hbm>>) dst(%dma_wait3A_520 : memref<8x16384xf32, #tpu.memory_space<hbm>>)
    } else {
    }
    %convert_element_type3A_502 = arith.extui %lt3A_176 : i1 to i32
    %cond3A_503 = arith.constant 0 : i32
    %cond3A_504 = arith.cmpi ne, %convert_element_type3A_502, %cond3A_503 : i32
    scf.if %cond3A_504 {
      %dma_wait3A = arith.constant 0 : i32
      %dma_wait3A_520 = tpu.memref_slice %arg3[%multiple_of3A_228, %dma_wait3A] : memref<1984x16384xf32, #tpu.memory_space<hbm>> -> memref<8x16384xf32, #tpu.memory_space<hbm>>
      %dma_wait3A_521 = tpu.memref_slice %arg2[%multiple_of3A_219, %multiple_of3A_222] : memref<32x1000001xf32, #tpu.memory_space<hbm>> -> memref<8x16384xf32, #tpu.memory_space<hbm>>
      tpu.wait_dma2 semaphore(%arg4 : memref<!tpu.dma_semaphore, #tpu.memory_space<semaphore_mem>>) src(%dma_wait3A_521 : memref<8x16384xf32, #tpu.memory_space<hbm>>) dst(%dma_wait3A_520 : memref<8x16384xf32, #tpu.memory_space<hbm>>)
    } else {
    }
    %convert_element_type3A_505 = arith.extui %lt3A_237 : i1 to i32
    %cond3A_506 = arith.constant 0 : i32
    %cond3A_507 = arith.cmpi ne, %convert_element_type3A_505, %cond3A_506 : i32
    scf.if %cond3A_507 {
      %dma_wait3A = arith.constant 0 : i32
      %dma_wait3A_520 = tpu.memref_slice %arg3[%multiple_of3A_289, %dma_wait3A] : memref<1984x16384xf32, #tpu.memory_space<hbm>> -> memref<8x16384xf32, #tpu.memory_space<hbm>>
      %dma_wait3A_521 = tpu.memref_slice %arg2[%multiple_of3A_280, %multiple_of3A_283] : memref<32x1000001xf32, #tpu.memory_space<hbm>> -> memref<8x16384xf32, #tpu.memory_space<hbm>>
      tpu.wait_dma2 semaphore(%arg4 : memref<!tpu.dma_semaphore, #tpu.memory_space<semaphore_mem>>) src(%dma_wait3A_521 : memref<8x16384xf32, #tpu.memory_space<hbm>>) dst(%dma_wait3A_520 : memref<8x16384xf32, #tpu.memory_space<hbm>>)
    } else {
    }
    %convert_element_type3A_508 = arith.extui %lt3A_298 : i1 to i32
    %cond3A_509 = arith.constant 0 : i32
    %cond3A_510 = arith.cmpi ne, %convert_element_type3A_508, %cond3A_509 : i32
    scf.if %cond3A_510 {
      %dma_wait3A = arith.constant 0 : i32
      %dma_wait3A_520 = tpu.memref_slice %arg3[%multiple_of3A_350, %dma_wait3A] : memref<1984x16384xf32, #tpu.memory_space<hbm>> -> memref<8x16384xf32, #tpu.memory_space<hbm>>
      %dma_wait3A_521 = tpu.memref_slice %arg2[%multiple_of3A_341, %multiple_of3A_344] : memref<32x1000001xf32, #tpu.memory_space<hbm>> -> memref<8x16384xf32, #tpu.memory_space<hbm>>
      tpu.wait_dma2 semaphore(%arg4 : memref<!tpu.dma_semaphore, #tpu.memory_space<semaphore_mem>>) src(%dma_wait3A_521 : memref<8x16384xf32, #tpu.memory_space<hbm>>) dst(%dma_wait3A_520 : memref<8x16384xf32, #tpu.memory_space<hbm>>)
    } else {
    }
    %convert_element_type3A_511 = arith.extui %lt3A_359 : i1 to i32
    %cond3A_512 = arith.constant 0 : i32
    %cond3A_513 = arith.cmpi ne, %convert_element_type3A_511, %cond3A_512 : i32
    scf.if %cond3A_513 {
      %dma_wait3A = arith.constant 0 : i32
      %dma_wait3A_520 = tpu.memref_slice %arg3[%multiple_of3A_411, %dma_wait3A] : memref<1984x16384xf32, #tpu.memory_space<hbm>> -> memref<8x16384xf32, #tpu.memory_space<hbm>>
      %dma_wait3A_521 = tpu.memref_slice %arg2[%multiple_of3A_402, %multiple_of3A_405] : memref<32x1000001xf32, #tpu.memory_space<hbm>> -> memref<8x16384xf32, #tpu.memory_space<hbm>>
      tpu.wait_dma2 semaphore(%arg4 : memref<!tpu.dma_semaphore, #tpu.memory_space<semaphore_mem>>) src(%dma_wait3A_521 : memref<8x16384xf32, #tpu.memory_space<hbm>>) dst(%dma_wait3A_520 : memref<8x16384xf32, #tpu.memory_space<hbm>>)
    } else {
    }
    %convert_element_type3A_514 = arith.extui %lt3A_420 : i1 to i32
    %cond3A_515 = arith.constant 0 : i32
    %cond3A_516 = arith.cmpi ne, %convert_element_type3A_514, %cond3A_515 : i32
    scf.if %cond3A_516 {
      %dma_wait3A = arith.constant 0 : i32
      %dma_wait3A_520 = tpu.memref_slice %arg3[%multiple_of3A_472, %dma_wait3A] : memref<1984x16384xf32, #tpu.memory_space<hbm>> -> memref<8x16384xf32, #tpu.memory_space<hbm>>
      %dma_wait3A_521 = tpu.memref_slice %arg2[%multiple_of3A_463, %multiple_of3A_466] : memref<32x1000001xf32, #tpu.memory_space<hbm>> -> memref<8x16384xf32, #tpu.memory_space<hbm>>
      tpu.wait_dma2 semaphore(%arg4 : memref<!tpu.dma_semaphore, #tpu.memory_space<semaphore_mem>>) src(%dma_wait3A_521 : memref<8x16384xf32, #tpu.memory_space<hbm>>) dst(%dma_wait3A_520 : memref<8x16384xf32, #tpu.memory_space<hbm>>)
    } else {
    }
    %convert_element_type3A_517 = arith.extui %lt3A_477 : i1 to i32
    %cond3A_518 = arith.constant 0 : i32
    %cond3A_519 = arith.cmpi ne, %convert_element_type3A_517, %cond3A_518 : i32
    scf.if %cond3A_519 {
      %dma_wait3A = arith.constant 0 : i32
      %dma_wait3A_520 = tpu.memref_slice %arg3[%multiple_of3A_489, %dma_wait3A] : memref<1984x16384xf32, #tpu.memory_space<hbm>> -> memref<8x640xf32, #tpu.memory_space<hbm>>
      %dma_wait3A_521 = tpu.memref_slice %arg2[%multiple_of3A_480, %multiple_of3A_482] : memref<32x1000001xf32, #tpu.memory_space<hbm>> -> memref<8x640xf32, #tpu.memory_space<hbm>>
      tpu.wait_dma2 semaphore(%arg4 : memref<!tpu.dma_semaphore, #tpu.memory_space<semaphore_mem>>) src(%dma_wait3A_521 : memref<8x640xf32, #tpu.memory_space<hbm>>) dst(%dma_wait3A_520 : memref<8x640xf32, #tpu.memory_space<hbm>>)
    } else {
    }
    return
  }
}

#map = affine_map<(d0, d1) -> (0)>
#map1 = affine_map<(d0, d1) -> (0, 0)>
module attributes {stable_mosaic.version = 14 : i64} {
  func.func @kb(%arg0: i32, %arg1: i32, %arg2: memref<16384xi32, #tpu.memory_space<hbm>>, %arg3: memref<32505856xf32, #tpu.memory_space<hbm>>, %arg4: memref<32x16384xf32, #tpu.memory_space<hbm>>, %arg5: memref<512xi32, #tpu.memory_space<vmem>>, %arg6: memref<32x512xi32, #tpu.memory_space<vmem>>, %arg7: memref<32x512xf32, #tpu.memory_space<vmem>>, %arg8: memref<!tpu.dma_semaphore, #tpu.memory_space<semaphore_mem>>) attributes {dimension_semantics = [#tpu.dimension_semantics<core_parallel>, #tpu.dimension_semantics<subcore_parallel>], iteration_bounds = array<i64: 2, 16>, scalar_prefetch = 0 : i64, scratch_operands = 4 : i64, tpu.core_type = #tpu.core_type<sc_vector_subcore>, window_params = [{transform_indices = #map}, {transform_indices = #map}, {transform_indices = #map1}]} {
    %mul3A = arith.constant 2 : i32
    %mul3A_0 = arith.muli %arg1, %mul3A : i32
    %add3A = arith.addi %mul3A_0, %arg0 : i32
    %mul3A_1 = arith.constant 512 : i32
    %mul3A_2 = arith.muli %add3A, %mul3A_1 : i32
    "tpu.region"() ({
      %run_scoped3A = tpu.sem_alloc : memref<!tpu.dma_semaphore, #tpu.memory_space<semaphore_mem>>
      %dma_start3A_646 = tpu.memref_slice %arg2[%mul3A_2] : memref<16384xi32, #tpu.memory_space<hbm>> -> memref<512xi32, #tpu.memory_space<hbm>>
      %dma_start3A_647 = tpu.memref_slice %arg2[%mul3A_2] : memref<16384xi32, #tpu.memory_space<hbm>> -> memref<512xi32, #tpu.memory_space<hbm>>
      tpu.enqueue_dma source(%dma_start3A_647 : memref<512xi32, #tpu.memory_space<hbm>>) target(%arg5 : memref<512xi32, #tpu.memory_space<vmem>>) target_semaphore(%run_scoped3A : memref<!tpu.dma_semaphore, #tpu.memory_space<semaphore_mem>>)
      %dma_wait3A_648 = tpu.memref_slice %arg2[%mul3A_2] : memref<16384xi32, #tpu.memory_space<hbm>> -> memref<512xi32, #tpu.memory_space<hbm>>
      %dma_wait3A_649 = tpu.memref_slice %arg2[%mul3A_2] : memref<16384xi32, #tpu.memory_space<hbm>> -> memref<512xi32, #tpu.memory_space<hbm>>
      tpu.wait_dma2 semaphore(%run_scoped3A : memref<!tpu.dma_semaphore, #tpu.memory_space<semaphore_mem>>) src(%dma_wait3A_649 : memref<512xi32, #tpu.memory_space<hbm>>) dst(%arg5 : memref<512xi32, #tpu.memory_space<vmem>>)
      tpu.yield
    }) : () -> ()
    %scan3A = arith.constant 0 : i32
    %scan3A_3 = arith.constant 0 : i32
    %scan3A_4 = arith.constant 32 : i32
    %scan3A_5 = arith.addi %scan3A_3, %scan3A_4 : i32
    %scan3A_6 = arith.constant 1 : i32
    scf.for %scan3A_646 = %scan3A_3 to %scan3A_5 step %scan3A_6  : i32 {
      %mul3A_647 = arith.constant 16 : i32
      %mul3A_648 = arith.muli %scan3A_646, %mul3A_647 : i32
      %get3A = arith.index_cast %mul3A_648 : i32 to index
      %get3A_649 = tpu.vector_load %arg5[%get3A] {strides = array<i32>} : memref<512xi32, #tpu.memory_space<vmem>>, vector<16xi32>,
      %get3A_650 = vector.shape_cast %get3A_649 : vector<16xi32> to vector<16xi32>
      %shift_right_arithmetic3A = arith.constant 14 : i32
      %shift_right_arithmetic3A_651 = vector.broadcast %shift_right_arithmetic3A : i32 to vector<16xi32>
      %shift_right_arithmetic3A_652 = arith.shrsi %get3A_650, %shift_right_arithmetic3A_651 : vector<16xi32>
      %mul3A_653 = arith.constant 131072 : i32
      %mul3A_654 = vector.broadcast %mul3A_653 : i32 to vector<16xi32>
      %mul3A_655 = arith.muli %shift_right_arithmetic3A_652, %mul3A_654 : vector<16xi32>
      %and3A = arith.constant 16383 : i32
      %and3A_656 = vector.broadcast %and3A : i32 to vector<16xi32>
      %and3A_657 = arith.andi %get3A_650, %and3A_656 : vector<16xi32>
      %add3A_658 = arith.addi %mul3A_655, %and3A_657 : vector<16xi32>
      %add3A_659 = arith.constant 0 : i32
      %add3A_660 = vector.broadcast %add3A_659 : i32 to vector<16xi32>
      %add3A_661 = arith.addi %add3A_658, %add3A_660 : vector<16xi32>
      %mul3A_662 = arith.constant 16 : i32
      %mul3A_663 = arith.muli %scan3A_646, %mul3A_662 : i32
      %swap3A = arith.constant 0 : i32
      %swap3A_664 = arith.index_cast %swap3A : i32 to index
      %swap3A_665 = arith.index_cast %mul3A_663 : i32 to index
      %swap3A_666 = tpu.vector_load %arg6[%swap3A_664, %swap3A_665] {strides = array<i32>} : memref<32x512xi32, #tpu.memory_space<vmem>>, vector<1x16xi32>,
      %swap3A_667 = vector.shape_cast %swap3A_666 : vector<1x16xi32> to vector<16xi32>
      %swap3A_668 = vector.shape_cast %add3A_661 : vector<16xi32> to vector<1x16xi32>
      tpu.vector_store %arg6[%swap3A_664, %swap3A_665], %swap3A_668 {strides = array<i32>} : memref<32x512xi32, #tpu.memory_space<vmem>>, vector<1x16xi32>,
      %add3A_669 = arith.constant 16384 : i32
      %add3A_670 = vector.broadcast %add3A_669 : i32 to vector<16xi32>
      %add3A_671 = arith.addi %add3A_658, %add3A_670 : vector<16xi32>
      %mul3A_672 = arith.constant 16 : i32
      %mul3A_673 = arith.muli %scan3A_646, %mul3A_672 : i32
      %swap3A_674 = arith.constant 1 : i32
      %swap3A_675 = arith.index_cast %swap3A_674 : i32 to index
      %swap3A_676 = arith.index_cast %mul3A_673 : i32 to index
      %swap3A_677 = tpu.vector_load %arg6[%swap3A_675, %swap3A_676] {strides = array<i32>} : memref<32x512xi32, #tpu.memory_space<vmem>>, vector<1x16xi32>,
      %swap3A_678 = vector.shape_cast %swap3A_677 : vector<1x16xi32> to vector<16xi32>
      %swap3A_679 = vector.shape_cast %add3A_671 : vector<16xi32> to vector<1x16xi32>
      tpu.vector_store %arg6[%swap3A_675, %swap3A_676], %swap3A_679 {strides = array<i32>} : memref<32x512xi32, #tpu.memory_space<vmem>>, vector<1x16xi32>,
      %add3A_680 = arith.constant 32768 : i32
      %add3A_681 = vector.broadcast %add3A_680 : i32 to vector<16xi32>
      %add3A_682 = arith.addi %add3A_658, %add3A_681 : vector<16xi32>
      %mul3A_683 = arith.constant 16 : i32
      %mul3A_684 = arith.muli %scan3A_646, %mul3A_683 : i32
      %swap3A_685 = arith.constant 2 : i32
      %swap3A_686 = arith.index_cast %swap3A_685 : i32 to index
      %swap3A_687 = arith.index_cast %mul3A_684 : i32 to index
      %swap3A_688 = tpu.vector_load %arg6[%swap3A_686, %swap3A_687] {strides = array<i32>} : memref<32x512xi32, #tpu.memory_space<vmem>>, vector<1x16xi32>,
      %swap3A_689 = vector.shape_cast %swap3A_688 : vector<1x16xi32> to vector<16xi32>
      %swap3A_690 = vector.shape_cast %add3A_682 : vector<16xi32> to vector<1x16xi32>
      tpu.vector_store %arg6[%swap3A_686, %swap3A_687], %swap3A_690 {strides = array<i32>} : memref<32x512xi32, #tpu.memory_space<vmem>>, vector<1x16xi32>,
      %add3A_691 = arith.constant 49152 : i32
      %add3A_692 = vector.broadcast %add3A_691 : i32 to vector<16xi32>
      %add3A_693 = arith.addi %add3A_658, %add3A_692 : vector<16xi32>
      %mul3A_694 = arith.constant 16 : i32
      %mul3A_695 = arith.muli %scan3A_646, %mul3A_694 : i32
      %swap3A_696 = arith.constant 3 : i32
      %swap3A_697 = arith.index_cast %swap3A_696 : i32 to index
      %swap3A_698 = arith.index_cast %mul3A_695 : i32 to index
      %swap3A_699 = tpu.vector_load %arg6[%swap3A_697, %swap3A_698] {strides = array<i32>} : memref<32x512xi32, #tpu.memory_space<vmem>>, vector<1x16xi32>,
      %swap3A_700 = vector.shape_cast %swap3A_699 : vector<1x16xi32> to vector<16xi32>
      %swap3A_701 = vector.shape_cast %add3A_693 : vector<16xi32> to vector<1x16xi32>
      tpu.vector_store %arg6[%swap3A_697, %swap3A_698], %swap3A_701 {strides = array<i32>} : memref<32x512xi32, #tpu.memory_space<vmem>>, vector<1x16xi32>,
      %add3A_702 = arith.constant 65536 : i32
      %add3A_703 = vector.broadcast %add3A_702 : i32 to vector<16xi32>
      %add3A_704 = arith.addi %add3A_658, %add3A_703 : vector<16xi32>
      %mul3A_705 = arith.constant 16 : i32
      %mul3A_706 = arith.muli %scan3A_646, %mul3A_705 : i32
      %swap3A_707 = arith.constant 4 : i32
      %swap3A_708 = arith.index_cast %swap3A_707 : i32 to index
      %swap3A_709 = arith.index_cast %mul3A_706 : i32 to index
      %swap3A_710 = tpu.vector_load %arg6[%swap3A_708, %swap3A_709] {strides = array<i32>} : memref<32x512xi32, #tpu.memory_space<vmem>>, vector<1x16xi32>,
      %swap3A_711 = vector.shape_cast %swap3A_710 : vector<1x16xi32> to vector<16xi32>
      %swap3A_712 = vector.shape_cast %add3A_704 : vector<16xi32> to vector<1x16xi32>
      tpu.vector_store %arg6[%swap3A_708, %swap3A_709], %swap3A_712 {strides = array<i32>} : memref<32x512xi32, #tpu.memory_space<vmem>>, vector<1x16xi32>,
      %add3A_713 = arith.constant 81920 : i32
      %add3A_714 = vector.broadcast %add3A_713 : i32 to vector<16xi32>
      %add3A_715 = arith.addi %add3A_658, %add3A_714 : vector<16xi32>
      %mul3A_716 = arith.constant 16 : i32
      %mul3A_717 = arith.muli %scan3A_646, %mul3A_716 : i32
      %swap3A_718 = arith.constant 5 : i32
      %swap3A_719 = arith.index_cast %swap3A_718 : i32 to index
      %swap3A_720 = arith.index_cast %mul3A_717 : i32 to index
      %swap3A_721 = tpu.vector_load %arg6[%swap3A_719, %swap3A_720] {strides = array<i32>} : memref<32x512xi32, #tpu.memory_space<vmem>>, vector<1x16xi32>,
      %swap3A_722 = vector.shape_cast %swap3A_721 : vector<1x16xi32> to vector<16xi32>
      %swap3A_723 = vector.shape_cast %add3A_715 : vector<16xi32> to vector<1x16xi32>
      tpu.vector_store %arg6[%swap3A_719, %swap3A_720], %swap3A_723 {strides = array<i32>} : memref<32x512xi32, #tpu.memory_space<vmem>>, vector<1x16xi32>,
      %add3A_724 = arith.constant 98304 : i32
      %add3A_725 = vector.broadcast %add3A_724 : i32 to vector<16xi32>
      %add3A_726 = arith.addi %add3A_658, %add3A_725 : vector<16xi32>
      %mul3A_727 = arith.constant 16 : i32
      %mul3A_728 = arith.muli %scan3A_646, %mul3A_727 : i32
      %swap3A_729 = arith.constant 6 : i32
      %swap3A_730 = arith.index_cast %swap3A_729 : i32 to index
      %swap3A_731 = arith.index_cast %mul3A_728 : i32 to index
      %swap3A_732 = tpu.vector_load %arg6[%swap3A_730, %swap3A_731] {strides = array<i32>} : memref<32x512xi32, #tpu.memory_space<vmem>>, vector<1x16xi32>,
      %swap3A_733 = vector.shape_cast %swap3A_732 : vector<1x16xi32> to vector<16xi32>
      %swap3A_734 = vector.shape_cast %add3A_726 : vector<16xi32> to vector<1x16xi32>
      tpu.vector_store %arg6[%swap3A_730, %swap3A_731], %swap3A_734 {strides = array<i32>} : memref<32x512xi32, #tpu.memory_space<vmem>>, vector<1x16xi32>,
      %add3A_735 = arith.constant 114688 : i32
      %add3A_736 = vector.broadcast %add3A_735 : i32 to vector<16xi32>
      %add3A_737 = arith.addi %add3A_658, %add3A_736 : vector<16xi32>
      %mul3A_738 = arith.constant 16 : i32
      %mul3A_739 = arith.muli %scan3A_646, %mul3A_738 : i32
      %swap3A_740 = arith.constant 7 : i32
      %swap3A_741 = arith.index_cast %swap3A_740 : i32 to index
      %swap3A_742 = arith.index_cast %mul3A_739 : i32 to index
      %swap3A_743 = tpu.vector_load %arg6[%swap3A_741, %swap3A_742] {strides = array<i32>} : memref<32x512xi32, #tpu.memory_space<vmem>>, vector<1x16xi32>,
      %swap3A_744 = vector.shape_cast %swap3A_743 : vector<1x16xi32> to vector<16xi32>
      %swap3A_745 = vector.shape_cast %add3A_737 : vector<16xi32> to vector<1x16xi32>
      tpu.vector_store %arg6[%swap3A_741, %swap3A_742], %swap3A_745 {strides = array<i32>} : memref<32x512xi32, #tpu.memory_space<vmem>>, vector<1x16xi32>,
      %add3A_746 = arith.constant 8126464 : i32
      %add3A_747 = vector.broadcast %add3A_746 : i32 to vector<16xi32>
      %add3A_748 = arith.addi %add3A_658, %add3A_747 : vector<16xi32>
      %mul3A_749 = arith.constant 16 : i32
      %mul3A_750 = arith.muli %scan3A_646, %mul3A_749 : i32
      %swap3A_751 = arith.constant 8 : i32
      %swap3A_752 = arith.index_cast %swap3A_751 : i32 to index
      %swap3A_753 = arith.index_cast %mul3A_750 : i32 to index
      %swap3A_754 = tpu.vector_load %arg6[%swap3A_752, %swap3A_753] {strides = array<i32>} : memref<32x512xi32, #tpu.memory_space<vmem>>, vector<1x16xi32>,
      %swap3A_755 = vector.shape_cast %swap3A_754 : vector<1x16xi32> to vector<16xi32>
      %swap3A_756 = vector.shape_cast %add3A_748 : vector<16xi32> to vector<1x16xi32>
      tpu.vector_store %arg6[%swap3A_752, %swap3A_753], %swap3A_756 {strides = array<i32>} : memref<32x512xi32, #tpu.memory_space<vmem>>, vector<1x16xi32>,
      %add3A_757 = arith.constant 8142848 : i32
      %add3A_758 = vector.broadcast %add3A_757 : i32 to vector<16xi32>
      %add3A_759 = arith.addi %add3A_658, %add3A_758 : vector<16xi32>
      %mul3A_760 = arith.constant 16 : i32
      %mul3A_761 = arith.muli %scan3A_646, %mul3A_760 : i32
      %swap3A_762 = arith.constant 9 : i32
      %swap3A_763 = arith.index_cast %swap3A_762 : i32 to index
      %swap3A_764 = arith.index_cast %mul3A_761 : i32 to index
      %swap3A_765 = tpu.vector_load %arg6[%swap3A_763, %swap3A_764] {strides = array<i32>} : memref<32x512xi32, #tpu.memory_space<vmem>>, vector<1x16xi32>,
      %swap3A_766 = vector.shape_cast %swap3A_765 : vector<1x16xi32> to vector<16xi32>
      %swap3A_767 = vector.shape_cast %add3A_759 : vector<16xi32> to vector<1x16xi32>
      tpu.vector_store %arg6[%swap3A_763, %swap3A_764], %swap3A_767 {strides = array<i32>} : memref<32x512xi32, #tpu.memory_space<vmem>>, vector<1x16xi32>,
      %add3A_768 = arith.constant 8159232 : i32
      %add3A_769 = vector.broadcast %add3A_768 : i32 to vector<16xi32>
      %add3A_770 = arith.addi %add3A_658, %add3A_769 : vector<16xi32>
      %mul3A_771 = arith.constant 16 : i32
      %mul3A_772 = arith.muli %scan3A_646, %mul3A_771 : i32
      %swap3A_773 = arith.constant 10 : i32
      %swap3A_774 = arith.index_cast %swap3A_773 : i32 to index
      %swap3A_775 = arith.index_cast %mul3A_772 : i32 to index
      %swap3A_776 = tpu.vector_load %arg6[%swap3A_774, %swap3A_775] {strides = array<i32>} : memref<32x512xi32, #tpu.memory_space<vmem>>, vector<1x16xi32>,
      %swap3A_777 = vector.shape_cast %swap3A_776 : vector<1x16xi32> to vector<16xi32>
      %swap3A_778 = vector.shape_cast %add3A_770 : vector<16xi32> to vector<1x16xi32>
      tpu.vector_store %arg6[%swap3A_774, %swap3A_775], %swap3A_778 {strides = array<i32>} : memref<32x512xi32, #tpu.memory_space<vmem>>, vector<1x16xi32>,
      %add3A_779 = arith.constant 8175616 : i32
      %add3A_780 = vector.broadcast %add3A_779 : i32 to vector<16xi32>
      %add3A_781 = arith.addi %add3A_658, %add3A_780 : vector<16xi32>
      %mul3A_782 = arith.constant 16 : i32
      %mul3A_783 = arith.muli %scan3A_646, %mul3A_782 : i32
      %swap3A_784 = arith.constant 11 : i32
      %swap3A_785 = arith.index_cast %swap3A_784 : i32 to index
      %swap3A_786 = arith.index_cast %mul3A_783 : i32 to index
      %swap3A_787 = tpu.vector_load %arg6[%swap3A_785, %swap3A_786] {strides = array<i32>} : memref<32x512xi32, #tpu.memory_space<vmem>>, vector<1x16xi32>,
      %swap3A_788 = vector.shape_cast %swap3A_787 : vector<1x16xi32> to vector<16xi32>
      %swap3A_789 = vector.shape_cast %add3A_781 : vector<16xi32> to vector<1x16xi32>
      tpu.vector_store %arg6[%swap3A_785, %swap3A_786], %swap3A_789 {strides = array<i32>} : memref<32x512xi32, #tpu.memory_space<vmem>>, vector<1x16xi32>,
      %add3A_790 = arith.constant 8192000 : i32
      %add3A_791 = vector.broadcast %add3A_790 : i32 to vector<16xi32>
      %add3A_792 = arith.addi %add3A_658, %add3A_791 : vector<16xi32>
      %mul3A_793 = arith.constant 16 : i32
      %mul3A_794 = arith.muli %scan3A_646, %mul3A_793 : i32
      %swap3A_795 = arith.constant 12 : i32
      %swap3A_796 = arith.index_cast %swap3A_795 : i32 to index
      %swap3A_797 = arith.index_cast %mul3A_794 : i32 to index
      %swap3A_798 = tpu.vector_load %arg6[%swap3A_796, %swap3A_797] {strides = array<i32>} : memref<32x512xi32, #tpu.memory_space<vmem>>, vector<1x16xi32>,
      %swap3A_799 = vector.shape_cast %swap3A_798 : vector<1x16xi32> to vector<16xi32>
      %swap3A_800 = vector.shape_cast %add3A_792 : vector<16xi32> to vector<1x16xi32>
      tpu.vector_store %arg6[%swap3A_796, %swap3A_797], %swap3A_800 {strides = array<i32>} : memref<32x512xi32, #tpu.memory_space<vmem>>, vector<1x16xi32>,
      %add3A_801 = arith.constant 8208384 : i32
      %add3A_802 = vector.broadcast %add3A_801 : i32 to vector<16xi32>
      %add3A_803 = arith.addi %add3A_658, %add3A_802 : vector<16xi32>
      %mul3A_804 = arith.constant 16 : i32
      %mul3A_805 = arith.muli %scan3A_646, %mul3A_804 : i32
      %swap3A_806 = arith.constant 13 : i32
      %swap3A_807 = arith.index_cast %swap3A_806 : i32 to index
      %swap3A_808 = arith.index_cast %mul3A_805 : i32 to index
      %swap3A_809 = tpu.vector_load %arg6[%swap3A_807, %swap3A_808] {strides = array<i32>} : memref<32x512xi32, #tpu.memory_space<vmem>>, vector<1x16xi32>,
      %swap3A_810 = vector.shape_cast %swap3A_809 : vector<1x16xi32> to vector<16xi32>
      %swap3A_811 = vector.shape_cast %add3A_803 : vector<16xi32> to vector<1x16xi32>
      tpu.vector_store %arg6[%swap3A_807, %swap3A_808], %swap3A_811 {strides = array<i32>} : memref<32x512xi32, #tpu.memory_space<vmem>>, vector<1x16xi32>,
      %add3A_812 = arith.constant 8224768 : i32
      %add3A_813 = vector.broadcast %add3A_812 : i32 to vector<16xi32>
      %add3A_814 = arith.addi %add3A_658, %add3A_813 : vector<16xi32>
      %mul3A_815 = arith.constant 16 : i32
      %mul3A_816 = arith.muli %scan3A_646, %mul3A_815 : i32
      %swap3A_817 = arith.constant 14 : i32
      %swap3A_818 = arith.index_cast %swap3A_817 : i32 to index
      %swap3A_819 = arith.index_cast %mul3A_816 : i32 to index
      %swap3A_820 = tpu.vector_load %arg6[%swap3A_818, %swap3A_819] {strides = array<i32>} : memref<32x512xi32, #tpu.memory_space<vmem>>, vector<1x16xi32>,
      %swap3A_821 = vector.shape_cast %swap3A_820 : vector<1x16xi32> to vector<16xi32>
      %swap3A_822 = vector.shape_cast %add3A_814 : vector<16xi32> to vector<1x16xi32>
      tpu.vector_store %arg6[%swap3A_818, %swap3A_819], %swap3A_822 {strides = array<i32>} : memref<32x512xi32, #tpu.memory_space<vmem>>, vector<1x16xi32>,
      %add3A_823 = arith.constant 8241152 : i32
      %add3A_824 = vector.broadcast %add3A_823 : i32 to vector<16xi32>
      %add3A_825 = arith.addi %add3A_658, %add3A_824 : vector<16xi32>
      %mul3A_826 = arith.constant 16 : i32
      %mul3A_827 = arith.muli %scan3A_646, %mul3A_826 : i32
      %swap3A_828 = arith.constant 15 : i32
      %swap3A_829 = arith.index_cast %swap3A_828 : i32 to index
      %swap3A_830 = arith.index_cast %mul3A_827 : i32 to index
      %swap3A_831 = tpu.vector_load %arg6[%swap3A_829, %swap3A_830] {strides = array<i32>} : memref<32x512xi32, #tpu.memory_space<vmem>>, vector<1x16xi32>,
      %swap3A_832 = vector.shape_cast %swap3A_831 : vector<1x16xi32> to vector<16xi32>
      %swap3A_833 = vector.shape_cast %add3A_825 : vector<16xi32> to vector<1x16xi32>
      tpu.vector_store %arg6[%swap3A_829, %swap3A_830], %swap3A_833 {strides = array<i32>} : memref<32x512xi32, #tpu.memory_space<vmem>>, vector<1x16xi32>,
      %add3A_834 = arith.constant 16252928 : i32
      %add3A_835 = vector.broadcast %add3A_834 : i32 to vector<16xi32>
      %add3A_836 = arith.addi %add3A_658, %add3A_835 : vector<16xi32>
      %mul3A_837 = arith.constant 16 : i32
      %mul3A_838 = arith.muli %scan3A_646, %mul3A_837 : i32
      %swap3A_839 = arith.constant 16 : i32
      %swap3A_840 = arith.index_cast %swap3A_839 : i32 to index
      %swap3A_841 = arith.index_cast %mul3A_838 : i32 to index
      %swap3A_842 = tpu.vector_load %arg6[%swap3A_840, %swap3A_841] {strides = array<i32>} : memref<32x512xi32, #tpu.memory_space<vmem>>, vector<1x16xi32>,
      %swap3A_843 = vector.shape_cast %swap3A_842 : vector<1x16xi32> to vector<16xi32>
      %swap3A_844 = vector.shape_cast %add3A_836 : vector<16xi32> to vector<1x16xi32>
      tpu.vector_store %arg6[%swap3A_840, %swap3A_841], %swap3A_844 {strides = array<i32>} : memref<32x512xi32, #tpu.memory_space<vmem>>, vector<1x16xi32>,
      %add3A_845 = arith.constant 16269312 : i32
      %add3A_846 = vector.broadcast %add3A_845 : i32 to vector<16xi32>
      %add3A_847 = arith.addi %add3A_658, %add3A_846 : vector<16xi32>
      %mul3A_848 = arith.constant 16 : i32
      %mul3A_849 = arith.muli %scan3A_646, %mul3A_848 : i32
      %swap3A_850 = arith.constant 17 : i32
      %swap3A_851 = arith.index_cast %swap3A_850 : i32 to index
      %swap3A_852 = arith.index_cast %mul3A_849 : i32 to index
      %swap3A_853 = tpu.vector_load %arg6[%swap3A_851, %swap3A_852] {strides = array<i32>} : memref<32x512xi32, #tpu.memory_space<vmem>>, vector<1x16xi32>,
      %swap3A_854 = vector.shape_cast %swap3A_853 : vector<1x16xi32> to vector<16xi32>
      %swap3A_855 = vector.shape_cast %add3A_847 : vector<16xi32> to vector<1x16xi32>
      tpu.vector_store %arg6[%swap3A_851, %swap3A_852], %swap3A_855 {strides = array<i32>} : memref<32x512xi32, #tpu.memory_space<vmem>>, vector<1x16xi32>,
      %add3A_856 = arith.constant 16285696 : i32
      %add3A_857 = vector.broadcast %add3A_856 : i32 to vector<16xi32>
      %add3A_858 = arith.addi %add3A_658, %add3A_857 : vector<16xi32>
      %mul3A_859 = arith.constant 16 : i32
      %mul3A_860 = arith.muli %scan3A_646, %mul3A_859 : i32
      %swap3A_861 = arith.constant 18 : i32
      %swap3A_862 = arith.index_cast %swap3A_861 : i32 to index
      %swap3A_863 = arith.index_cast %mul3A_860 : i32 to index
      %swap3A_864 = tpu.vector_load %arg6[%swap3A_862, %swap3A_863] {strides = array<i32>} : memref<32x512xi32, #tpu.memory_space<vmem>>, vector<1x16xi32>,
      %swap3A_865 = vector.shape_cast %swap3A_864 : vector<1x16xi32> to vector<16xi32>
      %swap3A_866 = vector.shape_cast %add3A_858 : vector<16xi32> to vector<1x16xi32>
      tpu.vector_store %arg6[%swap3A_862, %swap3A_863], %swap3A_866 {strides = array<i32>} : memref<32x512xi32, #tpu.memory_space<vmem>>, vector<1x16xi32>,
      %add3A_867 = arith.constant 16302080 : i32
      %add3A_868 = vector.broadcast %add3A_867 : i32 to vector<16xi32>
      %add3A_869 = arith.addi %add3A_658, %add3A_868 : vector<16xi32>
      %mul3A_870 = arith.constant 16 : i32
      %mul3A_871 = arith.muli %scan3A_646, %mul3A_870 : i32
      %swap3A_872 = arith.constant 19 : i32
      %swap3A_873 = arith.index_cast %swap3A_872 : i32 to index
      %swap3A_874 = arith.index_cast %mul3A_871 : i32 to index
      %swap3A_875 = tpu.vector_load %arg6[%swap3A_873, %swap3A_874] {strides = array<i32>} : memref<32x512xi32, #tpu.memory_space<vmem>>, vector<1x16xi32>,
      %swap3A_876 = vector.shape_cast %swap3A_875 : vector<1x16xi32> to vector<16xi32>
      %swap3A_877 = vector.shape_cast %add3A_869 : vector<16xi32> to vector<1x16xi32>
      tpu.vector_store %arg6[%swap3A_873, %swap3A_874], %swap3A_877 {strides = array<i32>} : memref<32x512xi32, #tpu.memory_space<vmem>>, vector<1x16xi32>,
      %add3A_878 = arith.constant 16318464 : i32
      %add3A_879 = vector.broadcast %add3A_878 : i32 to vector<16xi32>
      %add3A_880 = arith.addi %add3A_658, %add3A_879 : vector<16xi32>
      %mul3A_881 = arith.constant 16 : i32
      %mul3A_882 = arith.muli %scan3A_646, %mul3A_881 : i32
      %swap3A_883 = arith.constant 20 : i32
      %swap3A_884 = arith.index_cast %swap3A_883 : i32 to index
      %swap3A_885 = arith.index_cast %mul3A_882 : i32 to index
      %swap3A_886 = tpu.vector_load %arg6[%swap3A_884, %swap3A_885] {strides = array<i32>} : memref<32x512xi32, #tpu.memory_space<vmem>>, vector<1x16xi32>,
      %swap3A_887 = vector.shape_cast %swap3A_886 : vector<1x16xi32> to vector<16xi32>
      %swap3A_888 = vector.shape_cast %add3A_880 : vector<16xi32> to vector<1x16xi32>
      tpu.vector_store %arg6[%swap3A_884, %swap3A_885], %swap3A_888 {strides = array<i32>} : memref<32x512xi32, #tpu.memory_space<vmem>>, vector<1x16xi32>,
      %add3A_889 = arith.constant 16334848 : i32
      %add3A_890 = vector.broadcast %add3A_889 : i32 to vector<16xi32>
      %add3A_891 = arith.addi %add3A_658, %add3A_890 : vector<16xi32>
      %mul3A_892 = arith.constant 16 : i32
      %mul3A_893 = arith.muli %scan3A_646, %mul3A_892 : i32
      %swap3A_894 = arith.constant 21 : i32
      %swap3A_895 = arith.index_cast %swap3A_894 : i32 to index
      %swap3A_896 = arith.index_cast %mul3A_893 : i32 to index
      %swap3A_897 = tpu.vector_load %arg6[%swap3A_895, %swap3A_896] {strides = array<i32>} : memref<32x512xi32, #tpu.memory_space<vmem>>, vector<1x16xi32>,
      %swap3A_898 = vector.shape_cast %swap3A_897 : vector<1x16xi32> to vector<16xi32>
      %swap3A_899 = vector.shape_cast %add3A_891 : vector<16xi32> to vector<1x16xi32>
      tpu.vector_store %arg6[%swap3A_895, %swap3A_896], %swap3A_899 {strides = array<i32>} : memref<32x512xi32, #tpu.memory_space<vmem>>, vector<1x16xi32>,
      %add3A_900 = arith.constant 16351232 : i32
      %add3A_901 = vector.broadcast %add3A_900 : i32 to vector<16xi32>
      %add3A_902 = arith.addi %add3A_658, %add3A_901 : vector<16xi32>
      %mul3A_903 = arith.constant 16 : i32
      %mul3A_904 = arith.muli %scan3A_646, %mul3A_903 : i32
      %swap3A_905 = arith.constant 22 : i32
      %swap3A_906 = arith.index_cast %swap3A_905 : i32 to index
      %swap3A_907 = arith.index_cast %mul3A_904 : i32 to index
      %swap3A_908 = tpu.vector_load %arg6[%swap3A_906, %swap3A_907] {strides = array<i32>} : memref<32x512xi32, #tpu.memory_space<vmem>>, vector<1x16xi32>,
      %swap3A_909 = vector.shape_cast %swap3A_908 : vector<1x16xi32> to vector<16xi32>
      %swap3A_910 = vector.shape_cast %add3A_902 : vector<16xi32> to vector<1x16xi32>
      tpu.vector_store %arg6[%swap3A_906, %swap3A_907], %swap3A_910 {strides = array<i32>} : memref<32x512xi32, #tpu.memory_space<vmem>>, vector<1x16xi32>,
      %add3A_911 = arith.constant 16367616 : i32
      %add3A_912 = vector.broadcast %add3A_911 : i32 to vector<16xi32>
      %add3A_913 = arith.addi %add3A_658, %add3A_912 : vector<16xi32>
      %mul3A_914 = arith.constant 16 : i32
      %mul3A_915 = arith.muli %scan3A_646, %mul3A_914 : i32
      %swap3A_916 = arith.constant 23 : i32
      %swap3A_917 = arith.index_cast %swap3A_916 : i32 to index
      %swap3A_918 = arith.index_cast %mul3A_915 : i32 to index
      %swap3A_919 = tpu.vector_load %arg6[%swap3A_917, %swap3A_918] {strides = array<i32>} : memref<32x512xi32, #tpu.memory_space<vmem>>, vector<1x16xi32>,
      %swap3A_920 = vector.shape_cast %swap3A_919 : vector<1x16xi32> to vector<16xi32>
      %swap3A_921 = vector.shape_cast %add3A_913 : vector<16xi32> to vector<1x16xi32>
      tpu.vector_store %arg6[%swap3A_917, %swap3A_918], %swap3A_921 {strides = array<i32>} : memref<32x512xi32, #tpu.memory_space<vmem>>, vector<1x16xi32>,
      %add3A_922 = arith.constant 24379392 : i32
      %add3A_923 = vector.broadcast %add3A_922 : i32 to vector<16xi32>
      %add3A_924 = arith.addi %add3A_658, %add3A_923 : vector<16xi32>
      %mul3A_925 = arith.constant 16 : i32
      %mul3A_926 = arith.muli %scan3A_646, %mul3A_925 : i32
      %swap3A_927 = arith.constant 24 : i32
      %swap3A_928 = arith.index_cast %swap3A_927 : i32 to index
      %swap3A_929 = arith.index_cast %mul3A_926 : i32 to index
      %swap3A_930 = tpu.vector_load %arg6[%swap3A_928, %swap3A_929] {strides = array<i32>} : memref<32x512xi32, #tpu.memory_space<vmem>>, vector<1x16xi32>,
      %swap3A_931 = vector.shape_cast %swap3A_930 : vector<1x16xi32> to vector<16xi32>
      %swap3A_932 = vector.shape_cast %add3A_924 : vector<16xi32> to vector<1x16xi32>
      tpu.vector_store %arg6[%swap3A_928, %swap3A_929], %swap3A_932 {strides = array<i32>} : memref<32x512xi32, #tpu.memory_space<vmem>>, vector<1x16xi32>,
      %add3A_933 = arith.constant 24395776 : i32
      %add3A_934 = vector.broadcast %add3A_933 : i32 to vector<16xi32>
      %add3A_935 = arith.addi %add3A_658, %add3A_934 : vector<16xi32>
      %mul3A_936 = arith.constant 16 : i32
      %mul3A_937 = arith.muli %scan3A_646, %mul3A_936 : i32
      %swap3A_938 = arith.constant 25 : i32
      %swap3A_939 = arith.index_cast %swap3A_938 : i32 to index
      %swap3A_940 = arith.index_cast %mul3A_937 : i32 to index
      %swap3A_941 = tpu.vector_load %arg6[%swap3A_939, %swap3A_940] {strides = array<i32>} : memref<32x512xi32, #tpu.memory_space<vmem>>, vector<1x16xi32>,
      %swap3A_942 = vector.shape_cast %swap3A_941 : vector<1x16xi32> to vector<16xi32>
      %swap3A_943 = vector.shape_cast %add3A_935 : vector<16xi32> to vector<1x16xi32>
      tpu.vector_store %arg6[%swap3A_939, %swap3A_940], %swap3A_943 {strides = array<i32>} : memref<32x512xi32, #tpu.memory_space<vmem>>, vector<1x16xi32>,
      %add3A_944 = arith.constant 24412160 : i32
      %add3A_945 = vector.broadcast %add3A_944 : i32 to vector<16xi32>
      %add3A_946 = arith.addi %add3A_658, %add3A_945 : vector<16xi32>
      %mul3A_947 = arith.constant 16 : i32
      %mul3A_948 = arith.muli %scan3A_646, %mul3A_947 : i32
      %swap3A_949 = arith.constant 26 : i32
      %swap3A_950 = arith.index_cast %swap3A_949 : i32 to index
      %swap3A_951 = arith.index_cast %mul3A_948 : i32 to index
      %swap3A_952 = tpu.vector_load %arg6[%swap3A_950, %swap3A_951] {strides = array<i32>} : memref<32x512xi32, #tpu.memory_space<vmem>>, vector<1x16xi32>,
      %swap3A_953 = vector.shape_cast %swap3A_952 : vector<1x16xi32> to vector<16xi32>
      %swap3A_954 = vector.shape_cast %add3A_946 : vector<16xi32> to vector<1x16xi32>
      tpu.vector_store %arg6[%swap3A_950, %swap3A_951], %swap3A_954 {strides = array<i32>} : memref<32x512xi32, #tpu.memory_space<vmem>>, vector<1x16xi32>,
      %add3A_955 = arith.constant 24428544 : i32
      %add3A_956 = vector.broadcast %add3A_955 : i32 to vector<16xi32>
      %add3A_957 = arith.addi %add3A_658, %add3A_956 : vector<16xi32>
      %mul3A_958 = arith.constant 16 : i32
      %mul3A_959 = arith.muli %scan3A_646, %mul3A_958 : i32
      %swap3A_960 = arith.constant 27 : i32
      %swap3A_961 = arith.index_cast %swap3A_960 : i32 to index
      %swap3A_962 = arith.index_cast %mul3A_959 : i32 to index
      %swap3A_963 = tpu.vector_load %arg6[%swap3A_961, %swap3A_962] {strides = array<i32>} : memref<32x512xi32, #tpu.memory_space<vmem>>, vector<1x16xi32>,
      %swap3A_964 = vector.shape_cast %swap3A_963 : vector<1x16xi32> to vector<16xi32>
      %swap3A_965 = vector.shape_cast %add3A_957 : vector<16xi32> to vector<1x16xi32>
      tpu.vector_store %arg6[%swap3A_961, %swap3A_962], %swap3A_965 {strides = array<i32>} : memref<32x512xi32, #tpu.memory_space<vmem>>, vector<1x16xi32>,
      %add3A_966 = arith.constant 24444928 : i32
      %add3A_967 = vector.broadcast %add3A_966 : i32 to vector<16xi32>
      %add3A_968 = arith.addi %add3A_658, %add3A_967 : vector<16xi32>
      %mul3A_969 = arith.constant 16 : i32
      %mul3A_970 = arith.muli %scan3A_646, %mul3A_969 : i32
      %swap3A_971 = arith.constant 28 : i32
      %swap3A_972 = arith.index_cast %swap3A_971 : i32 to index
      %swap3A_973 = arith.index_cast %mul3A_970 : i32 to index
      %swap3A_974 = tpu.vector_load %arg6[%swap3A_972, %swap3A_973] {strides = array<i32>} : memref<32x512xi32, #tpu.memory_space<vmem>>, vector<1x16xi32>,
      %swap3A_975 = vector.shape_cast %swap3A_974 : vector<1x16xi32> to vector<16xi32>
      %swap3A_976 = vector.shape_cast %add3A_968 : vector<16xi32> to vector<1x16xi32>
      tpu.vector_store %arg6[%swap3A_972, %swap3A_973], %swap3A_976 {strides = array<i32>} : memref<32x512xi32, #tpu.memory_space<vmem>>, vector<1x16xi32>,
      %add3A_977 = arith.constant 24461312 : i32
      %add3A_978 = vector.broadcast %add3A_977 : i32 to vector<16xi32>
      %add3A_979 = arith.addi %add3A_658, %add3A_978 : vector<16xi32>
      %mul3A_980 = arith.constant 16 : i32
      %mul3A_981 = arith.muli %scan3A_646, %mul3A_980 : i32
      %swap3A_982 = arith.constant 29 : i32
      %swap3A_983 = arith.index_cast %swap3A_982 : i32 to index
      %swap3A_984 = arith.index_cast %mul3A_981 : i32 to index
      %swap3A_985 = tpu.vector_load %arg6[%swap3A_983, %swap3A_984] {strides = array<i32>} : memref<32x512xi32, #tpu.memory_space<vmem>>, vector<1x16xi32>,
      %swap3A_986 = vector.shape_cast %swap3A_985 : vector<1x16xi32> to vector<16xi32>
      %swap3A_987 = vector.shape_cast %add3A_979 : vector<16xi32> to vector<1x16xi32>
      tpu.vector_store %arg6[%swap3A_983, %swap3A_984], %swap3A_987 {strides = array<i32>} : memref<32x512xi32, #tpu.memory_space<vmem>>, vector<1x16xi32>,
      %add3A_988 = arith.constant 24477696 : i32
      %add3A_989 = vector.broadcast %add3A_988 : i32 to vector<16xi32>
      %add3A_990 = arith.addi %add3A_658, %add3A_989 : vector<16xi32>
      %mul3A_991 = arith.constant 16 : i32
      %mul3A_992 = arith.muli %scan3A_646, %mul3A_991 : i32
      %swap3A_993 = arith.constant 30 : i32
      %swap3A_994 = arith.index_cast %swap3A_993 : i32 to index
      %swap3A_995 = arith.index_cast %mul3A_992 : i32 to index
      %swap3A_996 = tpu.vector_load %arg6[%swap3A_994, %swap3A_995] {strides = array<i32>} : memref<32x512xi32, #tpu.memory_space<vmem>>, vector<1x16xi32>,
      %swap3A_997 = vector.shape_cast %swap3A_996 : vector<1x16xi32> to vector<16xi32>
      %swap3A_998 = vector.shape_cast %add3A_990 : vector<16xi32> to vector<1x16xi32>
      tpu.vector_store %arg6[%swap3A_994, %swap3A_995], %swap3A_998 {strides = array<i32>} : memref<32x512xi32, #tpu.memory_space<vmem>>, vector<1x16xi32>,
      %add3A_999 = arith.constant 24494080 : i32
      %add3A_1000 = vector.broadcast %add3A_999 : i32 to vector<16xi32>
      %add3A_1001 = arith.addi %add3A_658, %add3A_1000 : vector<16xi32>
      %mul3A_1002 = arith.constant 16 : i32
      %mul3A_1003 = arith.muli %scan3A_646, %mul3A_1002 : i32
      %swap3A_1004 = arith.constant 31 : i32
      %swap3A_1005 = arith.index_cast %swap3A_1004 : i32 to index
      %swap3A_1006 = arith.index_cast %mul3A_1003 : i32 to index
      %swap3A_1007 = tpu.vector_load %arg6[%swap3A_1005, %swap3A_1006] {strides = array<i32>} : memref<32x512xi32, #tpu.memory_space<vmem>>, vector<1x16xi32>,
      %swap3A_1008 = vector.shape_cast %swap3A_1007 : vector<1x16xi32> to vector<16xi32>
      %swap3A_1009 = vector.shape_cast %add3A_1001 : vector<16xi32> to vector<1x16xi32>
      tpu.vector_store %arg6[%swap3A_1005, %swap3A_1006], %swap3A_1009 {strides = array<i32>} : memref<32x512xi32, #tpu.memory_space<vmem>>, vector<1x16xi32>,
    }
    %scan3A_7 = arith.constant 32 : i32
    %dma_start3A = arith.constant 0 : i32
    %dma_start3A_8 = arith.constant 0 : i32
    %dma_start3A_9 = arith.constant 0 : i32
    %dma_start3A_10 = tpu.memref_slice %arg7[%dma_start3A_8, %dma_start3A_9] : memref<32x512xf32, #tpu.memory_space<vmem>> -> memref<1x512xf32, #tpu.memory_space<vmem>>
    %dma_start3A_11 = tpu.memref_squeeze %dma_start3A_10 : memref<1x512xf32, #tpu.memory_space<vmem>> -> memref<512xf32, #tpu.memory_space<vmem>>
    %dma_start3A_12 = arith.constant 0 : i32
    %dma_start3A_13 = tpu.memref_slice %arg6[%dma_start3A, %dma_start3A_12] : memref<32x512xi32, #tpu.memory_space<vmem>> -> memref<1x512xi32, #tpu.memory_space<vmem>>
    %dma_start3A_14 = tpu.memref_squeeze %dma_start3A_13 : memref<1x512xi32, #tpu.memory_space<vmem>> -> memref<512xi32, #tpu.memory_space<vmem>>
    %dma_start3A_15 = arith.constant 0 : i32
    %dma_start3A_16 = tpu.memref_slice %arg3[%dma_start3A_15] : memref<32505856xf32, #tpu.memory_space<hbm>> -> memref<32505856xf32, #tpu.memory_space<hbm>>
    tpu.enqueue_indirect_dma source(%dma_start3A_16 : memref<32505856xf32, #tpu.memory_space<hbm>>) target(%dma_start3A_11 : memref<512xf32, #tpu.memory_space<vmem>>) offsets(%dma_start3A_14 : memref<512xi32, #tpu.memory_space<vmem>>) semaphore(%arg8 : memref<!tpu.dma_semaphore, #tpu.memory_space<semaphore_mem>>)
    %dma_start3A_17 = arith.constant 1 : i32
    %dma_start3A_18 = arith.constant 1 : i32
    %dma_start3A_19 = arith.constant 0 : i32
    %dma_start3A_20 = tpu.memref_slice %arg7[%dma_start3A_18, %dma_start3A_19] : memref<32x512xf32, #tpu.memory_space<vmem>> -> memref<1x512xf32, #tpu.memory_space<vmem>>
    %dma_start3A_21 = tpu.memref_squeeze %dma_start3A_20 : memref<1x512xf32, #tpu.memory_space<vmem>> -> memref<512xf32, #tpu.memory_space<vmem>>
    %dma_start3A_22 = arith.constant 0 : i32
    %dma_start3A_23 = tpu.memref_slice %arg6[%dma_start3A_17, %dma_start3A_22] : memref<32x512xi32, #tpu.memory_space<vmem>> -> memref<1x512xi32, #tpu.memory_space<vmem>>
    %dma_start3A_24 = tpu.memref_squeeze %dma_start3A_23 : memref<1x512xi32, #tpu.memory_space<vmem>> -> memref<512xi32, #tpu.memory_space<vmem>>
    %dma_start3A_25 = arith.constant 0 : i32
    %dma_start3A_26 = tpu.memref_slice %arg3[%dma_start3A_25] : memref<32505856xf32, #tpu.memory_space<hbm>> -> memref<32505856xf32, #tpu.memory_space<hbm>>
    tpu.enqueue_indirect_dma source(%dma_start3A_26 : memref<32505856xf32, #tpu.memory_space<hbm>>) target(%dma_start3A_21 : memref<512xf32, #tpu.memory_space<vmem>>) offsets(%dma_start3A_24 : memref<512xi32, #tpu.memory_space<vmem>>) semaphore(%arg8 : memref<!tpu.dma_semaphore, #tpu.memory_space<semaphore_mem>>)
    %dma_start3A_27 = arith.constant 2 : i32
    %dma_start3A_28 = arith.constant 2 : i32
    %dma_start3A_29 = arith.constant 0 : i32
    %dma_start3A_30 = tpu.memref_slice %arg7[%dma_start3A_28, %dma_start3A_29] : memref<32x512xf32, #tpu.memory_space<vmem>> -> memref<1x512xf32, #tpu.memory_space<vmem>>
    %dma_start3A_31 = tpu.memref_squeeze %dma_start3A_30 : memref<1x512xf32, #tpu.memory_space<vmem>> -> memref<512xf32, #tpu.memory_space<vmem>>
    %dma_start3A_32 = arith.constant 0 : i32
    %dma_start3A_33 = tpu.memref_slice %arg6[%dma_start3A_27, %dma_start3A_32] : memref<32x512xi32, #tpu.memory_space<vmem>> -> memref<1x512xi32, #tpu.memory_space<vmem>>
    %dma_start3A_34 = tpu.memref_squeeze %dma_start3A_33 : memref<1x512xi32, #tpu.memory_space<vmem>> -> memref<512xi32, #tpu.memory_space<vmem>>
    %dma_start3A_35 = arith.constant 0 : i32
    %dma_start3A_36 = tpu.memref_slice %arg3[%dma_start3A_35] : memref<32505856xf32, #tpu.memory_space<hbm>> -> memref<32505856xf32, #tpu.memory_space<hbm>>
    tpu.enqueue_indirect_dma source(%dma_start3A_36 : memref<32505856xf32, #tpu.memory_space<hbm>>) target(%dma_start3A_31 : memref<512xf32, #tpu.memory_space<vmem>>) offsets(%dma_start3A_34 : memref<512xi32, #tpu.memory_space<vmem>>) semaphore(%arg8 : memref<!tpu.dma_semaphore, #tpu.memory_space<semaphore_mem>>)
    %dma_start3A_37 = arith.constant 3 : i32
    %dma_start3A_38 = arith.constant 3 : i32
    %dma_start3A_39 = arith.constant 0 : i32
    %dma_start3A_40 = tpu.memref_slice %arg7[%dma_start3A_38, %dma_start3A_39] : memref<32x512xf32, #tpu.memory_space<vmem>> -> memref<1x512xf32, #tpu.memory_space<vmem>>
    %dma_start3A_41 = tpu.memref_squeeze %dma_start3A_40 : memref<1x512xf32, #tpu.memory_space<vmem>> -> memref<512xf32, #tpu.memory_space<vmem>>
    %dma_start3A_42 = arith.constant 0 : i32
    %dma_start3A_43 = tpu.memref_slice %arg6[%dma_start3A_37, %dma_start3A_42] : memref<32x512xi32, #tpu.memory_space<vmem>> -> memref<1x512xi32, #tpu.memory_space<vmem>>
    %dma_start3A_44 = tpu.memref_squeeze %dma_start3A_43 : memref<1x512xi32, #tpu.memory_space<vmem>> -> memref<512xi32, #tpu.memory_space<vmem>>
    %dma_start3A_45 = arith.constant 0 : i32
    %dma_start3A_46 = tpu.memref_slice %arg3[%dma_start3A_45] : memref<32505856xf32, #tpu.memory_space<hbm>> -> memref<32505856xf32, #tpu.memory_space<hbm>>
    tpu.enqueue_indirect_dma source(%dma_start3A_46 : memref<32505856xf32, #tpu.memory_space<hbm>>) target(%dma_start3A_41 : memref<512xf32, #tpu.memory_space<vmem>>) offsets(%dma_start3A_44 : memref<512xi32, #tpu.memory_space<vmem>>) semaphore(%arg8 : memref<!tpu.dma_semaphore, #tpu.memory_space<semaphore_mem>>)
    %dma_start3A_47 = arith.constant 4 : i32
    %dma_start3A_48 = arith.constant 4 : i32
    %dma_start3A_49 = arith.constant 0 : i32
    %dma_start3A_50 = tpu.memref_slice %arg7[%dma_start3A_48, %dma_start3A_49] : memref<32x512xf32, #tpu.memory_space<vmem>> -> memref<1x512xf32, #tpu.memory_space<vmem>>
    %dma_start3A_51 = tpu.memref_squeeze %dma_start3A_50 : memref<1x512xf32, #tpu.memory_space<vmem>> -> memref<512xf32, #tpu.memory_space<vmem>>
    %dma_start3A_52 = arith.constant 0 : i32
    %dma_start3A_53 = tpu.memref_slice %arg6[%dma_start3A_47, %dma_start3A_52] : memref<32x512xi32, #tpu.memory_space<vmem>> -> memref<1x512xi32, #tpu.memory_space<vmem>>
    %dma_start3A_54 = tpu.memref_squeeze %dma_start3A_53 : memref<1x512xi32, #tpu.memory_space<vmem>> -> memref<512xi32, #tpu.memory_space<vmem>>
    %dma_start3A_55 = arith.constant 0 : i32
    %dma_start3A_56 = tpu.memref_slice %arg3[%dma_start3A_55] : memref<32505856xf32, #tpu.memory_space<hbm>> -> memref<32505856xf32, #tpu.memory_space<hbm>>
    tpu.enqueue_indirect_dma source(%dma_start3A_56 : memref<32505856xf32, #tpu.memory_space<hbm>>) target(%dma_start3A_51 : memref<512xf32, #tpu.memory_space<vmem>>) offsets(%dma_start3A_54 : memref<512xi32, #tpu.memory_space<vmem>>) semaphore(%arg8 : memref<!tpu.dma_semaphore, #tpu.memory_space<semaphore_mem>>)
    %dma_start3A_57 = arith.constant 5 : i32
    %dma_start3A_58 = arith.constant 5 : i32
    %dma_start3A_59 = arith.constant 0 : i32
    %dma_start3A_60 = tpu.memref_slice %arg7[%dma_start3A_58, %dma_start3A_59] : memref<32x512xf32, #tpu.memory_space<vmem>> -> memref<1x512xf32, #tpu.memory_space<vmem>>
    %dma_start3A_61 = tpu.memref_squeeze %dma_start3A_60 : memref<1x512xf32, #tpu.memory_space<vmem>> -> memref<512xf32, #tpu.memory_space<vmem>>
    %dma_start3A_62 = arith.constant 0 : i32
    %dma_start3A_63 = tpu.memref_slice %arg6[%dma_start3A_57, %dma_start3A_62] : memref<32x512xi32, #tpu.memory_space<vmem>> -> memref<1x512xi32, #tpu.memory_space<vmem>>
    %dma_start3A_64 = tpu.memref_squeeze %dma_start3A_63 : memref<1x512xi32, #tpu.memory_space<vmem>> -> memref<512xi32, #tpu.memory_space<vmem>>
    %dma_start3A_65 = arith.constant 0 : i32
    %dma_start3A_66 = tpu.memref_slice %arg3[%dma_start3A_65] : memref<32505856xf32, #tpu.memory_space<hbm>> -> memref<32505856xf32, #tpu.memory_space<hbm>>
    tpu.enqueue_indirect_dma source(%dma_start3A_66 : memref<32505856xf32, #tpu.memory_space<hbm>>) target(%dma_start3A_61 : memref<512xf32, #tpu.memory_space<vmem>>) offsets(%dma_start3A_64 : memref<512xi32, #tpu.memory_space<vmem>>) semaphore(%arg8 : memref<!tpu.dma_semaphore, #tpu.memory_space<semaphore_mem>>)
    %dma_start3A_67 = arith.constant 6 : i32
    %dma_start3A_68 = arith.constant 6 : i32
    %dma_start3A_69 = arith.constant 0 : i32
    %dma_start3A_70 = tpu.memref_slice %arg7[%dma_start3A_68, %dma_start3A_69] : memref<32x512xf32, #tpu.memory_space<vmem>> -> memref<1x512xf32, #tpu.memory_space<vmem>>
    %dma_start3A_71 = tpu.memref_squeeze %dma_start3A_70 : memref<1x512xf32, #tpu.memory_space<vmem>> -> memref<512xf32, #tpu.memory_space<vmem>>
    %dma_start3A_72 = arith.constant 0 : i32
    %dma_start3A_73 = tpu.memref_slice %arg6[%dma_start3A_67, %dma_start3A_72] : memref<32x512xi32, #tpu.memory_space<vmem>> -> memref<1x512xi32, #tpu.memory_space<vmem>>
    %dma_start3A_74 = tpu.memref_squeeze %dma_start3A_73 : memref<1x512xi32, #tpu.memory_space<vmem>> -> memref<512xi32, #tpu.memory_space<vmem>>
    %dma_start3A_75 = arith.constant 0 : i32
    %dma_start3A_76 = tpu.memref_slice %arg3[%dma_start3A_75] : memref<32505856xf32, #tpu.memory_space<hbm>> -> memref<32505856xf32, #tpu.memory_space<hbm>>
    tpu.enqueue_indirect_dma source(%dma_start3A_76 : memref<32505856xf32, #tpu.memory_space<hbm>>) target(%dma_start3A_71 : memref<512xf32, #tpu.memory_space<vmem>>) offsets(%dma_start3A_74 : memref<512xi32, #tpu.memory_space<vmem>>) semaphore(%arg8 : memref<!tpu.dma_semaphore, #tpu.memory_space<semaphore_mem>>)
    %dma_start3A_77 = arith.constant 7 : i32
    %dma_start3A_78 = arith.constant 7 : i32
    %dma_start3A_79 = arith.constant 0 : i32
    %dma_start3A_80 = tpu.memref_slice %arg7[%dma_start3A_78, %dma_start3A_79] : memref<32x512xf32, #tpu.memory_space<vmem>> -> memref<1x512xf32, #tpu.memory_space<vmem>>
    %dma_start3A_81 = tpu.memref_squeeze %dma_start3A_80 : memref<1x512xf32, #tpu.memory_space<vmem>> -> memref<512xf32, #tpu.memory_space<vmem>>
    %dma_start3A_82 = arith.constant 0 : i32
    %dma_start3A_83 = tpu.memref_slice %arg6[%dma_start3A_77, %dma_start3A_82] : memref<32x512xi32, #tpu.memory_space<vmem>> -> memref<1x512xi32, #tpu.memory_space<vmem>>
    %dma_start3A_84 = tpu.memref_squeeze %dma_start3A_83 : memref<1x512xi32, #tpu.memory_space<vmem>> -> memref<512xi32, #tpu.memory_space<vmem>>
    %dma_start3A_85 = arith.constant 0 : i32
    %dma_start3A_86 = tpu.memref_slice %arg3[%dma_start3A_85] : memref<32505856xf32, #tpu.memory_space<hbm>> -> memref<32505856xf32, #tpu.memory_space<hbm>>
    tpu.enqueue_indirect_dma source(%dma_start3A_86 : memref<32505856xf32, #tpu.memory_space<hbm>>) target(%dma_start3A_81 : memref<512xf32, #tpu.memory_space<vmem>>) offsets(%dma_start3A_84 : memref<512xi32, #tpu.memory_space<vmem>>) semaphore(%arg8 : memref<!tpu.dma_semaphore, #tpu.memory_space<semaphore_mem>>)
    %dma_start3A_87 = arith.constant 8 : i32
    %dma_start3A_88 = arith.constant 8 : i32
    %dma_start3A_89 = arith.constant 0 : i32
    %dma_start3A_90 = tpu.memref_slice %arg7[%dma_start3A_88, %dma_start3A_89] : memref<32x512xf32, #tpu.memory_space<vmem>> -> memref<1x512xf32, #tpu.memory_space<vmem>>
    %dma_start3A_91 = tpu.memref_squeeze %dma_start3A_90 : memref<1x512xf32, #tpu.memory_space<vmem>> -> memref<512xf32, #tpu.memory_space<vmem>>
    %dma_start3A_92 = arith.constant 0 : i32
    %dma_start3A_93 = tpu.memref_slice %arg6[%dma_start3A_87, %dma_start3A_92] : memref<32x512xi32, #tpu.memory_space<vmem>> -> memref<1x512xi32, #tpu.memory_space<vmem>>
    %dma_start3A_94 = tpu.memref_squeeze %dma_start3A_93 : memref<1x512xi32, #tpu.memory_space<vmem>> -> memref<512xi32, #tpu.memory_space<vmem>>
    %dma_start3A_95 = arith.constant 0 : i32
    %dma_start3A_96 = tpu.memref_slice %arg3[%dma_start3A_95] : memref<32505856xf32, #tpu.memory_space<hbm>> -> memref<32505856xf32, #tpu.memory_space<hbm>>
    tpu.enqueue_indirect_dma source(%dma_start3A_96 : memref<32505856xf32, #tpu.memory_space<hbm>>) target(%dma_start3A_91 : memref<512xf32, #tpu.memory_space<vmem>>) offsets(%dma_start3A_94 : memref<512xi32, #tpu.memory_space<vmem>>) semaphore(%arg8 : memref<!tpu.dma_semaphore, #tpu.memory_space<semaphore_mem>>)
    %dma_start3A_97 = arith.constant 9 : i32
    %dma_start3A_98 = arith.constant 9 : i32
    %dma_start3A_99 = arith.constant 0 : i32
    %dma_start3A_100 = tpu.memref_slice %arg7[%dma_start3A_98, %dma_start3A_99] : memref<32x512xf32, #tpu.memory_space<vmem>> -> memref<1x512xf32, #tpu.memory_space<vmem>>
    %dma_start3A_101 = tpu.memref_squeeze %dma_start3A_100 : memref<1x512xf32, #tpu.memory_space<vmem>> -> memref<512xf32, #tpu.memory_space<vmem>>
    %dma_start3A_102 = arith.constant 0 : i32
    %dma_start3A_103 = tpu.memref_slice %arg6[%dma_start3A_97, %dma_start3A_102] : memref<32x512xi32, #tpu.memory_space<vmem>> -> memref<1x512xi32, #tpu.memory_space<vmem>>
    %dma_start3A_104 = tpu.memref_squeeze %dma_start3A_103 : memref<1x512xi32, #tpu.memory_space<vmem>> -> memref<512xi32, #tpu.memory_space<vmem>>
    %dma_start3A_105 = arith.constant 0 : i32
    %dma_start3A_106 = tpu.memref_slice %arg3[%dma_start3A_105] : memref<32505856xf32, #tpu.memory_space<hbm>> -> memref<32505856xf32, #tpu.memory_space<hbm>>
    tpu.enqueue_indirect_dma source(%dma_start3A_106 : memref<32505856xf32, #tpu.memory_space<hbm>>) target(%dma_start3A_101 : memref<512xf32, #tpu.memory_space<vmem>>) offsets(%dma_start3A_104 : memref<512xi32, #tpu.memory_space<vmem>>) semaphore(%arg8 : memref<!tpu.dma_semaphore, #tpu.memory_space<semaphore_mem>>)
    %dma_start3A_107 = arith.constant 10 : i32
    %dma_start3A_108 = arith.constant 10 : i32
    %dma_start3A_109 = arith.constant 0 : i32
    %dma_start3A_110 = tpu.memref_slice %arg7[%dma_start3A_108, %dma_start3A_109] : memref<32x512xf32, #tpu.memory_space<vmem>> -> memref<1x512xf32, #tpu.memory_space<vmem>>
    %dma_start3A_111 = tpu.memref_squeeze %dma_start3A_110 : memref<1x512xf32, #tpu.memory_space<vmem>> -> memref<512xf32, #tpu.memory_space<vmem>>
    %dma_start3A_112 = arith.constant 0 : i32
    %dma_start3A_113 = tpu.memref_slice %arg6[%dma_start3A_107, %dma_start3A_112] : memref<32x512xi32, #tpu.memory_space<vmem>> -> memref<1x512xi32, #tpu.memory_space<vmem>>
    %dma_start3A_114 = tpu.memref_squeeze %dma_start3A_113 : memref<1x512xi32, #tpu.memory_space<vmem>> -> memref<512xi32, #tpu.memory_space<vmem>>
    %dma_start3A_115 = arith.constant 0 : i32
    %dma_start3A_116 = tpu.memref_slice %arg3[%dma_start3A_115] : memref<32505856xf32, #tpu.memory_space<hbm>> -> memref<32505856xf32, #tpu.memory_space<hbm>>
    tpu.enqueue_indirect_dma source(%dma_start3A_116 : memref<32505856xf32, #tpu.memory_space<hbm>>) target(%dma_start3A_111 : memref<512xf32, #tpu.memory_space<vmem>>) offsets(%dma_start3A_114 : memref<512xi32, #tpu.memory_space<vmem>>) semaphore(%arg8 : memref<!tpu.dma_semaphore, #tpu.memory_space<semaphore_mem>>)
    %dma_start3A_117 = arith.constant 11 : i32
    %dma_start3A_118 = arith.constant 11 : i32
    %dma_start3A_119 = arith.constant 0 : i32
    %dma_start3A_120 = tpu.memref_slice %arg7[%dma_start3A_118, %dma_start3A_119] : memref<32x512xf32, #tpu.memory_space<vmem>> -> memref<1x512xf32, #tpu.memory_space<vmem>>
    %dma_start3A_121 = tpu.memref_squeeze %dma_start3A_120 : memref<1x512xf32, #tpu.memory_space<vmem>> -> memref<512xf32, #tpu.memory_space<vmem>>
    %dma_start3A_122 = arith.constant 0 : i32
    %dma_start3A_123 = tpu.memref_slice %arg6[%dma_start3A_117, %dma_start3A_122] : memref<32x512xi32, #tpu.memory_space<vmem>> -> memref<1x512xi32, #tpu.memory_space<vmem>>
    %dma_start3A_124 = tpu.memref_squeeze %dma_start3A_123 : memref<1x512xi32, #tpu.memory_space<vmem>> -> memref<512xi32, #tpu.memory_space<vmem>>
    %dma_start3A_125 = arith.constant 0 : i32
    %dma_start3A_126 = tpu.memref_slice %arg3[%dma_start3A_125] : memref<32505856xf32, #tpu.memory_space<hbm>> -> memref<32505856xf32, #tpu.memory_space<hbm>>
    tpu.enqueue_indirect_dma source(%dma_start3A_126 : memref<32505856xf32, #tpu.memory_space<hbm>>) target(%dma_start3A_121 : memref<512xf32, #tpu.memory_space<vmem>>) offsets(%dma_start3A_124 : memref<512xi32, #tpu.memory_space<vmem>>) semaphore(%arg8 : memref<!tpu.dma_semaphore, #tpu.memory_space<semaphore_mem>>)
    %dma_start3A_127 = arith.constant 12 : i32
    %dma_start3A_128 = arith.constant 12 : i32
    %dma_start3A_129 = arith.constant 0 : i32
    %dma_start3A_130 = tpu.memref_slice %arg7[%dma_start3A_128, %dma_start3A_129] : memref<32x512xf32, #tpu.memory_space<vmem>> -> memref<1x512xf32, #tpu.memory_space<vmem>>
    %dma_start3A_131 = tpu.memref_squeeze %dma_start3A_130 : memref<1x512xf32, #tpu.memory_space<vmem>> -> memref<512xf32, #tpu.memory_space<vmem>>
    %dma_start3A_132 = arith.constant 0 : i32
    %dma_start3A_133 = tpu.memref_slice %arg6[%dma_start3A_127, %dma_start3A_132] : memref<32x512xi32, #tpu.memory_space<vmem>> -> memref<1x512xi32, #tpu.memory_space<vmem>>
    %dma_start3A_134 = tpu.memref_squeeze %dma_start3A_133 : memref<1x512xi32, #tpu.memory_space<vmem>> -> memref<512xi32, #tpu.memory_space<vmem>>
    %dma_start3A_135 = arith.constant 0 : i32
    %dma_start3A_136 = tpu.memref_slice %arg3[%dma_start3A_135] : memref<32505856xf32, #tpu.memory_space<hbm>> -> memref<32505856xf32, #tpu.memory_space<hbm>>
    tpu.enqueue_indirect_dma source(%dma_start3A_136 : memref<32505856xf32, #tpu.memory_space<hbm>>) target(%dma_start3A_131 : memref<512xf32, #tpu.memory_space<vmem>>) offsets(%dma_start3A_134 : memref<512xi32, #tpu.memory_space<vmem>>) semaphore(%arg8 : memref<!tpu.dma_semaphore, #tpu.memory_space<semaphore_mem>>)
    %dma_start3A_137 = arith.constant 13 : i32
    %dma_start3A_138 = arith.constant 13 : i32
    %dma_start3A_139 = arith.constant 0 : i32
    %dma_start3A_140 = tpu.memref_slice %arg7[%dma_start3A_138, %dma_start3A_139] : memref<32x512xf32, #tpu.memory_space<vmem>> -> memref<1x512xf32, #tpu.memory_space<vmem>>
    %dma_start3A_141 = tpu.memref_squeeze %dma_start3A_140 : memref<1x512xf32, #tpu.memory_space<vmem>> -> memref<512xf32, #tpu.memory_space<vmem>>
    %dma_start3A_142 = arith.constant 0 : i32
    %dma_start3A_143 = tpu.memref_slice %arg6[%dma_start3A_137, %dma_start3A_142] : memref<32x512xi32, #tpu.memory_space<vmem>> -> memref<1x512xi32, #tpu.memory_space<vmem>>
    %dma_start3A_144 = tpu.memref_squeeze %dma_start3A_143 : memref<1x512xi32, #tpu.memory_space<vmem>> -> memref<512xi32, #tpu.memory_space<vmem>>
    %dma_start3A_145 = arith.constant 0 : i32
    %dma_start3A_146 = tpu.memref_slice %arg3[%dma_start3A_145] : memref<32505856xf32, #tpu.memory_space<hbm>> -> memref<32505856xf32, #tpu.memory_space<hbm>>
    tpu.enqueue_indirect_dma source(%dma_start3A_146 : memref<32505856xf32, #tpu.memory_space<hbm>>) target(%dma_start3A_141 : memref<512xf32, #tpu.memory_space<vmem>>) offsets(%dma_start3A_144 : memref<512xi32, #tpu.memory_space<vmem>>) semaphore(%arg8 : memref<!tpu.dma_semaphore, #tpu.memory_space<semaphore_mem>>)
    %dma_start3A_147 = arith.constant 14 : i32
    %dma_start3A_148 = arith.constant 14 : i32
    %dma_start3A_149 = arith.constant 0 : i32
    %dma_start3A_150 = tpu.memref_slice %arg7[%dma_start3A_148, %dma_start3A_149] : memref<32x512xf32, #tpu.memory_space<vmem>> -> memref<1x512xf32, #tpu.memory_space<vmem>>
    %dma_start3A_151 = tpu.memref_squeeze %dma_start3A_150 : memref<1x512xf32, #tpu.memory_space<vmem>> -> memref<512xf32, #tpu.memory_space<vmem>>
    %dma_start3A_152 = arith.constant 0 : i32
    %dma_start3A_153 = tpu.memref_slice %arg6[%dma_start3A_147, %dma_start3A_152] : memref<32x512xi32, #tpu.memory_space<vmem>> -> memref<1x512xi32, #tpu.memory_space<vmem>>
    %dma_start3A_154 = tpu.memref_squeeze %dma_start3A_153 : memref<1x512xi32, #tpu.memory_space<vmem>> -> memref<512xi32, #tpu.memory_space<vmem>>
    %dma_start3A_155 = arith.constant 0 : i32
    %dma_start3A_156 = tpu.memref_slice %arg3[%dma_start3A_155] : memref<32505856xf32, #tpu.memory_space<hbm>> -> memref<32505856xf32, #tpu.memory_space<hbm>>
    tpu.enqueue_indirect_dma source(%dma_start3A_156 : memref<32505856xf32, #tpu.memory_space<hbm>>) target(%dma_start3A_151 : memref<512xf32, #tpu.memory_space<vmem>>) offsets(%dma_start3A_154 : memref<512xi32, #tpu.memory_space<vmem>>) semaphore(%arg8 : memref<!tpu.dma_semaphore, #tpu.memory_space<semaphore_mem>>)
    %dma_start3A_157 = arith.constant 15 : i32
    %dma_start3A_158 = arith.constant 15 : i32
    %dma_start3A_159 = arith.constant 0 : i32
    %dma_start3A_160 = tpu.memref_slice %arg7[%dma_start3A_158, %dma_start3A_159] : memref<32x512xf32, #tpu.memory_space<vmem>> -> memref<1x512xf32, #tpu.memory_space<vmem>>
    %dma_start3A_161 = tpu.memref_squeeze %dma_start3A_160 : memref<1x512xf32, #tpu.memory_space<vmem>> -> memref<512xf32, #tpu.memory_space<vmem>>
    %dma_start3A_162 = arith.constant 0 : i32
    %dma_start3A_163 = tpu.memref_slice %arg6[%dma_start3A_157, %dma_start3A_162] : memref<32x512xi32, #tpu.memory_space<vmem>> -> memref<1x512xi32, #tpu.memory_space<vmem>>
    %dma_start3A_164 = tpu.memref_squeeze %dma_start3A_163 : memref<1x512xi32, #tpu.memory_space<vmem>> -> memref<512xi32, #tpu.memory_space<vmem>>
    %dma_start3A_165 = arith.constant 0 : i32
    %dma_start3A_166 = tpu.memref_slice %arg3[%dma_start3A_165] : memref<32505856xf32, #tpu.memory_space<hbm>> -> memref<32505856xf32, #tpu.memory_space<hbm>>
    tpu.enqueue_indirect_dma source(%dma_start3A_166 : memref<32505856xf32, #tpu.memory_space<hbm>>) target(%dma_start3A_161 : memref<512xf32, #tpu.memory_space<vmem>>) offsets(%dma_start3A_164 : memref<512xi32, #tpu.memory_space<vmem>>) semaphore(%arg8 : memref<!tpu.dma_semaphore, #tpu.memory_space<semaphore_mem>>)
    %dma_start3A_167 = arith.constant 16 : i32
    %dma_start3A_168 = arith.constant 16 : i32
    %dma_start3A_169 = arith.constant 0 : i32
    %dma_start3A_170 = tpu.memref_slice %arg7[%dma_start3A_168, %dma_start3A_169] : memref<32x512xf32, #tpu.memory_space<vmem>> -> memref<1x512xf32, #tpu.memory_space<vmem>>
    %dma_start3A_171 = tpu.memref_squeeze %dma_start3A_170 : memref<1x512xf32, #tpu.memory_space<vmem>> -> memref<512xf32, #tpu.memory_space<vmem>>
    %dma_start3A_172 = arith.constant 0 : i32
    %dma_start3A_173 = tpu.memref_slice %arg6[%dma_start3A_167, %dma_start3A_172] : memref<32x512xi32, #tpu.memory_space<vmem>> -> memref<1x512xi32, #tpu.memory_space<vmem>>
    %dma_start3A_174 = tpu.memref_squeeze %dma_start3A_173 : memref<1x512xi32, #tpu.memory_space<vmem>> -> memref<512xi32, #tpu.memory_space<vmem>>
    %dma_start3A_175 = arith.constant 0 : i32
    %dma_start3A_176 = tpu.memref_slice %arg3[%dma_start3A_175] : memref<32505856xf32, #tpu.memory_space<hbm>> -> memref<32505856xf32, #tpu.memory_space<hbm>>
    tpu.enqueue_indirect_dma source(%dma_start3A_176 : memref<32505856xf32, #tpu.memory_space<hbm>>) target(%dma_start3A_171 : memref<512xf32, #tpu.memory_space<vmem>>) offsets(%dma_start3A_174 : memref<512xi32, #tpu.memory_space<vmem>>) semaphore(%arg8 : memref<!tpu.dma_semaphore, #tpu.memory_space<semaphore_mem>>)
    %dma_start3A_177 = arith.constant 17 : i32
    %dma_start3A_178 = arith.constant 17 : i32
    %dma_start3A_179 = arith.constant 0 : i32
    %dma_start3A_180 = tpu.memref_slice %arg7[%dma_start3A_178, %dma_start3A_179] : memref<32x512xf32, #tpu.memory_space<vmem>> -> memref<1x512xf32, #tpu.memory_space<vmem>>
    %dma_start3A_181 = tpu.memref_squeeze %dma_start3A_180 : memref<1x512xf32, #tpu.memory_space<vmem>> -> memref<512xf32, #tpu.memory_space<vmem>>
    %dma_start3A_182 = arith.constant 0 : i32
    %dma_start3A_183 = tpu.memref_slice %arg6[%dma_start3A_177, %dma_start3A_182] : memref<32x512xi32, #tpu.memory_space<vmem>> -> memref<1x512xi32, #tpu.memory_space<vmem>>
    %dma_start3A_184 = tpu.memref_squeeze %dma_start3A_183 : memref<1x512xi32, #tpu.memory_space<vmem>> -> memref<512xi32, #tpu.memory_space<vmem>>
    %dma_start3A_185 = arith.constant 0 : i32
    %dma_start3A_186 = tpu.memref_slice %arg3[%dma_start3A_185] : memref<32505856xf32, #tpu.memory_space<hbm>> -> memref<32505856xf32, #tpu.memory_space<hbm>>
    tpu.enqueue_indirect_dma source(%dma_start3A_186 : memref<32505856xf32, #tpu.memory_space<hbm>>) target(%dma_start3A_181 : memref<512xf32, #tpu.memory_space<vmem>>) offsets(%dma_start3A_184 : memref<512xi32, #tpu.memory_space<vmem>>) semaphore(%arg8 : memref<!tpu.dma_semaphore, #tpu.memory_space<semaphore_mem>>)
    %dma_start3A_187 = arith.constant 18 : i32
    %dma_start3A_188 = arith.constant 18 : i32
    %dma_start3A_189 = arith.constant 0 : i32
    %dma_start3A_190 = tpu.memref_slice %arg7[%dma_start3A_188, %dma_start3A_189] : memref<32x512xf32, #tpu.memory_space<vmem>> -> memref<1x512xf32, #tpu.memory_space<vmem>>
    %dma_start3A_191 = tpu.memref_squeeze %dma_start3A_190 : memref<1x512xf32, #tpu.memory_space<vmem>> -> memref<512xf32, #tpu.memory_space<vmem>>
    %dma_start3A_192 = arith.constant 0 : i32
    %dma_start3A_193 = tpu.memref_slice %arg6[%dma_start3A_187, %dma_start3A_192] : memref<32x512xi32, #tpu.memory_space<vmem>> -> memref<1x512xi32, #tpu.memory_space<vmem>>
    %dma_start3A_194 = tpu.memref_squeeze %dma_start3A_193 : memref<1x512xi32, #tpu.memory_space<vmem>> -> memref<512xi32, #tpu.memory_space<vmem>>
    %dma_start3A_195 = arith.constant 0 : i32
    %dma_start3A_196 = tpu.memref_slice %arg3[%dma_start3A_195] : memref<32505856xf32, #tpu.memory_space<hbm>> -> memref<32505856xf32, #tpu.memory_space<hbm>>
    tpu.enqueue_indirect_dma source(%dma_start3A_196 : memref<32505856xf32, #tpu.memory_space<hbm>>) target(%dma_start3A_191 : memref<512xf32, #tpu.memory_space<vmem>>) offsets(%dma_start3A_194 : memref<512xi32, #tpu.memory_space<vmem>>) semaphore(%arg8 : memref<!tpu.dma_semaphore, #tpu.memory_space<semaphore_mem>>)
    %dma_start3A_197 = arith.constant 19 : i32
    %dma_start3A_198 = arith.constant 19 : i32
    %dma_start3A_199 = arith.constant 0 : i32
    %dma_start3A_200 = tpu.memref_slice %arg7[%dma_start3A_198, %dma_start3A_199] : memref<32x512xf32, #tpu.memory_space<vmem>> -> memref<1x512xf32, #tpu.memory_space<vmem>>
    %dma_start3A_201 = tpu.memref_squeeze %dma_start3A_200 : memref<1x512xf32, #tpu.memory_space<vmem>> -> memref<512xf32, #tpu.memory_space<vmem>>
    %dma_start3A_202 = arith.constant 0 : i32
    %dma_start3A_203 = tpu.memref_slice %arg6[%dma_start3A_197, %dma_start3A_202] : memref<32x512xi32, #tpu.memory_space<vmem>> -> memref<1x512xi32, #tpu.memory_space<vmem>>
    %dma_start3A_204 = tpu.memref_squeeze %dma_start3A_203 : memref<1x512xi32, #tpu.memory_space<vmem>> -> memref<512xi32, #tpu.memory_space<vmem>>
    %dma_start3A_205 = arith.constant 0 : i32
    %dma_start3A_206 = tpu.memref_slice %arg3[%dma_start3A_205] : memref<32505856xf32, #tpu.memory_space<hbm>> -> memref<32505856xf32, #tpu.memory_space<hbm>>
    tpu.enqueue_indirect_dma source(%dma_start3A_206 : memref<32505856xf32, #tpu.memory_space<hbm>>) target(%dma_start3A_201 : memref<512xf32, #tpu.memory_space<vmem>>) offsets(%dma_start3A_204 : memref<512xi32, #tpu.memory_space<vmem>>) semaphore(%arg8 : memref<!tpu.dma_semaphore, #tpu.memory_space<semaphore_mem>>)
    %dma_start3A_207 = arith.constant 20 : i32
    %dma_start3A_208 = arith.constant 20 : i32
    %dma_start3A_209 = arith.constant 0 : i32
    %dma_start3A_210 = tpu.memref_slice %arg7[%dma_start3A_208, %dma_start3A_209] : memref<32x512xf32, #tpu.memory_space<vmem>> -> memref<1x512xf32, #tpu.memory_space<vmem>>
    %dma_start3A_211 = tpu.memref_squeeze %dma_start3A_210 : memref<1x512xf32, #tpu.memory_space<vmem>> -> memref<512xf32, #tpu.memory_space<vmem>>
    %dma_start3A_212 = arith.constant 0 : i32
    %dma_start3A_213 = tpu.memref_slice %arg6[%dma_start3A_207, %dma_start3A_212] : memref<32x512xi32, #tpu.memory_space<vmem>> -> memref<1x512xi32, #tpu.memory_space<vmem>>
    %dma_start3A_214 = tpu.memref_squeeze %dma_start3A_213 : memref<1x512xi32, #tpu.memory_space<vmem>> -> memref<512xi32, #tpu.memory_space<vmem>>
    %dma_start3A_215 = arith.constant 0 : i32
    %dma_start3A_216 = tpu.memref_slice %arg3[%dma_start3A_215] : memref<32505856xf32, #tpu.memory_space<hbm>> -> memref<32505856xf32, #tpu.memory_space<hbm>>
    tpu.enqueue_indirect_dma source(%dma_start3A_216 : memref<32505856xf32, #tpu.memory_space<hbm>>) target(%dma_start3A_211 : memref<512xf32, #tpu.memory_space<vmem>>) offsets(%dma_start3A_214 : memref<512xi32, #tpu.memory_space<vmem>>) semaphore(%arg8 : memref<!tpu.dma_semaphore, #tpu.memory_space<semaphore_mem>>)
    %dma_start3A_217 = arith.constant 21 : i32
    %dma_start3A_218 = arith.constant 21 : i32
    %dma_start3A_219 = arith.constant 0 : i32
    %dma_start3A_220 = tpu.memref_slice %arg7[%dma_start3A_218, %dma_start3A_219] : memref<32x512xf32, #tpu.memory_space<vmem>> -> memref<1x512xf32, #tpu.memory_space<vmem>>
    %dma_start3A_221 = tpu.memref_squeeze %dma_start3A_220 : memref<1x512xf32, #tpu.memory_space<vmem>> -> memref<512xf32, #tpu.memory_space<vmem>>
    %dma_start3A_222 = arith.constant 0 : i32
    %dma_start3A_223 = tpu.memref_slice %arg6[%dma_start3A_217, %dma_start3A_222] : memref<32x512xi32, #tpu.memory_space<vmem>> -> memref<1x512xi32, #tpu.memory_space<vmem>>
    %dma_start3A_224 = tpu.memref_squeeze %dma_start3A_223 : memref<1x512xi32, #tpu.memory_space<vmem>> -> memref<512xi32, #tpu.memory_space<vmem>>
    %dma_start3A_225 = arith.constant 0 : i32
    %dma_start3A_226 = tpu.memref_slice %arg3[%dma_start3A_225] : memref<32505856xf32, #tpu.memory_space<hbm>> -> memref<32505856xf32, #tpu.memory_space<hbm>>
    tpu.enqueue_indirect_dma source(%dma_start3A_226 : memref<32505856xf32, #tpu.memory_space<hbm>>) target(%dma_start3A_221 : memref<512xf32, #tpu.memory_space<vmem>>) offsets(%dma_start3A_224 : memref<512xi32, #tpu.memory_space<vmem>>) semaphore(%arg8 : memref<!tpu.dma_semaphore, #tpu.memory_space<semaphore_mem>>)
    %dma_start3A_227 = arith.constant 22 : i32
    %dma_start3A_228 = arith.constant 22 : i32
    %dma_start3A_229 = arith.constant 0 : i32
    %dma_start3A_230 = tpu.memref_slice %arg7[%dma_start3A_228, %dma_start3A_229] : memref<32x512xf32, #tpu.memory_space<vmem>> -> memref<1x512xf32, #tpu.memory_space<vmem>>
    %dma_start3A_231 = tpu.memref_squeeze %dma_start3A_230 : memref<1x512xf32, #tpu.memory_space<vmem>> -> memref<512xf32, #tpu.memory_space<vmem>>
    %dma_start3A_232 = arith.constant 0 : i32
    %dma_start3A_233 = tpu.memref_slice %arg6[%dma_start3A_227, %dma_start3A_232] : memref<32x512xi32, #tpu.memory_space<vmem>> -> memref<1x512xi32, #tpu.memory_space<vmem>>
    %dma_start3A_234 = tpu.memref_squeeze %dma_start3A_233 : memref<1x512xi32, #tpu.memory_space<vmem>> -> memref<512xi32, #tpu.memory_space<vmem>>
    %dma_start3A_235 = arith.constant 0 : i32
    %dma_start3A_236 = tpu.memref_slice %arg3[%dma_start3A_235] : memref<32505856xf32, #tpu.memory_space<hbm>> -> memref<32505856xf32, #tpu.memory_space<hbm>>
    tpu.enqueue_indirect_dma source(%dma_start3A_236 : memref<32505856xf32, #tpu.memory_space<hbm>>) target(%dma_start3A_231 : memref<512xf32, #tpu.memory_space<vmem>>) offsets(%dma_start3A_234 : memref<512xi32, #tpu.memory_space<vmem>>) semaphore(%arg8 : memref<!tpu.dma_semaphore, #tpu.memory_space<semaphore_mem>>)
    %dma_start3A_237 = arith.constant 23 : i32
    %dma_start3A_238 = arith.constant 23 : i32
    %dma_start3A_239 = arith.constant 0 : i32
    %dma_start3A_240 = tpu.memref_slice %arg7[%dma_start3A_238, %dma_start3A_239] : memref<32x512xf32, #tpu.memory_space<vmem>> -> memref<1x512xf32, #tpu.memory_space<vmem>>
    %dma_start3A_241 = tpu.memref_squeeze %dma_start3A_240 : memref<1x512xf32, #tpu.memory_space<vmem>> -> memref<512xf32, #tpu.memory_space<vmem>>
    %dma_start3A_242 = arith.constant 0 : i32
    %dma_start3A_243 = tpu.memref_slice %arg6[%dma_start3A_237, %dma_start3A_242] : memref<32x512xi32, #tpu.memory_space<vmem>> -> memref<1x512xi32, #tpu.memory_space<vmem>>
    %dma_start3A_244 = tpu.memref_squeeze %dma_start3A_243 : memref<1x512xi32, #tpu.memory_space<vmem>> -> memref<512xi32, #tpu.memory_space<vmem>>
    %dma_start3A_245 = arith.constant 0 : i32
    %dma_start3A_246 = tpu.memref_slice %arg3[%dma_start3A_245] : memref<32505856xf32, #tpu.memory_space<hbm>> -> memref<32505856xf32, #tpu.memory_space<hbm>>
    tpu.enqueue_indirect_dma source(%dma_start3A_246 : memref<32505856xf32, #tpu.memory_space<hbm>>) target(%dma_start3A_241 : memref<512xf32, #tpu.memory_space<vmem>>) offsets(%dma_start3A_244 : memref<512xi32, #tpu.memory_space<vmem>>) semaphore(%arg8 : memref<!tpu.dma_semaphore, #tpu.memory_space<semaphore_mem>>)
    %dma_start3A_247 = arith.constant 24 : i32
    %dma_start3A_248 = arith.constant 24 : i32
    %dma_start3A_249 = arith.constant 0 : i32
    %dma_start3A_250 = tpu.memref_slice %arg7[%dma_start3A_248, %dma_start3A_249] : memref<32x512xf32, #tpu.memory_space<vmem>> -> memref<1x512xf32, #tpu.memory_space<vmem>>
    %dma_start3A_251 = tpu.memref_squeeze %dma_start3A_250 : memref<1x512xf32, #tpu.memory_space<vmem>> -> memref<512xf32, #tpu.memory_space<vmem>>
    %dma_start3A_252 = arith.constant 0 : i32
    %dma_start3A_253 = tpu.memref_slice %arg6[%dma_start3A_247, %dma_start3A_252] : memref<32x512xi32, #tpu.memory_space<vmem>> -> memref<1x512xi32, #tpu.memory_space<vmem>>
    %dma_start3A_254 = tpu.memref_squeeze %dma_start3A_253 : memref<1x512xi32, #tpu.memory_space<vmem>> -> memref<512xi32, #tpu.memory_space<vmem>>
    %dma_start3A_255 = arith.constant 0 : i32
    %dma_start3A_256 = tpu.memref_slice %arg3[%dma_start3A_255] : memref<32505856xf32, #tpu.memory_space<hbm>> -> memref<32505856xf32, #tpu.memory_space<hbm>>
    tpu.enqueue_indirect_dma source(%dma_start3A_256 : memref<32505856xf32, #tpu.memory_space<hbm>>) target(%dma_start3A_251 : memref<512xf32, #tpu.memory_space<vmem>>) offsets(%dma_start3A_254 : memref<512xi32, #tpu.memory_space<vmem>>) semaphore(%arg8 : memref<!tpu.dma_semaphore, #tpu.memory_space<semaphore_mem>>)
    %dma_start3A_257 = arith.constant 25 : i32
    %dma_start3A_258 = arith.constant 25 : i32
    %dma_start3A_259 = arith.constant 0 : i32
    %dma_start3A_260 = tpu.memref_slice %arg7[%dma_start3A_258, %dma_start3A_259] : memref<32x512xf32, #tpu.memory_space<vmem>> -> memref<1x512xf32, #tpu.memory_space<vmem>>
    %dma_start3A_261 = tpu.memref_squeeze %dma_start3A_260 : memref<1x512xf32, #tpu.memory_space<vmem>> -> memref<512xf32, #tpu.memory_space<vmem>>
    %dma_start3A_262 = arith.constant 0 : i32
    %dma_start3A_263 = tpu.memref_slice %arg6[%dma_start3A_257, %dma_start3A_262] : memref<32x512xi32, #tpu.memory_space<vmem>> -> memref<1x512xi32, #tpu.memory_space<vmem>>
    %dma_start3A_264 = tpu.memref_squeeze %dma_start3A_263 : memref<1x512xi32, #tpu.memory_space<vmem>> -> memref<512xi32, #tpu.memory_space<vmem>>
    %dma_start3A_265 = arith.constant 0 : i32
    %dma_start3A_266 = tpu.memref_slice %arg3[%dma_start3A_265] : memref<32505856xf32, #tpu.memory_space<hbm>> -> memref<32505856xf32, #tpu.memory_space<hbm>>
    tpu.enqueue_indirect_dma source(%dma_start3A_266 : memref<32505856xf32, #tpu.memory_space<hbm>>) target(%dma_start3A_261 : memref<512xf32, #tpu.memory_space<vmem>>) offsets(%dma_start3A_264 : memref<512xi32, #tpu.memory_space<vmem>>) semaphore(%arg8 : memref<!tpu.dma_semaphore, #tpu.memory_space<semaphore_mem>>)
    %dma_start3A_267 = arith.constant 26 : i32
    %dma_start3A_268 = arith.constant 26 : i32
    %dma_start3A_269 = arith.constant 0 : i32
    %dma_start3A_270 = tpu.memref_slice %arg7[%dma_start3A_268, %dma_start3A_269] : memref<32x512xf32, #tpu.memory_space<vmem>> -> memref<1x512xf32, #tpu.memory_space<vmem>>
    %dma_start3A_271 = tpu.memref_squeeze %dma_start3A_270 : memref<1x512xf32, #tpu.memory_space<vmem>> -> memref<512xf32, #tpu.memory_space<vmem>>
    %dma_start3A_272 = arith.constant 0 : i32
    %dma_start3A_273 = tpu.memref_slice %arg6[%dma_start3A_267, %dma_start3A_272] : memref<32x512xi32, #tpu.memory_space<vmem>> -> memref<1x512xi32, #tpu.memory_space<vmem>>
    %dma_start3A_274 = tpu.memref_squeeze %dma_start3A_273 : memref<1x512xi32, #tpu.memory_space<vmem>> -> memref<512xi32, #tpu.memory_space<vmem>>
    %dma_start3A_275 = arith.constant 0 : i32
    %dma_start3A_276 = tpu.memref_slice %arg3[%dma_start3A_275] : memref<32505856xf32, #tpu.memory_space<hbm>> -> memref<32505856xf32, #tpu.memory_space<hbm>>
    tpu.enqueue_indirect_dma source(%dma_start3A_276 : memref<32505856xf32, #tpu.memory_space<hbm>>) target(%dma_start3A_271 : memref<512xf32, #tpu.memory_space<vmem>>) offsets(%dma_start3A_274 : memref<512xi32, #tpu.memory_space<vmem>>) semaphore(%arg8 : memref<!tpu.dma_semaphore, #tpu.memory_space<semaphore_mem>>)
    %dma_start3A_277 = arith.constant 27 : i32
    %dma_start3A_278 = arith.constant 27 : i32
    %dma_start3A_279 = arith.constant 0 : i32
    %dma_start3A_280 = tpu.memref_slice %arg7[%dma_start3A_278, %dma_start3A_279] : memref<32x512xf32, #tpu.memory_space<vmem>> -> memref<1x512xf32, #tpu.memory_space<vmem>>
    %dma_start3A_281 = tpu.memref_squeeze %dma_start3A_280 : memref<1x512xf32, #tpu.memory_space<vmem>> -> memref<512xf32, #tpu.memory_space<vmem>>
    %dma_start3A_282 = arith.constant 0 : i32
    %dma_start3A_283 = tpu.memref_slice %arg6[%dma_start3A_277, %dma_start3A_282] : memref<32x512xi32, #tpu.memory_space<vmem>> -> memref<1x512xi32, #tpu.memory_space<vmem>>
    %dma_start3A_284 = tpu.memref_squeeze %dma_start3A_283 : memref<1x512xi32, #tpu.memory_space<vmem>> -> memref<512xi32, #tpu.memory_space<vmem>>
    %dma_start3A_285 = arith.constant 0 : i32
    %dma_start3A_286 = tpu.memref_slice %arg3[%dma_start3A_285] : memref<32505856xf32, #tpu.memory_space<hbm>> -> memref<32505856xf32, #tpu.memory_space<hbm>>
    tpu.enqueue_indirect_dma source(%dma_start3A_286 : memref<32505856xf32, #tpu.memory_space<hbm>>) target(%dma_start3A_281 : memref<512xf32, #tpu.memory_space<vmem>>) offsets(%dma_start3A_284 : memref<512xi32, #tpu.memory_space<vmem>>) semaphore(%arg8 : memref<!tpu.dma_semaphore, #tpu.memory_space<semaphore_mem>>)
    %dma_start3A_287 = arith.constant 28 : i32
    %dma_start3A_288 = arith.constant 28 : i32
    %dma_start3A_289 = arith.constant 0 : i32
    %dma_start3A_290 = tpu.memref_slice %arg7[%dma_start3A_288, %dma_start3A_289] : memref<32x512xf32, #tpu.memory_space<vmem>> -> memref<1x512xf32, #tpu.memory_space<vmem>>
    %dma_start3A_291 = tpu.memref_squeeze %dma_start3A_290 : memref<1x512xf32, #tpu.memory_space<vmem>> -> memref<512xf32, #tpu.memory_space<vmem>>
    %dma_start3A_292 = arith.constant 0 : i32
    %dma_start3A_293 = tpu.memref_slice %arg6[%dma_start3A_287, %dma_start3A_292] : memref<32x512xi32, #tpu.memory_space<vmem>> -> memref<1x512xi32, #tpu.memory_space<vmem>>
    %dma_start3A_294 = tpu.memref_squeeze %dma_start3A_293 : memref<1x512xi32, #tpu.memory_space<vmem>> -> memref<512xi32, #tpu.memory_space<vmem>>
    %dma_start3A_295 = arith.constant 0 : i32
    %dma_start3A_296 = tpu.memref_slice %arg3[%dma_start3A_295] : memref<32505856xf32, #tpu.memory_space<hbm>> -> memref<32505856xf32, #tpu.memory_space<hbm>>
    tpu.enqueue_indirect_dma source(%dma_start3A_296 : memref<32505856xf32, #tpu.memory_space<hbm>>) target(%dma_start3A_291 : memref<512xf32, #tpu.memory_space<vmem>>) offsets(%dma_start3A_294 : memref<512xi32, #tpu.memory_space<vmem>>) semaphore(%arg8 : memref<!tpu.dma_semaphore, #tpu.memory_space<semaphore_mem>>)
    %dma_start3A_297 = arith.constant 29 : i32
    %dma_start3A_298 = arith.constant 29 : i32
    %dma_start3A_299 = arith.constant 0 : i32
    %dma_start3A_300 = tpu.memref_slice %arg7[%dma_start3A_298, %dma_start3A_299] : memref<32x512xf32, #tpu.memory_space<vmem>> -> memref<1x512xf32, #tpu.memory_space<vmem>>
    %dma_start3A_301 = tpu.memref_squeeze %dma_start3A_300 : memref<1x512xf32, #tpu.memory_space<vmem>> -> memref<512xf32, #tpu.memory_space<vmem>>
    %dma_start3A_302 = arith.constant 0 : i32
    %dma_start3A_303 = tpu.memref_slice %arg6[%dma_start3A_297, %dma_start3A_302] : memref<32x512xi32, #tpu.memory_space<vmem>> -> memref<1x512xi32, #tpu.memory_space<vmem>>
    %dma_start3A_304 = tpu.memref_squeeze %dma_start3A_303 : memref<1x512xi32, #tpu.memory_space<vmem>> -> memref<512xi32, #tpu.memory_space<vmem>>
    %dma_start3A_305 = arith.constant 0 : i32
    %dma_start3A_306 = tpu.memref_slice %arg3[%dma_start3A_305] : memref<32505856xf32, #tpu.memory_space<hbm>> -> memref<32505856xf32, #tpu.memory_space<hbm>>
    tpu.enqueue_indirect_dma source(%dma_start3A_306 : memref<32505856xf32, #tpu.memory_space<hbm>>) target(%dma_start3A_301 : memref<512xf32, #tpu.memory_space<vmem>>) offsets(%dma_start3A_304 : memref<512xi32, #tpu.memory_space<vmem>>) semaphore(%arg8 : memref<!tpu.dma_semaphore, #tpu.memory_space<semaphore_mem>>)
    %dma_start3A_307 = arith.constant 30 : i32
    %dma_start3A_308 = arith.constant 30 : i32
    %dma_start3A_309 = arith.constant 0 : i32
    %dma_start3A_310 = tpu.memref_slice %arg7[%dma_start3A_308, %dma_start3A_309] : memref<32x512xf32, #tpu.memory_space<vmem>> -> memref<1x512xf32, #tpu.memory_space<vmem>>
    %dma_start3A_311 = tpu.memref_squeeze %dma_start3A_310 : memref<1x512xf32, #tpu.memory_space<vmem>> -> memref<512xf32, #tpu.memory_space<vmem>>
    %dma_start3A_312 = arith.constant 0 : i32
    %dma_start3A_313 = tpu.memref_slice %arg6[%dma_start3A_307, %dma_start3A_312] : memref<32x512xi32, #tpu.memory_space<vmem>> -> memref<1x512xi32, #tpu.memory_space<vmem>>
    %dma_start3A_314 = tpu.memref_squeeze %dma_start3A_313 : memref<1x512xi32, #tpu.memory_space<vmem>> -> memref<512xi32, #tpu.memory_space<vmem>>
    %dma_start3A_315 = arith.constant 0 : i32
    %dma_start3A_316 = tpu.memref_slice %arg3[%dma_start3A_315] : memref<32505856xf32, #tpu.memory_space<hbm>> -> memref<32505856xf32, #tpu.memory_space<hbm>>
    tpu.enqueue_indirect_dma source(%dma_start3A_316 : memref<32505856xf32, #tpu.memory_space<hbm>>) target(%dma_start3A_311 : memref<512xf32, #tpu.memory_space<vmem>>) offsets(%dma_start3A_314 : memref<512xi32, #tpu.memory_space<vmem>>) semaphore(%arg8 : memref<!tpu.dma_semaphore, #tpu.memory_space<semaphore_mem>>)
    %dma_start3A_317 = arith.constant 31 : i32
    %dma_start3A_318 = arith.constant 31 : i32
    %dma_start3A_319 = arith.constant 0 : i32
    %dma_start3A_320 = tpu.memref_slice %arg7[%dma_start3A_318, %dma_start3A_319] : memref<32x512xf32, #tpu.memory_space<vmem>> -> memref<1x512xf32, #tpu.memory_space<vmem>>
    %dma_start3A_321 = tpu.memref_squeeze %dma_start3A_320 : memref<1x512xf32, #tpu.memory_space<vmem>> -> memref<512xf32, #tpu.memory_space<vmem>>
    %dma_start3A_322 = arith.constant 0 : i32
    %dma_start3A_323 = tpu.memref_slice %arg6[%dma_start3A_317, %dma_start3A_322] : memref<32x512xi32, #tpu.memory_space<vmem>> -> memref<1x512xi32, #tpu.memory_space<vmem>>
    %dma_start3A_324 = tpu.memref_squeeze %dma_start3A_323 : memref<1x512xi32, #tpu.memory_space<vmem>> -> memref<512xi32, #tpu.memory_space<vmem>>
    %dma_start3A_325 = arith.constant 0 : i32
    %dma_start3A_326 = tpu.memref_slice %arg3[%dma_start3A_325] : memref<32505856xf32, #tpu.memory_space<hbm>> -> memref<32505856xf32, #tpu.memory_space<hbm>>
    tpu.enqueue_indirect_dma source(%dma_start3A_326 : memref<32505856xf32, #tpu.memory_space<hbm>>) target(%dma_start3A_321 : memref<512xf32, #tpu.memory_space<vmem>>) offsets(%dma_start3A_324 : memref<512xi32, #tpu.memory_space<vmem>>) semaphore(%arg8 : memref<!tpu.dma_semaphore, #tpu.memory_space<semaphore_mem>>)
    %dma_wait3A = arith.constant 0 : i32
    %dma_wait3A_327 = arith.constant 0 : i32
    %dma_wait3A_328 = arith.constant 0 : i32
    %dma_wait3A_329 = tpu.memref_slice %arg7[%dma_wait3A_327, %dma_wait3A_328] : memref<32x512xf32, #tpu.memory_space<vmem>> -> memref<1x512xf32, #tpu.memory_space<vmem>>
    %dma_wait3A_330 = tpu.memref_squeeze %dma_wait3A_329 : memref<1x512xf32, #tpu.memory_space<vmem>> -> memref<512xf32, #tpu.memory_space<vmem>>
    %dma_wait3A_331 = arith.constant 0 : i32
    %dma_wait3A_332 = tpu.memref_slice %arg6[%dma_wait3A, %dma_wait3A_331] : memref<32x512xi32, #tpu.memory_space<vmem>> -> memref<1x512xi32, #tpu.memory_space<vmem>>
    %dma_wait3A_333 = tpu.memref_squeeze %dma_wait3A_332 : memref<1x512xi32, #tpu.memory_space<vmem>> -> memref<512xi32, #tpu.memory_space<vmem>>
    %dma_wait3A_334 = arith.constant 0 : i32
    %dma_wait3A_335 = tpu.memref_slice %arg3[%dma_wait3A_334] : memref<32505856xf32, #tpu.memory_space<hbm>> -> memref<32505856xf32, #tpu.memory_space<hbm>>
    tpu.wait_indirect_dma semaphore(%arg8 : memref<!tpu.dma_semaphore, #tpu.memory_space<semaphore_mem>>) src(%dma_wait3A_335 : memref<32505856xf32, #tpu.memory_space<hbm>>) dst(%dma_wait3A_330 : memref<512xf32, #tpu.memory_space<vmem>>)
    %dma_wait3A_336 = arith.constant 1 : i32
    %dma_wait3A_337 = arith.constant 1 : i32
    %dma_wait3A_338 = arith.constant 0 : i32
    %dma_wait3A_339 = tpu.memref_slice %arg7[%dma_wait3A_337, %dma_wait3A_338] : memref<32x512xf32, #tpu.memory_space<vmem>> -> memref<1x512xf32, #tpu.memory_space<vmem>>
    %dma_wait3A_340 = tpu.memref_squeeze %dma_wait3A_339 : memref<1x512xf32, #tpu.memory_space<vmem>> -> memref<512xf32, #tpu.memory_space<vmem>>
    %dma_wait3A_341 = arith.constant 0 : i32
    %dma_wait3A_342 = tpu.memref_slice %arg6[%dma_wait3A_336, %dma_wait3A_341] : memref<32x512xi32, #tpu.memory_space<vmem>> -> memref<1x512xi32, #tpu.memory_space<vmem>>
    %dma_wait3A_343 = tpu.memref_squeeze %dma_wait3A_342 : memref<1x512xi32, #tpu.memory_space<vmem>> -> memref<512xi32, #tpu.memory_space<vmem>>
    %dma_wait3A_344 = arith.constant 0 : i32
    %dma_wait3A_345 = tpu.memref_slice %arg3[%dma_wait3A_344] : memref<32505856xf32, #tpu.memory_space<hbm>> -> memref<32505856xf32, #tpu.memory_space<hbm>>
    tpu.wait_indirect_dma semaphore(%arg8 : memref<!tpu.dma_semaphore, #tpu.memory_space<semaphore_mem>>) src(%dma_wait3A_345 : memref<32505856xf32, #tpu.memory_space<hbm>>) dst(%dma_wait3A_340 : memref<512xf32, #tpu.memory_space<vmem>>)
    %dma_wait3A_346 = arith.constant 2 : i32
    %dma_wait3A_347 = arith.constant 2 : i32
    %dma_wait3A_348 = arith.constant 0 : i32
    %dma_wait3A_349 = tpu.memref_slice %arg7[%dma_wait3A_347, %dma_wait3A_348] : memref<32x512xf32, #tpu.memory_space<vmem>> -> memref<1x512xf32, #tpu.memory_space<vmem>>
    %dma_wait3A_350 = tpu.memref_squeeze %dma_wait3A_349 : memref<1x512xf32, #tpu.memory_space<vmem>> -> memref<512xf32, #tpu.memory_space<vmem>>
    %dma_wait3A_351 = arith.constant 0 : i32
    %dma_wait3A_352 = tpu.memref_slice %arg6[%dma_wait3A_346, %dma_wait3A_351] : memref<32x512xi32, #tpu.memory_space<vmem>> -> memref<1x512xi32, #tpu.memory_space<vmem>>
    %dma_wait3A_353 = tpu.memref_squeeze %dma_wait3A_352 : memref<1x512xi32, #tpu.memory_space<vmem>> -> memref<512xi32, #tpu.memory_space<vmem>>
    %dma_wait3A_354 = arith.constant 0 : i32
    %dma_wait3A_355 = tpu.memref_slice %arg3[%dma_wait3A_354] : memref<32505856xf32, #tpu.memory_space<hbm>> -> memref<32505856xf32, #tpu.memory_space<hbm>>
    tpu.wait_indirect_dma semaphore(%arg8 : memref<!tpu.dma_semaphore, #tpu.memory_space<semaphore_mem>>) src(%dma_wait3A_355 : memref<32505856xf32, #tpu.memory_space<hbm>>) dst(%dma_wait3A_350 : memref<512xf32, #tpu.memory_space<vmem>>)
    %dma_wait3A_356 = arith.constant 3 : i32
    %dma_wait3A_357 = arith.constant 3 : i32
    %dma_wait3A_358 = arith.constant 0 : i32
    %dma_wait3A_359 = tpu.memref_slice %arg7[%dma_wait3A_357, %dma_wait3A_358] : memref<32x512xf32, #tpu.memory_space<vmem>> -> memref<1x512xf32, #tpu.memory_space<vmem>>
    %dma_wait3A_360 = tpu.memref_squeeze %dma_wait3A_359 : memref<1x512xf32, #tpu.memory_space<vmem>> -> memref<512xf32, #tpu.memory_space<vmem>>
    %dma_wait3A_361 = arith.constant 0 : i32
    %dma_wait3A_362 = tpu.memref_slice %arg6[%dma_wait3A_356, %dma_wait3A_361] : memref<32x512xi32, #tpu.memory_space<vmem>> -> memref<1x512xi32, #tpu.memory_space<vmem>>
    %dma_wait3A_363 = tpu.memref_squeeze %dma_wait3A_362 : memref<1x512xi32, #tpu.memory_space<vmem>> -> memref<512xi32, #tpu.memory_space<vmem>>
    %dma_wait3A_364 = arith.constant 0 : i32
    %dma_wait3A_365 = tpu.memref_slice %arg3[%dma_wait3A_364] : memref<32505856xf32, #tpu.memory_space<hbm>> -> memref<32505856xf32, #tpu.memory_space<hbm>>
    tpu.wait_indirect_dma semaphore(%arg8 : memref<!tpu.dma_semaphore, #tpu.memory_space<semaphore_mem>>) src(%dma_wait3A_365 : memref<32505856xf32, #tpu.memory_space<hbm>>) dst(%dma_wait3A_360 : memref<512xf32, #tpu.memory_space<vmem>>)
    %dma_wait3A_366 = arith.constant 4 : i32
    %dma_wait3A_367 = arith.constant 4 : i32
    %dma_wait3A_368 = arith.constant 0 : i32
    %dma_wait3A_369 = tpu.memref_slice %arg7[%dma_wait3A_367, %dma_wait3A_368] : memref<32x512xf32, #tpu.memory_space<vmem>> -> memref<1x512xf32, #tpu.memory_space<vmem>>
    %dma_wait3A_370 = tpu.memref_squeeze %dma_wait3A_369 : memref<1x512xf32, #tpu.memory_space<vmem>> -> memref<512xf32, #tpu.memory_space<vmem>>
    %dma_wait3A_371 = arith.constant 0 : i32
    %dma_wait3A_372 = tpu.memref_slice %arg6[%dma_wait3A_366, %dma_wait3A_371] : memref<32x512xi32, #tpu.memory_space<vmem>> -> memref<1x512xi32, #tpu.memory_space<vmem>>
    %dma_wait3A_373 = tpu.memref_squeeze %dma_wait3A_372 : memref<1x512xi32, #tpu.memory_space<vmem>> -> memref<512xi32, #tpu.memory_space<vmem>>
    %dma_wait3A_374 = arith.constant 0 : i32
    %dma_wait3A_375 = tpu.memref_slice %arg3[%dma_wait3A_374] : memref<32505856xf32, #tpu.memory_space<hbm>> -> memref<32505856xf32, #tpu.memory_space<hbm>>
    tpu.wait_indirect_dma semaphore(%arg8 : memref<!tpu.dma_semaphore, #tpu.memory_space<semaphore_mem>>) src(%dma_wait3A_375 : memref<32505856xf32, #tpu.memory_space<hbm>>) dst(%dma_wait3A_370 : memref<512xf32, #tpu.memory_space<vmem>>)
    %dma_wait3A_376 = arith.constant 5 : i32
    %dma_wait3A_377 = arith.constant 5 : i32
    %dma_wait3A_378 = arith.constant 0 : i32
    %dma_wait3A_379 = tpu.memref_slice %arg7[%dma_wait3A_377, %dma_wait3A_378] : memref<32x512xf32, #tpu.memory_space<vmem>> -> memref<1x512xf32, #tpu.memory_space<vmem>>
    %dma_wait3A_380 = tpu.memref_squeeze %dma_wait3A_379 : memref<1x512xf32, #tpu.memory_space<vmem>> -> memref<512xf32, #tpu.memory_space<vmem>>
    %dma_wait3A_381 = arith.constant 0 : i32
    %dma_wait3A_382 = tpu.memref_slice %arg6[%dma_wait3A_376, %dma_wait3A_381] : memref<32x512xi32, #tpu.memory_space<vmem>> -> memref<1x512xi32, #tpu.memory_space<vmem>>
    %dma_wait3A_383 = tpu.memref_squeeze %dma_wait3A_382 : memref<1x512xi32, #tpu.memory_space<vmem>> -> memref<512xi32, #tpu.memory_space<vmem>>
    %dma_wait3A_384 = arith.constant 0 : i32
    %dma_wait3A_385 = tpu.memref_slice %arg3[%dma_wait3A_384] : memref<32505856xf32, #tpu.memory_space<hbm>> -> memref<32505856xf32, #tpu.memory_space<hbm>>
    tpu.wait_indirect_dma semaphore(%arg8 : memref<!tpu.dma_semaphore, #tpu.memory_space<semaphore_mem>>) src(%dma_wait3A_385 : memref<32505856xf32, #tpu.memory_space<hbm>>) dst(%dma_wait3A_380 : memref<512xf32, #tpu.memory_space<vmem>>)
    %dma_wait3A_386 = arith.constant 6 : i32
    %dma_wait3A_387 = arith.constant 6 : i32
    %dma_wait3A_388 = arith.constant 0 : i32
    %dma_wait3A_389 = tpu.memref_slice %arg7[%dma_wait3A_387, %dma_wait3A_388] : memref<32x512xf32, #tpu.memory_space<vmem>> -> memref<1x512xf32, #tpu.memory_space<vmem>>
    %dma_wait3A_390 = tpu.memref_squeeze %dma_wait3A_389 : memref<1x512xf32, #tpu.memory_space<vmem>> -> memref<512xf32, #tpu.memory_space<vmem>>
    %dma_wait3A_391 = arith.constant 0 : i32
    %dma_wait3A_392 = tpu.memref_slice %arg6[%dma_wait3A_386, %dma_wait3A_391] : memref<32x512xi32, #tpu.memory_space<vmem>> -> memref<1x512xi32, #tpu.memory_space<vmem>>
    %dma_wait3A_393 = tpu.memref_squeeze %dma_wait3A_392 : memref<1x512xi32, #tpu.memory_space<vmem>> -> memref<512xi32, #tpu.memory_space<vmem>>
    %dma_wait3A_394 = arith.constant 0 : i32
    %dma_wait3A_395 = tpu.memref_slice %arg3[%dma_wait3A_394] : memref<32505856xf32, #tpu.memory_space<hbm>> -> memref<32505856xf32, #tpu.memory_space<hbm>>
    tpu.wait_indirect_dma semaphore(%arg8 : memref<!tpu.dma_semaphore, #tpu.memory_space<semaphore_mem>>) src(%dma_wait3A_395 : memref<32505856xf32, #tpu.memory_space<hbm>>) dst(%dma_wait3A_390 : memref<512xf32, #tpu.memory_space<vmem>>)
    %dma_wait3A_396 = arith.constant 7 : i32
    %dma_wait3A_397 = arith.constant 7 : i32
    %dma_wait3A_398 = arith.constant 0 : i32
    %dma_wait3A_399 = tpu.memref_slice %arg7[%dma_wait3A_397, %dma_wait3A_398] : memref<32x512xf32, #tpu.memory_space<vmem>> -> memref<1x512xf32, #tpu.memory_space<vmem>>
    %dma_wait3A_400 = tpu.memref_squeeze %dma_wait3A_399 : memref<1x512xf32, #tpu.memory_space<vmem>> -> memref<512xf32, #tpu.memory_space<vmem>>
    %dma_wait3A_401 = arith.constant 0 : i32
    %dma_wait3A_402 = tpu.memref_slice %arg6[%dma_wait3A_396, %dma_wait3A_401] : memref<32x512xi32, #tpu.memory_space<vmem>> -> memref<1x512xi32, #tpu.memory_space<vmem>>
    %dma_wait3A_403 = tpu.memref_squeeze %dma_wait3A_402 : memref<1x512xi32, #tpu.memory_space<vmem>> -> memref<512xi32, #tpu.memory_space<vmem>>
    %dma_wait3A_404 = arith.constant 0 : i32
    %dma_wait3A_405 = tpu.memref_slice %arg3[%dma_wait3A_404] : memref<32505856xf32, #tpu.memory_space<hbm>> -> memref<32505856xf32, #tpu.memory_space<hbm>>
    tpu.wait_indirect_dma semaphore(%arg8 : memref<!tpu.dma_semaphore, #tpu.memory_space<semaphore_mem>>) src(%dma_wait3A_405 : memref<32505856xf32, #tpu.memory_space<hbm>>) dst(%dma_wait3A_400 : memref<512xf32, #tpu.memory_space<vmem>>)
    %dma_wait3A_406 = arith.constant 8 : i32
    %dma_wait3A_407 = arith.constant 8 : i32
    %dma_wait3A_408 = arith.constant 0 : i32
    %dma_wait3A_409 = tpu.memref_slice %arg7[%dma_wait3A_407, %dma_wait3A_408] : memref<32x512xf32, #tpu.memory_space<vmem>> -> memref<1x512xf32, #tpu.memory_space<vmem>>
    %dma_wait3A_410 = tpu.memref_squeeze %dma_wait3A_409 : memref<1x512xf32, #tpu.memory_space<vmem>> -> memref<512xf32, #tpu.memory_space<vmem>>
    %dma_wait3A_411 = arith.constant 0 : i32
    %dma_wait3A_412 = tpu.memref_slice %arg6[%dma_wait3A_406, %dma_wait3A_411] : memref<32x512xi32, #tpu.memory_space<vmem>> -> memref<1x512xi32, #tpu.memory_space<vmem>>
    %dma_wait3A_413 = tpu.memref_squeeze %dma_wait3A_412 : memref<1x512xi32, #tpu.memory_space<vmem>> -> memref<512xi32, #tpu.memory_space<vmem>>
    %dma_wait3A_414 = arith.constant 0 : i32
    %dma_wait3A_415 = tpu.memref_slice %arg3[%dma_wait3A_414] : memref<32505856xf32, #tpu.memory_space<hbm>> -> memref<32505856xf32, #tpu.memory_space<hbm>>
    tpu.wait_indirect_dma semaphore(%arg8 : memref<!tpu.dma_semaphore, #tpu.memory_space<semaphore_mem>>) src(%dma_wait3A_415 : memref<32505856xf32, #tpu.memory_space<hbm>>) dst(%dma_wait3A_410 : memref<512xf32, #tpu.memory_space<vmem>>)
    %dma_wait3A_416 = arith.constant 9 : i32
    %dma_wait3A_417 = arith.constant 9 : i32
    %dma_wait3A_418 = arith.constant 0 : i32
    %dma_wait3A_419 = tpu.memref_slice %arg7[%dma_wait3A_417, %dma_wait3A_418] : memref<32x512xf32, #tpu.memory_space<vmem>> -> memref<1x512xf32, #tpu.memory_space<vmem>>
    %dma_wait3A_420 = tpu.memref_squeeze %dma_wait3A_419 : memref<1x512xf32, #tpu.memory_space<vmem>> -> memref<512xf32, #tpu.memory_space<vmem>>
    %dma_wait3A_421 = arith.constant 0 : i32
    %dma_wait3A_422 = tpu.memref_slice %arg6[%dma_wait3A_416, %dma_wait3A_421] : memref<32x512xi32, #tpu.memory_space<vmem>> -> memref<1x512xi32, #tpu.memory_space<vmem>>
    %dma_wait3A_423 = tpu.memref_squeeze %dma_wait3A_422 : memref<1x512xi32, #tpu.memory_space<vmem>> -> memref<512xi32, #tpu.memory_space<vmem>>
    %dma_wait3A_424 = arith.constant 0 : i32
    %dma_wait3A_425 = tpu.memref_slice %arg3[%dma_wait3A_424] : memref<32505856xf32, #tpu.memory_space<hbm>> -> memref<32505856xf32, #tpu.memory_space<hbm>>
    tpu.wait_indirect_dma semaphore(%arg8 : memref<!tpu.dma_semaphore, #tpu.memory_space<semaphore_mem>>) src(%dma_wait3A_425 : memref<32505856xf32, #tpu.memory_space<hbm>>) dst(%dma_wait3A_420 : memref<512xf32, #tpu.memory_space<vmem>>)
    %dma_wait3A_426 = arith.constant 10 : i32
    %dma_wait3A_427 = arith.constant 10 : i32
    %dma_wait3A_428 = arith.constant 0 : i32
    %dma_wait3A_429 = tpu.memref_slice %arg7[%dma_wait3A_427, %dma_wait3A_428] : memref<32x512xf32, #tpu.memory_space<vmem>> -> memref<1x512xf32, #tpu.memory_space<vmem>>
    %dma_wait3A_430 = tpu.memref_squeeze %dma_wait3A_429 : memref<1x512xf32, #tpu.memory_space<vmem>> -> memref<512xf32, #tpu.memory_space<vmem>>
    %dma_wait3A_431 = arith.constant 0 : i32
    %dma_wait3A_432 = tpu.memref_slice %arg6[%dma_wait3A_426, %dma_wait3A_431] : memref<32x512xi32, #tpu.memory_space<vmem>> -> memref<1x512xi32, #tpu.memory_space<vmem>>
    %dma_wait3A_433 = tpu.memref_squeeze %dma_wait3A_432 : memref<1x512xi32, #tpu.memory_space<vmem>> -> memref<512xi32, #tpu.memory_space<vmem>>
    %dma_wait3A_434 = arith.constant 0 : i32
    %dma_wait3A_435 = tpu.memref_slice %arg3[%dma_wait3A_434] : memref<32505856xf32, #tpu.memory_space<hbm>> -> memref<32505856xf32, #tpu.memory_space<hbm>>
    tpu.wait_indirect_dma semaphore(%arg8 : memref<!tpu.dma_semaphore, #tpu.memory_space<semaphore_mem>>) src(%dma_wait3A_435 : memref<32505856xf32, #tpu.memory_space<hbm>>) dst(%dma_wait3A_430 : memref<512xf32, #tpu.memory_space<vmem>>)
    %dma_wait3A_436 = arith.constant 11 : i32
    %dma_wait3A_437 = arith.constant 11 : i32
    %dma_wait3A_438 = arith.constant 0 : i32
    %dma_wait3A_439 = tpu.memref_slice %arg7[%dma_wait3A_437, %dma_wait3A_438] : memref<32x512xf32, #tpu.memory_space<vmem>> -> memref<1x512xf32, #tpu.memory_space<vmem>>
    %dma_wait3A_440 = tpu.memref_squeeze %dma_wait3A_439 : memref<1x512xf32, #tpu.memory_space<vmem>> -> memref<512xf32, #tpu.memory_space<vmem>>
    %dma_wait3A_441 = arith.constant 0 : i32
    %dma_wait3A_442 = tpu.memref_slice %arg6[%dma_wait3A_436, %dma_wait3A_441] : memref<32x512xi32, #tpu.memory_space<vmem>> -> memref<1x512xi32, #tpu.memory_space<vmem>>
    %dma_wait3A_443 = tpu.memref_squeeze %dma_wait3A_442 : memref<1x512xi32, #tpu.memory_space<vmem>> -> memref<512xi32, #tpu.memory_space<vmem>>
    %dma_wait3A_444 = arith.constant 0 : i32
    %dma_wait3A_445 = tpu.memref_slice %arg3[%dma_wait3A_444] : memref<32505856xf32, #tpu.memory_space<hbm>> -> memref<32505856xf32, #tpu.memory_space<hbm>>
    tpu.wait_indirect_dma semaphore(%arg8 : memref<!tpu.dma_semaphore, #tpu.memory_space<semaphore_mem>>) src(%dma_wait3A_445 : memref<32505856xf32, #tpu.memory_space<hbm>>) dst(%dma_wait3A_440 : memref<512xf32, #tpu.memory_space<vmem>>)
    %dma_wait3A_446 = arith.constant 12 : i32
    %dma_wait3A_447 = arith.constant 12 : i32
    %dma_wait3A_448 = arith.constant 0 : i32
    %dma_wait3A_449 = tpu.memref_slice %arg7[%dma_wait3A_447, %dma_wait3A_448] : memref<32x512xf32, #tpu.memory_space<vmem>> -> memref<1x512xf32, #tpu.memory_space<vmem>>
    %dma_wait3A_450 = tpu.memref_squeeze %dma_wait3A_449 : memref<1x512xf32, #tpu.memory_space<vmem>> -> memref<512xf32, #tpu.memory_space<vmem>>
    %dma_wait3A_451 = arith.constant 0 : i32
    %dma_wait3A_452 = tpu.memref_slice %arg6[%dma_wait3A_446, %dma_wait3A_451] : memref<32x512xi32, #tpu.memory_space<vmem>> -> memref<1x512xi32, #tpu.memory_space<vmem>>
    %dma_wait3A_453 = tpu.memref_squeeze %dma_wait3A_452 : memref<1x512xi32, #tpu.memory_space<vmem>> -> memref<512xi32, #tpu.memory_space<vmem>>
    %dma_wait3A_454 = arith.constant 0 : i32
    %dma_wait3A_455 = tpu.memref_slice %arg3[%dma_wait3A_454] : memref<32505856xf32, #tpu.memory_space<hbm>> -> memref<32505856xf32, #tpu.memory_space<hbm>>
    tpu.wait_indirect_dma semaphore(%arg8 : memref<!tpu.dma_semaphore, #tpu.memory_space<semaphore_mem>>) src(%dma_wait3A_455 : memref<32505856xf32, #tpu.memory_space<hbm>>) dst(%dma_wait3A_450 : memref<512xf32, #tpu.memory_space<vmem>>)
    %dma_wait3A_456 = arith.constant 13 : i32
    %dma_wait3A_457 = arith.constant 13 : i32
    %dma_wait3A_458 = arith.constant 0 : i32
    %dma_wait3A_459 = tpu.memref_slice %arg7[%dma_wait3A_457, %dma_wait3A_458] : memref<32x512xf32, #tpu.memory_space<vmem>> -> memref<1x512xf32, #tpu.memory_space<vmem>>
    %dma_wait3A_460 = tpu.memref_squeeze %dma_wait3A_459 : memref<1x512xf32, #tpu.memory_space<vmem>> -> memref<512xf32, #tpu.memory_space<vmem>>
    %dma_wait3A_461 = arith.constant 0 : i32
    %dma_wait3A_462 = tpu.memref_slice %arg6[%dma_wait3A_456, %dma_wait3A_461] : memref<32x512xi32, #tpu.memory_space<vmem>> -> memref<1x512xi32, #tpu.memory_space<vmem>>
    %dma_wait3A_463 = tpu.memref_squeeze %dma_wait3A_462 : memref<1x512xi32, #tpu.memory_space<vmem>> -> memref<512xi32, #tpu.memory_space<vmem>>
    %dma_wait3A_464 = arith.constant 0 : i32
    %dma_wait3A_465 = tpu.memref_slice %arg3[%dma_wait3A_464] : memref<32505856xf32, #tpu.memory_space<hbm>> -> memref<32505856xf32, #tpu.memory_space<hbm>>
    tpu.wait_indirect_dma semaphore(%arg8 : memref<!tpu.dma_semaphore, #tpu.memory_space<semaphore_mem>>) src(%dma_wait3A_465 : memref<32505856xf32, #tpu.memory_space<hbm>>) dst(%dma_wait3A_460 : memref<512xf32, #tpu.memory_space<vmem>>)
    %dma_wait3A_466 = arith.constant 14 : i32
    %dma_wait3A_467 = arith.constant 14 : i32
    %dma_wait3A_468 = arith.constant 0 : i32
    %dma_wait3A_469 = tpu.memref_slice %arg7[%dma_wait3A_467, %dma_wait3A_468] : memref<32x512xf32, #tpu.memory_space<vmem>> -> memref<1x512xf32, #tpu.memory_space<vmem>>
    %dma_wait3A_470 = tpu.memref_squeeze %dma_wait3A_469 : memref<1x512xf32, #tpu.memory_space<vmem>> -> memref<512xf32, #tpu.memory_space<vmem>>
    %dma_wait3A_471 = arith.constant 0 : i32
    %dma_wait3A_472 = tpu.memref_slice %arg6[%dma_wait3A_466, %dma_wait3A_471] : memref<32x512xi32, #tpu.memory_space<vmem>> -> memref<1x512xi32, #tpu.memory_space<vmem>>
    %dma_wait3A_473 = tpu.memref_squeeze %dma_wait3A_472 : memref<1x512xi32, #tpu.memory_space<vmem>> -> memref<512xi32, #tpu.memory_space<vmem>>
    %dma_wait3A_474 = arith.constant 0 : i32
    %dma_wait3A_475 = tpu.memref_slice %arg3[%dma_wait3A_474] : memref<32505856xf32, #tpu.memory_space<hbm>> -> memref<32505856xf32, #tpu.memory_space<hbm>>
    tpu.wait_indirect_dma semaphore(%arg8 : memref<!tpu.dma_semaphore, #tpu.memory_space<semaphore_mem>>) src(%dma_wait3A_475 : memref<32505856xf32, #tpu.memory_space<hbm>>) dst(%dma_wait3A_470 : memref<512xf32, #tpu.memory_space<vmem>>)
    %dma_wait3A_476 = arith.constant 15 : i32
    %dma_wait3A_477 = arith.constant 15 : i32
    %dma_wait3A_478 = arith.constant 0 : i32
    %dma_wait3A_479 = tpu.memref_slice %arg7[%dma_wait3A_477, %dma_wait3A_478] : memref<32x512xf32, #tpu.memory_space<vmem>> -> memref<1x512xf32, #tpu.memory_space<vmem>>
    %dma_wait3A_480 = tpu.memref_squeeze %dma_wait3A_479 : memref<1x512xf32, #tpu.memory_space<vmem>> -> memref<512xf32, #tpu.memory_space<vmem>>
    %dma_wait3A_481 = arith.constant 0 : i32
    %dma_wait3A_482 = tpu.memref_slice %arg6[%dma_wait3A_476, %dma_wait3A_481] : memref<32x512xi32, #tpu.memory_space<vmem>> -> memref<1x512xi32, #tpu.memory_space<vmem>>
    %dma_wait3A_483 = tpu.memref_squeeze %dma_wait3A_482 : memref<1x512xi32, #tpu.memory_space<vmem>> -> memref<512xi32, #tpu.memory_space<vmem>>
    %dma_wait3A_484 = arith.constant 0 : i32
    %dma_wait3A_485 = tpu.memref_slice %arg3[%dma_wait3A_484] : memref<32505856xf32, #tpu.memory_space<hbm>> -> memref<32505856xf32, #tpu.memory_space<hbm>>
    tpu.wait_indirect_dma semaphore(%arg8 : memref<!tpu.dma_semaphore, #tpu.memory_space<semaphore_mem>>) src(%dma_wait3A_485 : memref<32505856xf32, #tpu.memory_space<hbm>>) dst(%dma_wait3A_480 : memref<512xf32, #tpu.memory_space<vmem>>)
    %dma_wait3A_486 = arith.constant 16 : i32
    %dma_wait3A_487 = arith.constant 16 : i32
    %dma_wait3A_488 = arith.constant 0 : i32
    %dma_wait3A_489 = tpu.memref_slice %arg7[%dma_wait3A_487, %dma_wait3A_488] : memref<32x512xf32, #tpu.memory_space<vmem>> -> memref<1x512xf32, #tpu.memory_space<vmem>>
    %dma_wait3A_490 = tpu.memref_squeeze %dma_wait3A_489 : memref<1x512xf32, #tpu.memory_space<vmem>> -> memref<512xf32, #tpu.memory_space<vmem>>
    %dma_wait3A_491 = arith.constant 0 : i32
    %dma_wait3A_492 = tpu.memref_slice %arg6[%dma_wait3A_486, %dma_wait3A_491] : memref<32x512xi32, #tpu.memory_space<vmem>> -> memref<1x512xi32, #tpu.memory_space<vmem>>
    %dma_wait3A_493 = tpu.memref_squeeze %dma_wait3A_492 : memref<1x512xi32, #tpu.memory_space<vmem>> -> memref<512xi32, #tpu.memory_space<vmem>>
    %dma_wait3A_494 = arith.constant 0 : i32
    %dma_wait3A_495 = tpu.memref_slice %arg3[%dma_wait3A_494] : memref<32505856xf32, #tpu.memory_space<hbm>> -> memref<32505856xf32, #tpu.memory_space<hbm>>
    tpu.wait_indirect_dma semaphore(%arg8 : memref<!tpu.dma_semaphore, #tpu.memory_space<semaphore_mem>>) src(%dma_wait3A_495 : memref<32505856xf32, #tpu.memory_space<hbm>>) dst(%dma_wait3A_490 : memref<512xf32, #tpu.memory_space<vmem>>)
    %dma_wait3A_496 = arith.constant 17 : i32
    %dma_wait3A_497 = arith.constant 17 : i32
    %dma_wait3A_498 = arith.constant 0 : i32
    %dma_wait3A_499 = tpu.memref_slice %arg7[%dma_wait3A_497, %dma_wait3A_498] : memref<32x512xf32, #tpu.memory_space<vmem>> -> memref<1x512xf32, #tpu.memory_space<vmem>>
    %dma_wait3A_500 = tpu.memref_squeeze %dma_wait3A_499 : memref<1x512xf32, #tpu.memory_space<vmem>> -> memref<512xf32, #tpu.memory_space<vmem>>
    %dma_wait3A_501 = arith.constant 0 : i32
    %dma_wait3A_502 = tpu.memref_slice %arg6[%dma_wait3A_496, %dma_wait3A_501] : memref<32x512xi32, #tpu.memory_space<vmem>> -> memref<1x512xi32, #tpu.memory_space<vmem>>
    %dma_wait3A_503 = tpu.memref_squeeze %dma_wait3A_502 : memref<1x512xi32, #tpu.memory_space<vmem>> -> memref<512xi32, #tpu.memory_space<vmem>>
    %dma_wait3A_504 = arith.constant 0 : i32
    %dma_wait3A_505 = tpu.memref_slice %arg3[%dma_wait3A_504] : memref<32505856xf32, #tpu.memory_space<hbm>> -> memref<32505856xf32, #tpu.memory_space<hbm>>
    tpu.wait_indirect_dma semaphore(%arg8 : memref<!tpu.dma_semaphore, #tpu.memory_space<semaphore_mem>>) src(%dma_wait3A_505 : memref<32505856xf32, #tpu.memory_space<hbm>>) dst(%dma_wait3A_500 : memref<512xf32, #tpu.memory_space<vmem>>)
    %dma_wait3A_506 = arith.constant 18 : i32
    %dma_wait3A_507 = arith.constant 18 : i32
    %dma_wait3A_508 = arith.constant 0 : i32
    %dma_wait3A_509 = tpu.memref_slice %arg7[%dma_wait3A_507, %dma_wait3A_508] : memref<32x512xf32, #tpu.memory_space<vmem>> -> memref<1x512xf32, #tpu.memory_space<vmem>>
    %dma_wait3A_510 = tpu.memref_squeeze %dma_wait3A_509 : memref<1x512xf32, #tpu.memory_space<vmem>> -> memref<512xf32, #tpu.memory_space<vmem>>
    %dma_wait3A_511 = arith.constant 0 : i32
    %dma_wait3A_512 = tpu.memref_slice %arg6[%dma_wait3A_506, %dma_wait3A_511] : memref<32x512xi32, #tpu.memory_space<vmem>> -> memref<1x512xi32, #tpu.memory_space<vmem>>
    %dma_wait3A_513 = tpu.memref_squeeze %dma_wait3A_512 : memref<1x512xi32, #tpu.memory_space<vmem>> -> memref<512xi32, #tpu.memory_space<vmem>>
    %dma_wait3A_514 = arith.constant 0 : i32
    %dma_wait3A_515 = tpu.memref_slice %arg3[%dma_wait3A_514] : memref<32505856xf32, #tpu.memory_space<hbm>> -> memref<32505856xf32, #tpu.memory_space<hbm>>
    tpu.wait_indirect_dma semaphore(%arg8 : memref<!tpu.dma_semaphore, #tpu.memory_space<semaphore_mem>>) src(%dma_wait3A_515 : memref<32505856xf32, #tpu.memory_space<hbm>>) dst(%dma_wait3A_510 : memref<512xf32, #tpu.memory_space<vmem>>)
    %dma_wait3A_516 = arith.constant 19 : i32
    %dma_wait3A_517 = arith.constant 19 : i32
    %dma_wait3A_518 = arith.constant 0 : i32
    %dma_wait3A_519 = tpu.memref_slice %arg7[%dma_wait3A_517, %dma_wait3A_518] : memref<32x512xf32, #tpu.memory_space<vmem>> -> memref<1x512xf32, #tpu.memory_space<vmem>>
    %dma_wait3A_520 = tpu.memref_squeeze %dma_wait3A_519 : memref<1x512xf32, #tpu.memory_space<vmem>> -> memref<512xf32, #tpu.memory_space<vmem>>
    %dma_wait3A_521 = arith.constant 0 : i32
    %dma_wait3A_522 = tpu.memref_slice %arg6[%dma_wait3A_516, %dma_wait3A_521] : memref<32x512xi32, #tpu.memory_space<vmem>> -> memref<1x512xi32, #tpu.memory_space<vmem>>
    %dma_wait3A_523 = tpu.memref_squeeze %dma_wait3A_522 : memref<1x512xi32, #tpu.memory_space<vmem>> -> memref<512xi32, #tpu.memory_space<vmem>>
    %dma_wait3A_524 = arith.constant 0 : i32
    %dma_wait3A_525 = tpu.memref_slice %arg3[%dma_wait3A_524] : memref<32505856xf32, #tpu.memory_space<hbm>> -> memref<32505856xf32, #tpu.memory_space<hbm>>
    tpu.wait_indirect_dma semaphore(%arg8 : memref<!tpu.dma_semaphore, #tpu.memory_space<semaphore_mem>>) src(%dma_wait3A_525 : memref<32505856xf32, #tpu.memory_space<hbm>>) dst(%dma_wait3A_520 : memref<512xf32, #tpu.memory_space<vmem>>)
    %dma_wait3A_526 = arith.constant 20 : i32
    %dma_wait3A_527 = arith.constant 20 : i32
    %dma_wait3A_528 = arith.constant 0 : i32
    %dma_wait3A_529 = tpu.memref_slice %arg7[%dma_wait3A_527, %dma_wait3A_528] : memref<32x512xf32, #tpu.memory_space<vmem>> -> memref<1x512xf32, #tpu.memory_space<vmem>>
    %dma_wait3A_530 = tpu.memref_squeeze %dma_wait3A_529 : memref<1x512xf32, #tpu.memory_space<vmem>> -> memref<512xf32, #tpu.memory_space<vmem>>
    %dma_wait3A_531 = arith.constant 0 : i32
    %dma_wait3A_532 = tpu.memref_slice %arg6[%dma_wait3A_526, %dma_wait3A_531] : memref<32x512xi32, #tpu.memory_space<vmem>> -> memref<1x512xi32, #tpu.memory_space<vmem>>
    %dma_wait3A_533 = tpu.memref_squeeze %dma_wait3A_532 : memref<1x512xi32, #tpu.memory_space<vmem>> -> memref<512xi32, #tpu.memory_space<vmem>>
    %dma_wait3A_534 = arith.constant 0 : i32
    %dma_wait3A_535 = tpu.memref_slice %arg3[%dma_wait3A_534] : memref<32505856xf32, #tpu.memory_space<hbm>> -> memref<32505856xf32, #tpu.memory_space<hbm>>
    tpu.wait_indirect_dma semaphore(%arg8 : memref<!tpu.dma_semaphore, #tpu.memory_space<semaphore_mem>>) src(%dma_wait3A_535 : memref<32505856xf32, #tpu.memory_space<hbm>>) dst(%dma_wait3A_530 : memref<512xf32, #tpu.memory_space<vmem>>)
    %dma_wait3A_536 = arith.constant 21 : i32
    %dma_wait3A_537 = arith.constant 21 : i32
    %dma_wait3A_538 = arith.constant 0 : i32
    %dma_wait3A_539 = tpu.memref_slice %arg7[%dma_wait3A_537, %dma_wait3A_538] : memref<32x512xf32, #tpu.memory_space<vmem>> -> memref<1x512xf32, #tpu.memory_space<vmem>>
    %dma_wait3A_540 = tpu.memref_squeeze %dma_wait3A_539 : memref<1x512xf32, #tpu.memory_space<vmem>> -> memref<512xf32, #tpu.memory_space<vmem>>
    %dma_wait3A_541 = arith.constant 0 : i32
    %dma_wait3A_542 = tpu.memref_slice %arg6[%dma_wait3A_536, %dma_wait3A_541] : memref<32x512xi32, #tpu.memory_space<vmem>> -> memref<1x512xi32, #tpu.memory_space<vmem>>
    %dma_wait3A_543 = tpu.memref_squeeze %dma_wait3A_542 : memref<1x512xi32, #tpu.memory_space<vmem>> -> memref<512xi32, #tpu.memory_space<vmem>>
    %dma_wait3A_544 = arith.constant 0 : i32
    %dma_wait3A_545 = tpu.memref_slice %arg3[%dma_wait3A_544] : memref<32505856xf32, #tpu.memory_space<hbm>> -> memref<32505856xf32, #tpu.memory_space<hbm>>
    tpu.wait_indirect_dma semaphore(%arg8 : memref<!tpu.dma_semaphore, #tpu.memory_space<semaphore_mem>>) src(%dma_wait3A_545 : memref<32505856xf32, #tpu.memory_space<hbm>>) dst(%dma_wait3A_540 : memref<512xf32, #tpu.memory_space<vmem>>)
    %dma_wait3A_546 = arith.constant 22 : i32
    %dma_wait3A_547 = arith.constant 22 : i32
    %dma_wait3A_548 = arith.constant 0 : i32
    %dma_wait3A_549 = tpu.memref_slice %arg7[%dma_wait3A_547, %dma_wait3A_548] : memref<32x512xf32, #tpu.memory_space<vmem>> -> memref<1x512xf32, #tpu.memory_space<vmem>>
    %dma_wait3A_550 = tpu.memref_squeeze %dma_wait3A_549 : memref<1x512xf32, #tpu.memory_space<vmem>> -> memref<512xf32, #tpu.memory_space<vmem>>
    %dma_wait3A_551 = arith.constant 0 : i32
    %dma_wait3A_552 = tpu.memref_slice %arg6[%dma_wait3A_546, %dma_wait3A_551] : memref<32x512xi32, #tpu.memory_space<vmem>> -> memref<1x512xi32, #tpu.memory_space<vmem>>
    %dma_wait3A_553 = tpu.memref_squeeze %dma_wait3A_552 : memref<1x512xi32, #tpu.memory_space<vmem>> -> memref<512xi32, #tpu.memory_space<vmem>>
    %dma_wait3A_554 = arith.constant 0 : i32
    %dma_wait3A_555 = tpu.memref_slice %arg3[%dma_wait3A_554] : memref<32505856xf32, #tpu.memory_space<hbm>> -> memref<32505856xf32, #tpu.memory_space<hbm>>
    tpu.wait_indirect_dma semaphore(%arg8 : memref<!tpu.dma_semaphore, #tpu.memory_space<semaphore_mem>>) src(%dma_wait3A_555 : memref<32505856xf32, #tpu.memory_space<hbm>>) dst(%dma_wait3A_550 : memref<512xf32, #tpu.memory_space<vmem>>)
    %dma_wait3A_556 = arith.constant 23 : i32
    %dma_wait3A_557 = arith.constant 23 : i32
    %dma_wait3A_558 = arith.constant 0 : i32
    %dma_wait3A_559 = tpu.memref_slice %arg7[%dma_wait3A_557, %dma_wait3A_558] : memref<32x512xf32, #tpu.memory_space<vmem>> -> memref<1x512xf32, #tpu.memory_space<vmem>>
    %dma_wait3A_560 = tpu.memref_squeeze %dma_wait3A_559 : memref<1x512xf32, #tpu.memory_space<vmem>> -> memref<512xf32, #tpu.memory_space<vmem>>
    %dma_wait3A_561 = arith.constant 0 : i32
    %dma_wait3A_562 = tpu.memref_slice %arg6[%dma_wait3A_556, %dma_wait3A_561] : memref<32x512xi32, #tpu.memory_space<vmem>> -> memref<1x512xi32, #tpu.memory_space<vmem>>
    %dma_wait3A_563 = tpu.memref_squeeze %dma_wait3A_562 : memref<1x512xi32, #tpu.memory_space<vmem>> -> memref<512xi32, #tpu.memory_space<vmem>>
    %dma_wait3A_564 = arith.constant 0 : i32
    %dma_wait3A_565 = tpu.memref_slice %arg3[%dma_wait3A_564] : memref<32505856xf32, #tpu.memory_space<hbm>> -> memref<32505856xf32, #tpu.memory_space<hbm>>
    tpu.wait_indirect_dma semaphore(%arg8 : memref<!tpu.dma_semaphore, #tpu.memory_space<semaphore_mem>>) src(%dma_wait3A_565 : memref<32505856xf32, #tpu.memory_space<hbm>>) dst(%dma_wait3A_560 : memref<512xf32, #tpu.memory_space<vmem>>)
    %dma_wait3A_566 = arith.constant 24 : i32
    %dma_wait3A_567 = arith.constant 24 : i32
    %dma_wait3A_568 = arith.constant 0 : i32
    %dma_wait3A_569 = tpu.memref_slice %arg7[%dma_wait3A_567, %dma_wait3A_568] : memref<32x512xf32, #tpu.memory_space<vmem>> -> memref<1x512xf32, #tpu.memory_space<vmem>>
    %dma_wait3A_570 = tpu.memref_squeeze %dma_wait3A_569 : memref<1x512xf32, #tpu.memory_space<vmem>> -> memref<512xf32, #tpu.memory_space<vmem>>
    %dma_wait3A_571 = arith.constant 0 : i32
    %dma_wait3A_572 = tpu.memref_slice %arg6[%dma_wait3A_566, %dma_wait3A_571] : memref<32x512xi32, #tpu.memory_space<vmem>> -> memref<1x512xi32, #tpu.memory_space<vmem>>
    %dma_wait3A_573 = tpu.memref_squeeze %dma_wait3A_572 : memref<1x512xi32, #tpu.memory_space<vmem>> -> memref<512xi32, #tpu.memory_space<vmem>>
    %dma_wait3A_574 = arith.constant 0 : i32
    %dma_wait3A_575 = tpu.memref_slice %arg3[%dma_wait3A_574] : memref<32505856xf32, #tpu.memory_space<hbm>> -> memref<32505856xf32, #tpu.memory_space<hbm>>
    tpu.wait_indirect_dma semaphore(%arg8 : memref<!tpu.dma_semaphore, #tpu.memory_space<semaphore_mem>>) src(%dma_wait3A_575 : memref<32505856xf32, #tpu.memory_space<hbm>>) dst(%dma_wait3A_570 : memref<512xf32, #tpu.memory_space<vmem>>)
    %dma_wait3A_576 = arith.constant 25 : i32
    %dma_wait3A_577 = arith.constant 25 : i32
    %dma_wait3A_578 = arith.constant 0 : i32
    %dma_wait3A_579 = tpu.memref_slice %arg7[%dma_wait3A_577, %dma_wait3A_578] : memref<32x512xf32, #tpu.memory_space<vmem>> -> memref<1x512xf32, #tpu.memory_space<vmem>>
    %dma_wait3A_580 = tpu.memref_squeeze %dma_wait3A_579 : memref<1x512xf32, #tpu.memory_space<vmem>> -> memref<512xf32, #tpu.memory_space<vmem>>
    %dma_wait3A_581 = arith.constant 0 : i32
    %dma_wait3A_582 = tpu.memref_slice %arg6[%dma_wait3A_576, %dma_wait3A_581] : memref<32x512xi32, #tpu.memory_space<vmem>> -> memref<1x512xi32, #tpu.memory_space<vmem>>
    %dma_wait3A_583 = tpu.memref_squeeze %dma_wait3A_582 : memref<1x512xi32, #tpu.memory_space<vmem>> -> memref<512xi32, #tpu.memory_space<vmem>>
    %dma_wait3A_584 = arith.constant 0 : i32
    %dma_wait3A_585 = tpu.memref_slice %arg3[%dma_wait3A_584] : memref<32505856xf32, #tpu.memory_space<hbm>> -> memref<32505856xf32, #tpu.memory_space<hbm>>
    tpu.wait_indirect_dma semaphore(%arg8 : memref<!tpu.dma_semaphore, #tpu.memory_space<semaphore_mem>>) src(%dma_wait3A_585 : memref<32505856xf32, #tpu.memory_space<hbm>>) dst(%dma_wait3A_580 : memref<512xf32, #tpu.memory_space<vmem>>)
    %dma_wait3A_586 = arith.constant 26 : i32
    %dma_wait3A_587 = arith.constant 26 : i32
    %dma_wait3A_588 = arith.constant 0 : i32
    %dma_wait3A_589 = tpu.memref_slice %arg7[%dma_wait3A_587, %dma_wait3A_588] : memref<32x512xf32, #tpu.memory_space<vmem>> -> memref<1x512xf32, #tpu.memory_space<vmem>>
    %dma_wait3A_590 = tpu.memref_squeeze %dma_wait3A_589 : memref<1x512xf32, #tpu.memory_space<vmem>> -> memref<512xf32, #tpu.memory_space<vmem>>
    %dma_wait3A_591 = arith.constant 0 : i32
    %dma_wait3A_592 = tpu.memref_slice %arg6[%dma_wait3A_586, %dma_wait3A_591] : memref<32x512xi32, #tpu.memory_space<vmem>> -> memref<1x512xi32, #tpu.memory_space<vmem>>
    %dma_wait3A_593 = tpu.memref_squeeze %dma_wait3A_592 : memref<1x512xi32, #tpu.memory_space<vmem>> -> memref<512xi32, #tpu.memory_space<vmem>>
    %dma_wait3A_594 = arith.constant 0 : i32
    %dma_wait3A_595 = tpu.memref_slice %arg3[%dma_wait3A_594] : memref<32505856xf32, #tpu.memory_space<hbm>> -> memref<32505856xf32, #tpu.memory_space<hbm>>
    tpu.wait_indirect_dma semaphore(%arg8 : memref<!tpu.dma_semaphore, #tpu.memory_space<semaphore_mem>>) src(%dma_wait3A_595 : memref<32505856xf32, #tpu.memory_space<hbm>>) dst(%dma_wait3A_590 : memref<512xf32, #tpu.memory_space<vmem>>)
    %dma_wait3A_596 = arith.constant 27 : i32
    %dma_wait3A_597 = arith.constant 27 : i32
    %dma_wait3A_598 = arith.constant 0 : i32
    %dma_wait3A_599 = tpu.memref_slice %arg7[%dma_wait3A_597, %dma_wait3A_598] : memref<32x512xf32, #tpu.memory_space<vmem>> -> memref<1x512xf32, #tpu.memory_space<vmem>>
    %dma_wait3A_600 = tpu.memref_squeeze %dma_wait3A_599 : memref<1x512xf32, #tpu.memory_space<vmem>> -> memref<512xf32, #tpu.memory_space<vmem>>
    %dma_wait3A_601 = arith.constant 0 : i32
    %dma_wait3A_602 = tpu.memref_slice %arg6[%dma_wait3A_596, %dma_wait3A_601] : memref<32x512xi32, #tpu.memory_space<vmem>> -> memref<1x512xi32, #tpu.memory_space<vmem>>
    %dma_wait3A_603 = tpu.memref_squeeze %dma_wait3A_602 : memref<1x512xi32, #tpu.memory_space<vmem>> -> memref<512xi32, #tpu.memory_space<vmem>>
    %dma_wait3A_604 = arith.constant 0 : i32
    %dma_wait3A_605 = tpu.memref_slice %arg3[%dma_wait3A_604] : memref<32505856xf32, #tpu.memory_space<hbm>> -> memref<32505856xf32, #tpu.memory_space<hbm>>
    tpu.wait_indirect_dma semaphore(%arg8 : memref<!tpu.dma_semaphore, #tpu.memory_space<semaphore_mem>>) src(%dma_wait3A_605 : memref<32505856xf32, #tpu.memory_space<hbm>>) dst(%dma_wait3A_600 : memref<512xf32, #tpu.memory_space<vmem>>)
    %dma_wait3A_606 = arith.constant 28 : i32
    %dma_wait3A_607 = arith.constant 28 : i32
    %dma_wait3A_608 = arith.constant 0 : i32
    %dma_wait3A_609 = tpu.memref_slice %arg7[%dma_wait3A_607, %dma_wait3A_608] : memref<32x512xf32, #tpu.memory_space<vmem>> -> memref<1x512xf32, #tpu.memory_space<vmem>>
    %dma_wait3A_610 = tpu.memref_squeeze %dma_wait3A_609 : memref<1x512xf32, #tpu.memory_space<vmem>> -> memref<512xf32, #tpu.memory_space<vmem>>
    %dma_wait3A_611 = arith.constant 0 : i32
    %dma_wait3A_612 = tpu.memref_slice %arg6[%dma_wait3A_606, %dma_wait3A_611] : memref<32x512xi32, #tpu.memory_space<vmem>> -> memref<1x512xi32, #tpu.memory_space<vmem>>
    %dma_wait3A_613 = tpu.memref_squeeze %dma_wait3A_612 : memref<1x512xi32, #tpu.memory_space<vmem>> -> memref<512xi32, #tpu.memory_space<vmem>>
    %dma_wait3A_614 = arith.constant 0 : i32
    %dma_wait3A_615 = tpu.memref_slice %arg3[%dma_wait3A_614] : memref<32505856xf32, #tpu.memory_space<hbm>> -> memref<32505856xf32, #tpu.memory_space<hbm>>
    tpu.wait_indirect_dma semaphore(%arg8 : memref<!tpu.dma_semaphore, #tpu.memory_space<semaphore_mem>>) src(%dma_wait3A_615 : memref<32505856xf32, #tpu.memory_space<hbm>>) dst(%dma_wait3A_610 : memref<512xf32, #tpu.memory_space<vmem>>)
    %dma_wait3A_616 = arith.constant 29 : i32
    %dma_wait3A_617 = arith.constant 29 : i32
    %dma_wait3A_618 = arith.constant 0 : i32
    %dma_wait3A_619 = tpu.memref_slice %arg7[%dma_wait3A_617, %dma_wait3A_618] : memref<32x512xf32, #tpu.memory_space<vmem>> -> memref<1x512xf32, #tpu.memory_space<vmem>>
    %dma_wait3A_620 = tpu.memref_squeeze %dma_wait3A_619 : memref<1x512xf32, #tpu.memory_space<vmem>> -> memref<512xf32, #tpu.memory_space<vmem>>
    %dma_wait3A_621 = arith.constant 0 : i32
    %dma_wait3A_622 = tpu.memref_slice %arg6[%dma_wait3A_616, %dma_wait3A_621] : memref<32x512xi32, #tpu.memory_space<vmem>> -> memref<1x512xi32, #tpu.memory_space<vmem>>
    %dma_wait3A_623 = tpu.memref_squeeze %dma_wait3A_622 : memref<1x512xi32, #tpu.memory_space<vmem>> -> memref<512xi32, #tpu.memory_space<vmem>>
    %dma_wait3A_624 = arith.constant 0 : i32
    %dma_wait3A_625 = tpu.memref_slice %arg3[%dma_wait3A_624] : memref<32505856xf32, #tpu.memory_space<hbm>> -> memref<32505856xf32, #tpu.memory_space<hbm>>
    tpu.wait_indirect_dma semaphore(%arg8 : memref<!tpu.dma_semaphore, #tpu.memory_space<semaphore_mem>>) src(%dma_wait3A_625 : memref<32505856xf32, #tpu.memory_space<hbm>>) dst(%dma_wait3A_620 : memref<512xf32, #tpu.memory_space<vmem>>)
    %dma_wait3A_626 = arith.constant 30 : i32
    %dma_wait3A_627 = arith.constant 30 : i32
    %dma_wait3A_628 = arith.constant 0 : i32
    %dma_wait3A_629 = tpu.memref_slice %arg7[%dma_wait3A_627, %dma_wait3A_628] : memref<32x512xf32, #tpu.memory_space<vmem>> -> memref<1x512xf32, #tpu.memory_space<vmem>>
    %dma_wait3A_630 = tpu.memref_squeeze %dma_wait3A_629 : memref<1x512xf32, #tpu.memory_space<vmem>> -> memref<512xf32, #tpu.memory_space<vmem>>
    %dma_wait3A_631 = arith.constant 0 : i32
    %dma_wait3A_632 = tpu.memref_slice %arg6[%dma_wait3A_626, %dma_wait3A_631] : memref<32x512xi32, #tpu.memory_space<vmem>> -> memref<1x512xi32, #tpu.memory_space<vmem>>
    %dma_wait3A_633 = tpu.memref_squeeze %dma_wait3A_632 : memref<1x512xi32, #tpu.memory_space<vmem>> -> memref<512xi32, #tpu.memory_space<vmem>>
    %dma_wait3A_634 = arith.constant 0 : i32
    %dma_wait3A_635 = tpu.memref_slice %arg3[%dma_wait3A_634] : memref<32505856xf32, #tpu.memory_space<hbm>> -> memref<32505856xf32, #tpu.memory_space<hbm>>
    tpu.wait_indirect_dma semaphore(%arg8 : memref<!tpu.dma_semaphore, #tpu.memory_space<semaphore_mem>>) src(%dma_wait3A_635 : memref<32505856xf32, #tpu.memory_space<hbm>>) dst(%dma_wait3A_630 : memref<512xf32, #tpu.memory_space<vmem>>)
    %dma_wait3A_636 = arith.constant 31 : i32
    %dma_wait3A_637 = arith.constant 31 : i32
    %dma_wait3A_638 = arith.constant 0 : i32
    %dma_wait3A_639 = tpu.memref_slice %arg7[%dma_wait3A_637, %dma_wait3A_638] : memref<32x512xf32, #tpu.memory_space<vmem>> -> memref<1x512xf32, #tpu.memory_space<vmem>>
    %dma_wait3A_640 = tpu.memref_squeeze %dma_wait3A_639 : memref<1x512xf32, #tpu.memory_space<vmem>> -> memref<512xf32, #tpu.memory_space<vmem>>
    %dma_wait3A_641 = arith.constant 0 : i32
    %dma_wait3A_642 = tpu.memref_slice %arg6[%dma_wait3A_636, %dma_wait3A_641] : memref<32x512xi32, #tpu.memory_space<vmem>> -> memref<1x512xi32, #tpu.memory_space<vmem>>
    %dma_wait3A_643 = tpu.memref_squeeze %dma_wait3A_642 : memref<1x512xi32, #tpu.memory_space<vmem>> -> memref<512xi32, #tpu.memory_space<vmem>>
    %dma_wait3A_644 = arith.constant 0 : i32
    %dma_wait3A_645 = tpu.memref_slice %arg3[%dma_wait3A_644] : memref<32505856xf32, #tpu.memory_space<hbm>> -> memref<32505856xf32, #tpu.memory_space<hbm>>
    tpu.wait_indirect_dma semaphore(%arg8 : memref<!tpu.dma_semaphore, #tpu.memory_space<semaphore_mem>>) src(%dma_wait3A_645 : memref<32505856xf32, #tpu.memory_space<hbm>>) dst(%dma_wait3A_640 : memref<512xf32, #tpu.memory_space<vmem>>)
    "tpu.region"() ({
      %run_scoped3A = tpu.sem_alloc : memref<!tpu.dma_semaphore, #tpu.memory_space<semaphore_mem>>
      %dma_start3A_646 = arith.constant 0 : i32
      %dma_start3A_647 = tpu.memref_slice %arg4[%dma_start3A_646, %mul3A_2] : memref<32x16384xf32, #tpu.memory_space<hbm>> -> memref<32x512xf32, #tpu.memory_space<hbm>>
      %dma_start3A_648 = arith.constant 0 : i32
      %dma_start3A_649 = tpu.memref_slice %arg4[%dma_start3A_648, %mul3A_2] : memref<32x16384xf32, #tpu.memory_space<hbm>> -> memref<32x512xf32, #tpu.memory_space<hbm>>
      tpu.enqueue_dma source(%arg7 : memref<32x512xf32, #tpu.memory_space<vmem>>) target(%dma_start3A_649 : memref<32x512xf32, #tpu.memory_space<hbm>>) target_semaphore(%run_scoped3A : memref<!tpu.dma_semaphore, #tpu.memory_space<semaphore_mem>>)
      %dma_wait3A_650 = arith.constant 0 : i32
      %dma_wait3A_651 = tpu.memref_slice %arg4[%dma_wait3A_650, %mul3A_2] : memref<32x16384xf32, #tpu.memory_space<hbm>> -> memref<32x512xf32, #tpu.memory_space<hbm>>
      %dma_wait3A_652 = arith.constant 0 : i32
      %dma_wait3A_653 = tpu.memref_slice %arg4[%dma_wait3A_652, %mul3A_2] : memref<32x16384xf32, #tpu.memory_space<hbm>> -> memref<32x512xf32, #tpu.memory_space<hbm>>
      tpu.wait_dma2 semaphore(%run_scoped3A : memref<!tpu.dma_semaphore, #tpu.memory_space<semaphore_mem>>) src(%arg7 : memref<32x512xf32, #tpu.memory_space<vmem>>) dst(%dma_wait3A_653 : memref<32x512xf32, #tpu.memory_space<hbm>>)
      tpu.yield
    }) : () -> ()
    return
  }
}

</mosaic_0001>

<sc_bundles>
// kernel: _gather2.4.cloned.1.call-start
scs
__scs_entry_jumppad:
0x0: {  	(pc) =	sbr.rel $0x88, $3  }
0x1: {  	(tag) =	ssettag $0x0;
	lr =	simm.s32 $0x1  }
0x2: {  	[smem:$0x3F9F] =	sst lr;
	_ =	strace $0xD0000000  }
0x3: {  	_ = 	snop  }
0x4: {  	_ = 	snop  }
0x5: {  	_ = 	snop  }
0x6: {  	_ = 	snop  }
0x7: {  	_ = 	snop  }
__scs_overlays_trampoline_lowered:
0x8: {  	[smem:$0x3FAE] =	sst s0  }
0x9: {  	[smem:$0x3FAF] =	sst s1  }
0xa: {  	[smem:$0x3FB0] =	sst s2  }
0xb: {  	[smem:$0x3FB1] =	sst s3  }
0xc: {  	[smem:$0x3FB2] =	sst s4  }
0xd: {  	[smem:$0x3FB3] =	sst s5  }
0xe: {  	[smem:$0x3FB4] =	sst s6  }
0xf: {  	[smem:$0x3FB5] =	sst s7  }
0x10: {  	[smem:$0x3FB6] =	sst s8  }
0x11: {  	[smem:$0x3FB7] =	sst s9;
	s0 =	simm.s32 @!p0 $0x0  }
0x12: {  	s1 =	sld [smem:$0x3F9D];
	s0 =	simm.s32 @p0 $0x1  }
0x13: {  	[smem:$0x3FB8] =	sst s0;
	s0 =	simm.s32 @!p1 $0x0  }
0x14: {  	s2 =	sld [smem:$0x3F9C];
	s0 =	simm.s32 @p1 $0x1  }
0x15: {  	[smem:$0x3FB9] =	sst s0;
	s0 =	simm.s32 @!p2 $0x0  }
0x16: {  	s3 =	sld [smem:$0x3FDB];
	s0 =	simm.s32 @p2 $0x1  }
0x17: {  	s4 =	simm.s32 $0x1BF5;
	[smem:$0x3FBB] =	sst s0  }
0x18: {  	s0 =	sld [smem:$0x3F9E];
	_ =	swait.ge [sflag:s4], $0x0  }
0x19: {  	s7 =	sld [smem:$0x3F9F]  }
0x1a: {  	s8 =	sadd.s32 $0xFFFFE003, lr  }
0x1b: {  	s9 =	sadd.s32 $0xFFFFFEF7, lr;
	s5 =	simm.s32 $0xFFFFFFFF;
	p2 =	slt.u32 s8, $0xFFFFF086  }
0x1c: {  	p1 =	slt.u32 s9, $0xF7A;
	s5 =	simm.s32 @!p2 $0x0  }
0x1d: {  	s5 =	simm.s32 @p1 $0x1;
	p0 =	seq.s32 s7, s2  }
0x1e: {  	s7 =	smul.u32 @!p0 $0xF7A, s2;
	p2 =	seq.s32 @!p0 s5, $0x0  }
0x1f: {  	s9 =	smul.u32 $0xF7A, s1;
	s8 =	simm.s32 @!p0 $0x1BF5;
	p2 =	por !p2, p0  }
0x20: {  	[sflag:s8] =	ssyncset.s32 @!p0 $0xFFFFF086;
	s6 =	sadd.s32 @!p0 s3, s7;
	s7 =	simm.s32 @!p0 $0x108  }
0x21: {  	s3 =	sadd.s32 s3, s9;
	s6 =	sadd.s32 @!p0 $0x88, s6;
	s7 =	simm.s32 @p2 $0x1082  }
0x22: {  	[simem:s7], [sflag:s8] =	dma.local @!p0 [hbm:s6], $0xF7A  }
0x23: {  	s9 =	sor.u32 $0xD0000000, s2;
	s6 =	simm.s32 $0x108;
	_ =	swait.ge @!p0 [sflag:s8], $0x0  }
0x24: {  	s3 =	sadd.s32 $0x88, s3;
	s6 =	simm.s32 @!p1 $0x1082;
	[sflag:s4] =	ssyncset.s32 $0xFFFFF086  }
0x25: {  	[simem:s6], [sflag:s4] =	dma.local [hbm:s3], $0xF7A  }
0x26: {  	[smem:$0x3F9F] =	sst s1;
	(tag) =	ssettag s2;
	_ =	strace s9  }
0x27: {  	s1 =	sld [smem:$0x3FAF]  }
0x28: {  	s2 =	sld [smem:$0x3FB0]  }
0x29: {  	s4 =	sld [smem:$0x3FB2]  }
0x2a: {  	p0 =	seq.s32 s5, $0x0;
	s5 =	sld [smem:$0x3FB3]  }
0x2b: {  	s6 =	sld [smem:$0x3FB4]  }
0x2c: {  	s7 =	sld [smem:$0x3FB5]  }
0x2d: {  	s3 =	simm.s32 $0x108;
	s8 =	sld [smem:$0x3FB6]  }
0x2e: {  	s3 =	simm.s32 @!p0 $0x1082;
	s9 =	sld [smem:$0x3FB7]  }
0x2f: {  	lr =	sadd.s32 s0, s3;
	s0 =	sld [smem:$0x3FAE]  }
0x30: {  	s3 =	sld [smem:$0x3FB1]  }
0x31: {  	[smem:$0x3FBA] =	sst s10  }
0x32: {  	s10 =	sld [smem:$0x3FB8];
	_ =	sdelay $0x3  }
0x33: {  	p0 =	seq.s32 s10, $0x1;
	s10 =	sld [smem:$0x3FBA];
	_ =	sdelay $0x3  }
0x34: {  	[smem:$0x3FBA] =	sst s10  }
0x35: {  	s10 =	sld [smem:$0x3FB9];
	_ =	sdelay $0x3  }
0x36: {  	p1 =	seq.s32 s10, $0x1;
	s10 =	sld [smem:$0x3FBA];
	_ =	sdelay $0x3  }
0x37: {  	[smem:$0x3FBA] =	sst s10  }
0x38: {  	s10 =	sld [smem:$0x3FBB]  }
0x39: {  	_ = 	snop;
	(pc) =	sbr.ind lr, $3  }
0x3a: {  	_ = 	snop  }
0x3b: {  	_ = 	snop  }
0x3c: {  	p2 =	seq.s32 s10, $0x1;
	s10 =	sld [smem:$0x3FBA]  }
0x3d: {  	_ =	shalt  }
0x3e: {  	_ =	shalt  }
0x3f: {  	_ =	shalt  }
0x40: {  	_ =	shalt  }
0x41: {  	_ =	shalt  }
0x42: {  	_ =	shalt  }
0x43: {  	_ =	shalt  }
0x44: {  	_ =	shalt  }
0x45: {  	_ =	shalt  }
0x46: {  	_ =	shalt  }
0x47: {  	_ =	shalt  }
0x48: {  	_ =	shalt  }
0x49: {  	_ =	shalt  }
0x4a: {  	_ =	shalt  }
0x4b: {  	_ =	shalt  }
0x4c: {  	_ =	shalt  }
0x4d: {  	_ =	shalt  }
0x4e: {  	_ =	shalt  }
0x4f: {  	_ =	shalt  }
0x50: {  	_ =	shalt  }
0x51: {  	_ =	shalt  }
0x52: {  	_ =	shalt  }
0x53: {  	_ =	shalt  }
0x54: {  	_ =	shalt  }
0x55: {  	_ =	shalt  }
0x56: {  	_ =	shalt  }
0x57: {  	_ =	shalt  }
0x58: {  	_ =	shalt  }
0x59: {  	_ =	shalt  }
0x5a: {  	_ =	shalt  }
0x5b: {  	_ =	shalt  }
0x5c: {  	_ =	shalt  }
0x5d: {  	_ =	shalt  }
0x5e: {  	_ =	shalt  }
0x5f: {  	_ =	shalt  }
0x60: {  	_ =	shalt  }
0x61: {  	_ =	shalt  }
0x62: {  	_ =	shalt  }
0x63: {  	_ =	shalt  }
0x64: {  	_ =	shalt  }
0x65: {  	_ =	shalt  }
0x66: {  	_ =	shalt  }
0x67: {  	_ =	shalt  }
0x68: {  	_ =	shalt  }
0x69: {  	_ =	shalt  }
0x6a: {  	_ =	shalt  }
0x6b: {  	_ =	shalt  }
0x6c: {  	_ =	shalt  }
0x6d: {  	_ =	shalt  }
0x6e: {  	_ =	shalt  }
0x6f: {  	_ =	shalt  }
0x70: {  	_ =	shalt  }
0x71: {  	_ =	shalt  }
0x72: {  	_ =	shalt  }
0x73: {  	_ =	shalt  }
0x74: {  	_ =	shalt  }
0x75: {  	_ =	shalt  }
0x76: {  	_ =	shalt  }
0x77: {  	_ =	shalt  }
0x78: {  	_ =	shalt  }
0x79: {  	_ =	shalt  }
0x7a: {  	_ =	shalt  }
0x7b: {  	_ =	shalt  }
0x7c: {  	_ =	shalt  }
0x7d: {  	_ =	shalt  }
0x7e: {  	_ =	shalt  }
0x7f: {  	_ =	shalt  }
0x80: {  	_ =	shalt  }
0x81: {  	_ =	shalt  }
0x82: {  	_ =	shalt  }
0x83: {  	_ =	shalt  }
0x84: {  	_ =	shalt  }
0x85: {  	_ =	shalt  }
0x86: {  	_ =	shalt  }
0x87: {  	_ =	shalt  }
.Lfunc_end0:
.L_simem_size_0:
called_computation.1_lowered:
.L_overlay_start_0:
0x88: {  	s2 =	sld [smem:$0x3FD9]  }
0x89: {  	s3 =	sld [smem:$0x3FFE];
	_ =	sdelay $0x1  }
0x8a: {  	s1 =	srdreg.scid  }
0x8b: {  	s0 =	sand.u32 $0x1, s1  }
0x8c: {  	s17 =	sshll.u32 s0, $0xA;
	s2 =	sadd.s32 s3, s2  }
0x8d: {  	s2 =	sadd.s32 s2, s17  }
0x8e: {  	[smem:$0x3FC6] =	sst s2  }
0x8f: {  	_ = 	snop  }
0x90: {  	s2 =	sld [smem:$0x3FC8];
	(tm) =	ssettm $0x1  }
0x91: {  	s18 =	sld [smem:$0x3FFB];
	_ =	sdelay $0x3  }
0x92: {  	_ =	strace s18  }
0x93: {  	s3 =	sld [smem:$0x3FFC];
	_ =	sdelay $0x3  }
0x94: {  	_ =	strace s3  }
0x95: {  	s3 =	sld [smem:$0x3FFD];
	_ =	sdelay $0x3  }
0x96: {  	_ =	strace s3  }
0x97: {  	_ =	strace $0x8FFFFFFF  }
0x98: {  	s19 =	sld [smem:$0x3FDB];
	_ =	sdelay $0x1  }
0x99: {  	s4 =	simm.s32 $_scs_section_size  }
0x9a: {  	s5 =	simm.s32 $_size__tile_overlayer_lowered;
	s6 =	simm.s32 $_tile_overlayer_lowered  }
0x9b: {  	s22 =	simm.s32 $0x1BFF;
	s21 =	sshll.u32 s6, $0x1;
	s3 =	sadd.s32 s4, s19  }
0x9c: {  	s7 =	simm.s32 $0x0;
	s20 =	sshll.u32 s5, $0x1;
	s5 =	sadd.s32 s21, s3  }
0x9d: {  	[timem:s7], [sflag:s22] =	dma.local [hbm:s5], s20  }
0x9e: {  	_ =	swait.ge [sflag:s22], s20  }
0x9f: {  	s4 =	ssub.s32 $0x0, s20;
	[sflag:s22] =	ssyncset.done $0x0  }
0xa0: {  	[sflag:s22] =	ssyncadd.s32 s4;
	_ =	sdelay $0x1  }
0xa1: {  	s23 =	simm.s32 $0x1B8B  }
0xa2: {  	_ =	swait.ge [sflag:s23], $0x1  }
0xa3: {  	[sflag:s23] =	ssyncset.done $0x0  }
0xa4: {  	s25 =	simm.s32 $0x1B8E;
	s24 =	sld [smem:$0x3FFE];
	[sflag:s23] =	ssyncadd.s32 $0xFFFFFFFF  }
0xa5: {  	s26 =	simm.s32 $execute0_lowered;
	[smem:$0x3FD2] =	sst s25  }
0xa6: {  	s5 =	sshll.u32 s26, $0x1;
	_ =	strace $0x80000046;
	[dreg:$0x1] =	wrdreg $0xFFFFFFFF  }
0xa7: {  	s28 =	simm.s32 $_size_execute0_lowered;
	s3 =	sadd.s32 s3, s5;
	[dreg:$0x0] =	wrdreg $0x0  }
0xa8: {  	s5 =	sshll.u32 s28, $0x1;
	[dreg:$0x2] =	wrdreg s3  }
0xa9: {  	[dreg:$0x3] =	wrdreg s5  }
0xaa: {  	[dreg:$0x4] =	wrdreg $0xC0  }
0xab: {  	_ =	task [dreg:s7], $0x5FFFF  }
0xac: {  	[dreg:$0x1] =	wrdreg $0xFFFFFFFF  }
0xad: {  	[dreg:$0x0] =	wrdreg $0x60  }
0xae: {  	[dreg:$0x2] =	wrdreg s2  }
0xaf: {  	[dreg:$0x3] =	wrdreg s24  }
0xb0: {  	[dreg:$0x4] =	wrdreg $0x9  }
0xb1: {  	_ =	task.clear_ibuf [dreg:s7], $0x5FFFF;
	_ =	strace $0x90000046  }
0xb2: {  	s29 =	simm.s32 $0x9;
	_ =	strace $0x80000048  }
0xb3: {  	_ =	swait.ge [sflag:s29], $0x1  }
0xb4: {  	[sflag:s29] =	ssyncadd.s32 $0xFFFFFFFF  }
0xb5: {  	_ =	strace $0x90000048  }
0xb6: {  	_ =	sfence  }
0xb7: {  	s30 =	sld [smem:$0x0];
	_ =	sdelay $0x2  }
0xb8: {  	s31 =	sshll.u32 s1, $0xD;
	s1 =	sshrl.u32 s1, $0x2  }
0xb9: {  	s3 =	sand.u32 $0x4000, s31;
	s1 =	sadd.s32 s1, s30  }
0xba: {  	s0 =	sor.u32 s3, s0;
	s1 =	sshll.u32 s1, $0x11  }
0xbb: {  	s0 =	sor.u32 s1, s0  }
0xbc: {  	s0 =	sadd.s32 $0x8F2B, s0  }
0xbd: {  	[sflag:s0] =	ssyncadd.remote.s32 $0x1  }
0xbe: {  	_ =	sfence.sel $0xFFFF  }
0xbf: {  	[dreg:$0x0] =	wrdreg $0xFFFFFFFF;
	(pc) =	sbr.abs _section_cstart, $3  }
0xc0: {  	[dreg:$0x1] =	wrdreg $0xFFFFFFFF  }
0xc1: {  	_ =	task.clear_ibuf [dreg:s7], $0x2FFFF;
	_ =	strace $0x9FFFFFFF  }
0xc2: {  	(tm) =	ssettm $0x7FFFFFFF  }
0xc3: {  	_ =	shalt  }
tec
execute0_lowered:
.L_overlay_start_1:
0x0: {  	(tag) =	ssettag $0x1  }
0x1: {  	s1 =	srdreg.scid;
	s0 =	stileid.u32  }
0x2: {  	s1 =	sand.u32 $0x1, s1;
	s2 =	sshll.u32 s0, $0x1  }
0x3: {  	s18 =	sor.u32 s1, s2  }
0x4: {  	s9 =	rddreg [dreg:$0x0];
	s2 =	smul.u32 $0x68, s18  }
0x5: {  	s5 =	rddreg [dreg:$0x1];
	s6 =	simm.s32 $0x0;
	s10 =	sshll.u32 s18, $0x3  }
0x6: {  	[smem:$0x7FF] =	sst s6;
	s16 =	sor.u32 $0x1, s10;
	s2 =	sshrl.u32 s2, $0x8  }
0x7: {  	s1 =	ssub.s32 $0x2, s1;
	s4 =	smul.u32 $0xD, s16;
	s3 =	ssub.s32 s10, s2  }
0x8: {  	s19 =	sadd.s32 $0xC00, s5;
	s7 =	sshrl.u32 s1, $0x1;
	s3 =	sand.u32 $0xFE, s3  }
0x9: {  	s23 =	sor.u32 $0x2, s10;
	s4 =	sshrl.u32 s4, $0x8;
	s3 =	sshrl.u32 s3, $0x1  }
0xa: {  	s30 =	sor.u32 $0x3, s10;
	s20 =	ssub.s32 s16, s4;
	s2 =	sadd.s32 s2, s3  }
0xb: {  	s8 =	smul.u32 $0xD, s23;
	s5 =	sand.u32 $0xFE, s20;
	s2 =	sand.u32 $0xE0, s2  }
0xc: {  	s12 =	smul.u32 $0xD, s30;
	s5 =	sshrl.u32 s5, $0x1;
	s2 =	sshrl.u32 s2, $0x5  }
0xd: {  	p0 =	seq.s32 s18, $0x1F;
	s4 =	sadd.s32 s4, s5;
	s17 =	smul.u32 $0x3D, s2  }
0xe: {  	s8 =	sshrl.u32 s8, $0x8;
	s22 =	smul.u32 $0x7A1400, s2;
	s4 =	sand.u32 $0xE0, s4  }
0xf: {  	s12 =	sshrl.u32 s12, $0x8;
	s2 =	smul.u32 $0x3E, s2;
	s4 =	sshrl.u32 s4, $0x5  }
0x10: {  	s26 =	ssub.s32 s23, s8;
	s13 =	ssub.s32 s30, s12;
	s25 =	smul.u32 $0x3D, s4  }
0x11: {  	s20 =	ssub.s32 s1, s7;
	s6 =	ssub.s32 s10, s17;
	s29 =	smul.u32 $0x7A1400, s4  }
0x12: {  	s20 =	smax.u32 s20, $0x1;
	s4 =	smul.u32 $0x3E, s4;
	s21 =	sand.u32 $0xFF, s6  }
0x13: {  	s24 =	sshll.u32 s21, $0x11;
	s2 =	sadd.s32 s21, s2;
	s3 =	ssub.s32 s16, s25  }
0x14: {  	s6 =	sadd.s32 s24, s22;
	s2 =	sshll.u32 s2, $0xE;
	s3 =	sand.u32 $0xFF, s3  }
0x15: {  	s22 =	sor.u32 $0x4, s10;
	s6 =	sshrl.u32 s6, $0x3;
	s2 =	sadd.s32 s19, s2  }
0x16: {  	s11 =	sshll.u32 s3, $0x11;
	s1 =	sadd.s32 s9, s6;
	s6 =	sand.u32 $0xFE, s26  }
0x17: {  	s4 =	sadd.s32 s3, s4;
	s7 =	sadd.s32 s11, s29;
	s6 =	sshrl.u32 s6, $0x1  }
0x18: {  	p1 =	sgt.u32 @!p0 s22, $0xF3;
	s7 =	sshrl.u32 s7, $0x3;
	s6 =	sadd.s32 s8, s6  }
0x19: {  	s3 =	sadd.s32 s9, s7;
	s7 =	sand.u32 $0xFE, s13;
	s6 =	sand.u32 $0xE0, s6  }
0x1a: {  	s13 =	smul.u32 $0xD, s22;
	s7 =	sshrl.u32 s7, $0x1;
	s6 =	sshrl.u32 s6, $0x5  }
0x1b: {  	p5 =	slt.u32 s22, $0xF4;
	s7 =	sadd.s32 s12, s7;
	s31 =	smul.u32 $0x3D, s6  }
0x1c: {  	s4 =	sshll.u32 s4, $0xE;
	s14 =	smul.u32 $0x7A1400, s6;
	s7 =	sand.u32 $0xE0, s7  }
0x1d: {  	p1 =	por p1, p0;
	s6 =	smul.u32 $0x3E, s6;
	s7 =	sshrl.u32 s7, $0x5  }
0x1e: {  	s4 =	sadd.s32 s19, s4;
	s13 =	sshrl.u32 s13, $0x8;
	s16 =	smul.u32 $0x3D, s7  }
0x1f: {  	s17 =	ssub.s32 s22, s13;
	s5 =	ssub.s32 s23, s31;
	s21 =	smul.u32 $0x7A1400, s7  }
0x20: {  	s23 =	sor.u32 $0x5, s10;
	s7 =	smul.u32 $0x3E, s7;
	s5 =	sand.u32 $0xFF, s5  }
0x21: {  	p6 =	slt.u32 s23, $0xF4;
	s15 =	sshll.u32 s5, $0x11;
	s6 =	sadd.s32 s5, s6  }
0x22: {  	s8 =	ssub.s32 s30, s16;
	s11 =	sadd.s32 s15, s14;
	s6 =	sshll.u32 s6, $0xE  }
0x23: {  	s8 =	sand.u32 $0xFF, s8;
	s14 =	smul.u32 $0xD, s23;
	s11 =	sshrl.u32 s11, $0x3  }
0x24: {  	s6 =	sadd.s32 s19, s6;
	s24 =	sshll.u32 s8, $0x11;
	s8 =	sadd.s32 s8, s7  }
0x25: {  	s5 =	sadd.s32 s9, s11;
	s11 =	sand.u32 $0xFE, s17;
	s12 =	sadd.s32 s24, s21  }
0x26: {  	s14 =	sshrl.u32 s14, $0x8;
	s8 =	sshll.u32 s8, $0xE;
	s24 =	sor.u32 $0x6, s10  }
0x27: {  	s21 =	sshllo.u32 s18, $0x3;
	s11 =	sshrl.u32 s11, $0x1;
	s12 =	sshrl.u32 s12, $0x3  }
0x28: {  	s26 =	ssub.s32 s23, s14;
	s8 =	sadd.s32 s19, s8;
	s30 =	smul.u32 $0xD, s24  }
0x29: {  	s17 =	smul.u32 $0xD, s21;
	p2 =	sgt.u32 @!p0 s21, $0xF3;
	s11 =	sadd.s32 s13, s11  }
0x2a: {  	s7 =	sadd.s32 s9, s12;
	s12 =	sand.u32 $0xFE, s26;
	s11 =	sand.u32 $0xE0, s11  }
0x2b: {  	p3 =	por p2, p0;
	s12 =	sshrl.u32 s12, $0x1;
	s11 =	sshrl.u32 s11, $0x5  }
0x2c: {  	p4 =	por !p2, p0;
	s12 =	sadd.s32 s14, s12;
	s25 =	smul.u32 $0x3D, s11  }
0x2d: {  	s26 =	sshrl.u32 s17, $0x8;
	s15 =	smul.u32 $0x7A1400, s11;
	s12 =	sand.u32 $0xE0, s12  }
0x2e: {  	s14 =	sshrl.u32 s30, $0x8;
	s11 =	smul.u32 $0x3E, s11;
	s12 =	sshrl.u32 s12, $0x5  }
0x2f: {  	s16 =	ssub.s32 s24, s14;
	s13 =	ssub.s32 s22, s25;
	s31 =	smul.u32 $0x3D, s12  }
0x30: {  	s25 =	sand.u32 $0xFE, s16;
	s30 =	smul.u32 $0x3E, s12;
	s22 =	simm.s32 @!p6 $0x0  }
0x31: {  	s12 =	smul.u32 $0x7A1400, s12;
	s13 =	sand.u32 $0xFF, s13;
	s22 =	simm.s32 @p6 $0x1  }
0x32: {  	p6 =	slt.u32 s24, $0xF4;
	s29 =	sshll.u32 s13, $0x11;
	s11 =	sadd.s32 s13, s11  }
0x33: {  	s13 =	sshrl.u32 s25, $0x1;
	s10 =	sadd.s32 s29, s15;
	s15 =	ssub.s32 s23, s31  }
0x34: {  	s13 =	sadd.s32 s14, s13;
	s29 =	ssub.s32 s21, s26;
	s11 =	sshll.u32 s11, $0xE  }
0x35: {  	s10 =	sshrl.u32 s10, $0x3;
	s15 =	sand.u32 $0xFF, s15;
	s13 =	sand.u32 $0xE0, s13  }
0x36: {  	s14 =	sand.u32 $0xFE, s29;
	s11 =	sadd.s32 s19, s11;
	s13 =	sshrl.u32 s13, $0x5  }
0x37: {  	s10 =	sadd.s32 s9, s10;
	s14 =	sshrl.u32 s14, $0x1;
	s25 =	smul.u32 $0x3D, s13  }
0x38: {  	s17 =	sadd.s32 s15, s30;
	s14 =	sadd.s32 s26, s14;
	s31 =	smul.u32 $0x3E, s13  }
0x39: {  	s15 =	sshll.u32 s15, $0x11;
	s13 =	smul.u32 $0x7A1400, s13;
	s14 =	sand.u32 $0xE0, s14  }
0x3a: {  	s12 =	sadd.s32 s15, s12;
	s17 =	sshll.u32 s17, $0xE;
	s14 =	sshrl.u32 s14, $0x5  }
0x3b: {  	s12 =	sshrl.u32 s12, $0x3;
	s25 =	ssub.s32 s24, s25;
	s26 =	smul.u32 $0x3D, s14  }
0x3c: {  	s12 =	sadd.s32 s9, s12;
	s25 =	sand.u32 $0xFF, s25;
	s30 =	smul.u32 $0x3E, s14  }
0x3d: {  	s14 =	smul.u32 $0x7A1400, s14;
	s16 =	sadd.s32 s25, s31;
	s15 =	sshll.u32 s25, $0x11  }
0x3e: {  	s31 =	smul.u32 $0x7A1400, s18;
	s13 =	sadd.s32 s15, s13;
	s29 =	ssub.s32 s21, s26  }
0x3f: {  	s26 =	sshll.u32 s16, $0xE;
	s16 =	sadd.s32 s19, s17;
	s15 =	sand.u32 $0xFF, s29  }
0x40: {  	s13 =	sshrl.u32 s13, $0x3;
	s29 =	smul.u32 $0x7C0000, s18;
	s17 =	sadd.s32 s19, s26  }
0x41: {  	s25 =	sadd.s32 s15, s30;
	s15 =	sshll.u32 s15, $0x11;
	s13 =	sadd.s32 s9, s13  }
0x42: {  	s14 =	sadd.s32 s15, s14;
	s15 =	sshrl.u32 s31, $0x3;
	s30 =	sshll.u32 s25, $0xE  }
0x43: {  	s31 =	sshrl.u32 s29, $0x3;
	s25 =	simm.s32 @!p1 $0x0;
	s14 =	sshrl.u32 s14, $0x3  }
0x44: {  	s28 =	sadd.s32 s9, s15;
	s15 =	sadd.s32 s19, s30;
	s19 =	sadd.s32 s19, s31  }
0x45: {  	s25 =	simm.s32 @p1 $0x1;
	p1 =	sgt.u32 @!p0 s23, $0xF3;
	s14 =	sadd.s32 s9, s14  }
0x46: {  	s9 =	rddreg [dreg:$0x2];
	_ =	strace $0x80000047;
	s18 =	sadd.s32 $0xF4000, s28  }
0x47: {  	s19 =	sadd.s32 $0xF4000, s19;
	[smem:$0x7F7] =	sst s25;
	p1 =	por p1, p0  }
0x48: {  	s28 =	sadd.s32 $0xFFFFFFFF, s20;
	[smem:$0x7FA] =	sst s22;
	s22 =	simm.s32 @!p6 $0x0  }
0x49: {  	s25 =	simm.s32 @!p1 $0x0;
	p2 =	sne.s32 s28, $0x0;
	s22 =	simm.s32 @p6 $0x1  }
0x4a: {  	s25 =	simm.s32 @p1 $0x1;
	p1 =	sgt.u32 @!p0 s24, $0xF3;
	[smem:$0x7FB] =	sst s22  }
.Ltmp0:
0x4b: {  	s22 =	simm.s32 @!p4 $0x0;
	p1 =	por p1, p0;
	(pc) =	sbr.rel @!p2 .LBB2_1-.Ltmp0, $4  }
0x4c: {  	[smem:$0x7F8] =	sst s25;
	s22 =	simm.s32 @p4 $0x1;
	s21 =	simm.s32 @!p1 $0x0  }
0x4d: {  	[smem:$0x7FC] =	sst s22;
	s22 =	simm.s32 @!p5 $0x0;
	s21 =	simm.s32 @p1 $0x1  }
0x4e: {  	p1 =	sgt.u32 s0, $0x1;
	s22 =	simm.s32 @p5 $0x1;
	[smem:$0x7F9] =	sst s21  }
0x4f: {  	s21 =	sshll.u32 @!p0 s0, $0x6;
	s20 =	sshll.u32 @!p1 s0, $0x6;
	[smem:$0x7FD] =	sst s22  }
0x50: {  	s24 =	sor.u32 @!p0 $0x1C01, s21  }
0x51: {  	[hbm:s2], [sflag:s24] =	dma.local @!p0 [hbm:s1], $0x4000  }
0x52: {  	[hbm:s4], [sflag:s24] =	dma.local @!p0 [hbm:s3], $0x4000  }
0x53: {  	[hbm:s6], [sflag:s24] =	dma.local @!p0 [hbm:s5], $0x4000  }
0x54: {  	[hbm:s8], [sflag:s24] =	dma.local @!p0 [hbm:s7], $0x4000  }
0x55: {  	s25 =	sld [smem:$0x7F7];
	_ =	sdelay $0x2  }
0x56: {  	p2 =	seq.s32 s25, $0x1  }
0x57: {  	[hbm:s11], [sflag:s24] =	dma.local @!p2 [hbm:s10], $0x4000  }
0x58: {  	s26 =	sld [smem:$0x7F8];
	_ =	sdelay $0x2  }
0x59: {  	p2 =	seq.s32 s26, $0x1  }
0x5a: {  	[hbm:s16], [sflag:s24] =	dma.local @!p2 [hbm:s12], $0x4000  }
0x5b: {  	s31 =	sld [smem:$0x7F9];
	_ =	sdelay $0x2  }
0x5c: {  	s22 =	sor.u32 @!p1 $0x1C01, s20;
	s23 =	simm.s32 @!p0 $0x1;
	p2 =	seq.s32 s31, $0x1  }
0x5d: {  	[hbm:s17], [sflag:s24] =	dma.local @!p2 [hbm:s13], $0x4000  }
0x5e: {  	[hbm:s15], [sflag:s24] =	dma.local @!p3 [hbm:s14], $0x4000  }
0x5f: {  	[hbm:s19], [sflag:s22] =	dma.local @!p1 [hbm:s18], $0x280  }
0x60: {  	_ =	swait.ge @!p0 [sflag:s23], $0x4000  }
0x61: {  	[sflag:s23] =	ssyncset.done @!p0 $0x0  }
0x62: {  	[sflag:s23] =	ssyncadd.s32 @!p0 $0xFFFFC000  }
0x63: {  	_ =	swait.ge @!p0 [sflag:s23], $0x4000  }
0x64: {  	[sflag:s23] =	ssyncset.done @!p0 $0x0  }
0x65: {  	[sflag:s23] =	ssyncadd.s32 @!p0 $0xFFFFC000  }
0x66: {  	s24 =	simm.s32 @!p3 $0x0;
	_ =	swait.ge @!p0 [sflag:s23], $0x4000  }
0x67: {  	s24 =	simm.s32 @p3 $0x1;
	[sflag:s23] =	ssyncset.done @!p0 $0x0  }
0x68: {  	[smem:$0x7F4] =	sst s24;
	[sflag:s23] =	ssyncadd.s32 @!p0 $0xFFFFC000  }
0x69: {  	p6 =	por p4, p4;
	_ =	swait.ge @!p0 [sflag:s23], $0x4000  }
0x6a: {  	p4 =	por p3, p3;
	p3 =	por @!p3 $0x1, $0x1;
	s26 =	sld [smem:$0x7FA]  }
0x6b: {  	p2 =	por $0x0, $0x0;
	p3 =	por @!p6 p5, p5  }
0x6c: {  	p2 =	por @!p0 p3, p3;
	p3 =	por @!p4 $0x1, $0x1;
	[sflag:s23] =	ssyncset.done @!p0 $0x0  }
0x6d: {  	s24 =	simm.s32 @p2 $0x1;
	[sflag:s23] =	ssyncadd.s32 @!p0 $0xFFFFC000;
	p5 =	seq.s32 s26, $0x1  }
0x6e: {  	_ =	swait.ge @p2 [sflag:s24], $0x4000;
	p3 =	por @!p6 p5, p5;
	p6 =	por $0x0, $0x0  }
0x6f: {  	[sflag:s24] =	ssyncset.done @p2 $0x0;
	s31 =	sld [smem:$0x7FC];
	p6 =	por @!p0 p3, p3  }
0x70: {  	s26 =	sld [smem:$0x7FB];
	[sflag:s24] =	ssyncadd.s32 @p2 $0xFFFFC000;
	s25 =	simm.s32 @p6 $0x1  }
0x71: {  	_ =	swait.ge @p6 [sflag:s25], $0x4000  }
0x72: {  	p5 =	seq.s32 s31, $0x1;
	s31 =	sld [smem:$0x7F4]  }
0x73: {  	p3 =	por @!p4 $0x1, $0x1;
	p4 =	seq.s32 s26, $0x1  }
0x74: {  	p3 =	por @!p5 p4, p4;
	p5 =	por $0x0, $0x0  }
0x75: {  	p5 =	por @!p0 p3, p3;
	s29 =	sld [smem:$0x7FC];
	p3 =	seq.s32 s31, $0x1  }
0x76: {  	p3 =	por @!p3 $0x1, $0x1  }
0x77: {  	s26 =	simm.s32 @!p3 $0x0  }
0x78: {  	s26 =	simm.s32 @p3 $0x1;
	p3 =	seq.s32 s29, $0x1;
	s29 =	simm.s32 @!p1 $0x0  }
0x79: {  	[smem:$0x7F5] =	sst s26;
	s29 =	simm.s32 @p1 $0x1  }
0x7a: {  	[smem:$0x7F6] =	sst s29  }
0x7b: {  	s29 =	sld [smem:$0x7F5];
	_ =	sdelay $0x2  }
0x7c: {  	p4 =	por @!p0 $0x0, $0x0;
	p1 =	seq.s32 s29, $0x1  }
0x7d: {  	p1 =	por @!p3 p4, p4  }
0x7e: {  	s29 =	simm.s32 @!p1 $0x0  }
0x7f: {  	[sflag:s25] =	ssyncset.done @p6 $0x0;
	s29 =	simm.s32 @p1 $0x1  }
0x80: {  	[sflag:s25] =	ssyncadd.s32 @p6 $0xFFFFC000;
	s26 =	simm.s32 @p5 $0x1;
	[smem:$0x7F5] =	sst s29  }
0x81: {  	_ =	swait.ge @p5 [sflag:s26], $0x4000  }
0x82: {  	s29 =	sld [smem:$0x7F5];
	_ =	sdelay $0x2  }
0x83: {  	p1 =	seq.s32 s29, $0x1;
	s29 =	sld [smem:$0x7F6]  }
0x84: {  	s30 =	sadd.s32 $0xFFFFFFFF, s28;
	p4 =	por $0x0, $0x0;
	[sflag:s26] =	ssyncset.done @p5 $0x0  }
0x85: {  	p3 =	sne.s32 s30, $0x0;
	[sflag:s26] =	ssyncadd.s32 @p5 $0xFFFFC000;
	p4 =	por @!p0 p1, p1  }
.Ltmp1:
0x86: {  	p1 =	seq.s32 s29, $0x1;
	s29 =	simm.s32 @p4 $0x1;
	(pc) =	sbr.rel @!p3 .LBB2_3-.Ltmp1, $4  }
0x87: {  	_ =	swait.ge @p4 [sflag:s29], $0x4000  }
0x88: {  	[sflag:s29] =	ssyncset.done @p4 $0x0  }
0x89: {  	s28 =	simm.s32 @!p1 $0x1;
	[sflag:s29] =	ssyncadd.s32 @p4 $0xFFFFC000  }
0x8a: {  	_ =	swait.ge @!p1 [sflag:s28], $0x280  }
.LBB2_4:
0x8b: {  	[sflag:s28] =	ssyncset.done @!p1 $0x0  }
0x8c: {  	s31 =	sor.u32 @!p0 $0x1C01, s21;
	[sflag:s28] =	ssyncadd.s32 @!p1 $0xFFFFFD80  }
0x8d: {  	[hbm:s2], [sflag:s31] =	dma.local @!p0 [hbm:s1], $0x4000  }
0x8e: {  	[hbm:s4], [sflag:s31] =	dma.local @!p0 [hbm:s3], $0x4000  }
0x8f: {  	[hbm:s6], [sflag:s31] =	dma.local @!p0 [hbm:s5], $0x4000  }
0x90: {  	[hbm:s8], [sflag:s31] =	dma.local @!p0 [hbm:s7], $0x4000  }
0x91: {  	[smem:$0x7F3] =	sst s0  }
0x92: {  	s0 =	sld [smem:$0x7F7];
	_ =	sdelay $0x2  }
0x93: {  	p3 =	seq.s32 s0, $0x1;
	s0 =	sld [smem:$0x7F3];
	_ =	sdelay $0x1  }
0x94: {  	[hbm:s11], [sflag:s31] =	dma.local @!p3 [hbm:s10], $0x4000  }
0x95: {  	[smem:$0x7F3] =	sst s0  }
0x96: {  	s0 =	sld [smem:$0x7F8];
	_ =	sdelay $0x2  }
0x97: {  	p3 =	seq.s32 s0, $0x1;
	s0 =	sld [smem:$0x7F3];
	_ =	sdelay $0x1  }
0x98: {  	[hbm:s16], [sflag:s31] =	dma.local @!p3 [hbm:s12], $0x4000  }
0x99: {  	[smem:$0x7F3] =	sst s0  }
0x9a: {  	s0 =	sld [smem:$0x7F9];
	_ =	sdelay $0x2  }
0x9b: {  	p3 =	seq.s32 s0, $0x1;
	s0 =	sld [smem:$0x7F3];
	_ =	sdelay $0x1  }
0x9c: {  	[hbm:s17], [sflag:s31] =	dma.local @!p3 [hbm:s13], $0x4000  }
0x9d: {  	[smem:$0x7F3] =	sst s0  }
0x9e: {  	s0 =	sld [smem:$0x7F4];
	_ =	sdelay $0x2  }
0x9f: {  	p3 =	seq.s32 s0, $0x1;
	s0 =	sld [smem:$0x7F3]  }
0xa0: {  	[hbm:s15], [sflag:s31] =	dma.local @!p3 [hbm:s14], $0x4000  }
0xa1: {  	[hbm:s19], [sflag:s22] =	dma.local @!p1 [hbm:s18], $0x280  }
0xa2: {  	_ =	swait.ge @!p0 [sflag:s23], $0x4000  }
0xa3: {  	[sflag:s23] =	ssyncset.done @!p0 $0x0  }
0xa4: {  	[sflag:s23] =	ssyncadd.s32 @!p0 $0xFFFFC000  }
0xa5: {  	_ =	swait.ge @!p0 [sflag:s23], $0x4000  }
0xa6: {  	[sflag:s23] =	ssyncset.done @!p0 $0x0  }
0xa7: {  	[sflag:s23] =	ssyncadd.s32 @!p0 $0xFFFFC000  }
0xa8: {  	_ =	swait.ge @!p0 [sflag:s23], $0x4000  }
0xa9: {  	[sflag:s23] =	ssyncset.done @!p0 $0x0  }
0xaa: {  	[sflag:s23] =	ssyncadd.s32 @!p0 $0xFFFFC000  }
0xab: {  	_ =	swait.ge @!p0 [sflag:s23], $0x4000  }
0xac: {  	[sflag:s23] =	ssyncset.done @!p0 $0x0  }
0xad: {  	[sflag:s23] =	ssyncadd.s32 @!p0 $0xFFFFC000  }
0xae: {  	_ =	swait.ge @p2 [sflag:s24], $0x4000  }
0xaf: {  	[sflag:s24] =	ssyncset.done @p2 $0x0  }
0xb0: {  	[sflag:s24] =	ssyncadd.s32 @p2 $0xFFFFC000  }
0xb1: {  	_ =	swait.ge @p6 [sflag:s25], $0x4000  }
0xb2: {  	[sflag:s25] =	ssyncset.done @p6 $0x0  }
0xb3: {  	[sflag:s25] =	ssyncadd.s32 @p6 $0xFFFFC000  }
0xb4: {  	s30 =	sadd.s32 $0xFFFFFFFF, s30;
	_ =	swait.ge @p5 [sflag:s26], $0x4000  }
0xb5: {  	p3 =	sne.s32 s30, $0x0;
	[sflag:s26] =	ssyncset.done @p5 $0x0  }
.Ltmp2:
0xb6: {  	[sflag:s26] =	ssyncadd.s32 @p5 $0xFFFFC000;
	(pc) =	sbr.rel @p3 .LBB2_4-.Ltmp2, $4  }
0xb7: {  	_ =	swait.ge @p4 [sflag:s29], $0x4000  }
0xb8: {  	[sflag:s29] =	ssyncset.done @p4 $0x0  }
0xb9: {  	[sflag:s29] =	ssyncadd.s32 @p4 $0xFFFFC000  }
0xba: {  	_ =	swait.ge @!p1 [sflag:s28], $0x280  }
0xbb: {  	s22 =	sld [smem:$0x7F7]  }
0xbc: {  	s30 =	sld [smem:$0x7FC]  }
0xbd: {  	s31 =	sld [smem:$0x7F4];
	_ =	sdelay $0x1  }
0xbe: {  	p2 =	por $0x1, $0x1  }
0xbf: {  	p6 =	seq.s32 s22, $0x1;
	p4 =	seq.s32 s30, $0x1;
	p3 =	seq.s32 s31, $0x1  }
.LBB2_6:
0xc0: {  	p2 =	por p1, !p2  }
0xc1: {  	[sflag:s28] =	ssyncset.done @!p2 $0x0  }
0xc2: {  	s21 =	sor.u32 @!p0 $0x1C01, s21;
	[sflag:s28] =	ssyncadd.s32 @!p2 $0xFFFFFD80  }
0xc3: {  	[hbm:s2], [sflag:s21] =	dma.local @!p0 [hbm:s1], $0x4000  }
0xc4: {  	[hbm:s4], [sflag:s21] =	dma.local @!p0 [hbm:s3], $0x4000  }
0xc5: {  	[hbm:s6], [sflag:s21] =	dma.local @!p0 [hbm:s5], $0x4000  }
0xc6: {  	[hbm:s8], [sflag:s21] =	dma.local @!p0 [hbm:s7], $0x4000  }
0xc7: {  	[hbm:s11], [sflag:s21] =	dma.local @!p6 [hbm:s10], $0x4000  }
0xc8: {  	s23 =	sld [smem:$0x7F8];
	_ =	sdelay $0x2  }
0xc9: {  	p2 =	seq.s32 s23, $0x1  }
0xca: {  	[hbm:s16], [sflag:s21] =	dma.local @!p2 [hbm:s12], $0x4000  }
0xcb: {  	s24 =	sld [smem:$0x7F9];
	_ =	sdelay $0x2  }
0xcc: {  	s1 =	sor.u32 @!p1 $0x1C01, s20;
	s2 =	simm.s32 @!p0 $0x1;
	p2 =	seq.s32 s24, $0x1  }
0xcd: {  	[hbm:s17], [sflag:s21] =	dma.local @!p2 [hbm:s13], $0x4000  }
0xce: {  	[hbm:s15], [sflag:s21] =	dma.local @!p3 [hbm:s14], $0x4000  }
0xcf: {  	[hbm:s19], [sflag:s1] =	dma.local @!p1 [hbm:s18], $0x280  }
0xd0: {  	_ =	swait.ge @!p0 [sflag:s2], $0x4000  }
0xd1: {  	[sflag:s2] =	ssyncset.done @!p0 $0x0  }
0xd2: {  	[sflag:s2] =	ssyncadd.s32 @!p0 $0xFFFFC000  }
0xd3: {  	_ =	swait.ge @!p0 [sflag:s2], $0x4000  }
0xd4: {  	[sflag:s2] =	ssyncset.done @!p0 $0x0  }
0xd5: {  	[sflag:s2] =	ssyncadd.s32 @!p0 $0xFFFFC000  }
0xd6: {  	_ =	swait.ge @!p0 [sflag:s2], $0x4000  }
0xd7: {  	[sflag:s2] =	ssyncset.done @!p0 $0x0;
	s25 =	sld [smem:$0x7FD]  }
0xd8: {  	[sflag:s2] =	ssyncadd.s32 @!p0 $0xFFFFC000  }
0xd9: {  	p3 =	por @!p3 $0x1, $0x1;
	_ =	swait.ge @!p0 [sflag:s2], $0x4000  }
0xda: {  	p2 =	por p3, p3;
	p5 =	seq.s32 s25, $0x1;
	s26 =	sld [smem:$0x7FA]  }
0xdb: {  	[sflag:s2] =	ssyncset.done @!p0 $0x0;
	s28 =	sld [smem:$0x7FC];
	p2 =	por @!p4 p5, p5  }
0xdc: {  	p4 =	por $0x0, $0x0;
	[sflag:s2] =	ssyncadd.s32 @!p0 $0xFFFFC000;
	s2 =	simm.s32 @!p3 $0x0  }
0xdd: {  	p4 =	por @!p0 p2, p2;
	s2 =	simm.s32 @p3 $0x1  }
0xde: {  	p5 =	por p3, p3;
	s1 =	simm.s32 @p4 $0x1;
	[smem:$0x7F2] =	sst s2  }
0xdf: {  	p6 =	seq.s32 s26, $0x1;
	p2 =	seq.s32 s28, $0x1;
	_ =	swait.ge @p4 [sflag:s1], $0x4000  }
0xe0: {  	p3 =	por @!p2 p6, p6;
	p6 =	por $0x0, $0x0;
	s29 =	sld [smem:$0x7FB]  }
0xe1: {  	p6 =	por @!p0 p3, p3;
	[sflag:s1] =	ssyncset.done @p4 $0x0;
	s30 =	sld [smem:$0x7FC]  }
0xe2: {  	[sflag:s1] =	ssyncadd.s32 @p4 $0xFFFFC000;
	s1 =	simm.s32 @p6 $0x1  }
0xe3: {  	_ =	swait.ge @p6 [sflag:s1], $0x4000  }
0xe4: {  	p3 =	seq.s32 s29, $0x1;
	p4 =	seq.s32 s30, $0x1;
	s31 =	sld [smem:$0x7F2]  }
0xe5: {  	[sflag:s1] =	ssyncset.done @p6 $0x0;
	p5 =	por @!p4 p3, p3;
	p3 =	por $0x0, $0x0  }
0xe6: {  	[sflag:s1] =	ssyncadd.s32 @p6 $0xFFFFC000;
	p3 =	por @!p0 p5, p5  }
0xe7: {  	p5 =	por @!p0 $0x0, $0x0;
	s1 =	simm.s32 @p3 $0x1;
	p2 =	seq.s32 s31, $0x1  }
0xe8: {  	p2 =	por @!p4 p5, p5;
	_ =	swait.ge @p3 [sflag:s1], $0x4000;
	p4 =	por $0x0, $0x0  }
0xe9: {  	p4 =	por @!p0 p2, p2;
	[sflag:s1] =	ssyncset.done @p3 $0x0  }
0xea: {  	[sflag:s1] =	ssyncadd.s32 @p3 $0xFFFFC000;
	s1 =	simm.s32 @p4 $0x1  }
0xeb: {  	_ =	swait.ge @p4 [sflag:s1], $0x4000  }
0xec: {  	[sflag:s1] =	ssyncset.done @p4 $0x0  }
0xed: {  	[sflag:s1] =	ssyncadd.s32 @p4 $0xFFFFC000;
	s1 =	simm.s32 @!p1 $0x1  }
0xee: {  	_ =	swait.ge @!p1 [sflag:s1], $0x280  }
0xef: {  	[sflag:s1] =	ssyncset.done @!p1 $0x0  }
0xf0: {  	[sflag:s1] =	ssyncadd.s32 @!p1 $0xFFFFFD80  }
0xf1: {  	_ =	sfence.sel $0x180000  }
0xf2: {  	[bflag:$0x0] =	sbarrier.arrive $0xFFFF  }
0xf3: {  	p0 =	sne.s32 s0, $0x0;
	_ =	strace $0x90000047  }
0xf4: {  	s0 =	sadd.s32 @!p0 $0x100000, s9;
	[bflag:$0x2] =	sbarrier.arrive $0xFFFF  }
0xf5: {  	[sflag:s0] =	ssyncadd.tile.s32 @!p0 $0x1;
	_ =	shalt  }
.LBB2_1:
.Ltmp3:
0xf6: {  	(pc) =	sbr.rel .LBB2_6-.Ltmp3, $2  }
0xf7: {  	s22 =	sld [smem:$0x7F7];
	_ =	sdelay $0x2  }
0xf8: {  	p2 =	por $0x0, $0x0;
	p6 =	seq.s32 s22, $0x1  }
.LBB2_3:
0xf9: {  	s22 =	sld [smem:$0x7F7]  }
.Ltmp4:
0xfa: {  	s30 =	sld [smem:$0x7FC];
	(pc) =	sbr.rel .LBB2_6-.Ltmp4, $3  }
0xfb: {  	s31 =	sld [smem:$0x7F4];
	_ =	sdelay $0x1  }
0xfc: {  	p2 =	por $0x1, $0x1  }
0xfd: {  	p6 =	seq.s32 s22, $0x1;
	p4 =	seq.s32 s30, $0x1;
	p3 =	seq.s32 s31, $0x1  }
.Lfunc_end2:
_tile_overlayer_lowered:
.L_overlay_start_2:
0xfe: {  	(tag) =	ssettag $0x2  }
0xff: {  	s0 =	rddreg [dreg:$0x0];
	s2 =	stileid.u32  }
0x100: {  	s1 =	rddreg [dreg:$0x1];
	p0 =	sne.s32 s2, $0x0  }
0x101: {  	s3 =	rddreg [dreg:$0x2];
	[bflag:$0x3] =	sbarrier.arrive $0xFFFF;
	s2 =	simm.s32 @!p0 $0x1C02  }
0x102: {  	[timem:s3], [sflag:s2] =	dma.local @!p0 [hbm:s0], s1  }
0x103: {  	s0 =	simm.s32 @!p0 $0x2  }
0x104: {  	_ =	swait.ge @!p0 [sflag:s0], s1  }
0x105: {  	s1 =	ssub.s32 @!p0 $0x0, s1;
	[sflag:s0] =	ssyncset.done @!p0 $0x0  }
0x106: {  	[sflag:s0] =	ssyncadd.s32 @!p0 s1  }
0x107: {  	[bflag:$0x3] =	sbarrier.arrive $0xFFFF  }
0x108: {  	_ =	shalt  }

// kernel: _gather2.7.cloned.1.call-start
scs
__scs_entry_jumppad:
0x0: {  	(pc) =	sbr.rel $0x88, $3  }
0x1: {  	(tag) =	ssettag $0x0;
	lr =	simm.s32 $0x1  }
0x2: {  	[smem:$0x3F9F] =	sst lr;
	_ =	strace $0xD0000000  }
0x3: {  	_ = 	snop  }
0x4: {  	_ = 	snop  }
0x5: {  	_ = 	snop  }
0x6: {  	_ = 	snop  }
0x7: {  	_ = 	snop  }
__scs_overlays_trampoline_lowered:
0x8: {  	[smem:$0x3FAE] =	sst s0  }
0x9: {  	[smem:$0x3FAF] =	sst s1  }
0xa: {  	[smem:$0x3FB0] =	sst s2  }
0xb: {  	[smem:$0x3FB1] =	sst s3  }
0xc: {  	[smem:$0x3FB2] =	sst s4  }
0xd: {  	[smem:$0x3FB3] =	sst s5  }
0xe: {  	[smem:$0x3FB4] =	sst s6  }
0xf: {  	[smem:$0x3FB5] =	sst s7  }
0x10: {  	[smem:$0x3FB6] =	sst s8  }
0x11: {  	[smem:$0x3FB7] =	sst s9;
	s0 =	simm.s32 @!p0 $0x0  }
0x12: {  	s1 =	sld [smem:$0x3F9D];
	s0 =	simm.s32 @p0 $0x1  }
0x13: {  	[smem:$0x3FB8] =	sst s0;
	s0 =	simm.s32 @!p1 $0x0  }
0x14: {  	s2 =	sld [smem:$0x3F9C];
	s0 =	simm.s32 @p1 $0x1  }
0x15: {  	[smem:$0x3FB9] =	sst s0;
	s0 =	simm.s32 @!p2 $0x0  }
0x16: {  	s3 =	sld [smem:$0x3FDB];
	s0 =	simm.s32 @p2 $0x1  }
0x17: {  	s4 =	simm.s32 $0x1BF5;
	[smem:$0x3FBB] =	sst s0  }
0x18: {  	s0 =	sld [smem:$0x3F9E];
	_ =	swait.ge [sflag:s4], $0x0  }
0x19: {  	s7 =	sld [smem:$0x3F9F]  }
0x1a: {  	s8 =	sadd.s32 $0xFFFFE003, lr  }
0x1b: {  	s9 =	sadd.s32 $0xFFFFFEF7, lr;
	s5 =	simm.s32 $0xFFFFFFFF;
	p2 =	slt.u32 s8, $0xFFFFF086  }
0x1c: {  	p1 =	slt.u32 s9, $0xF7A;
	s5 =	simm.s32 @!p2 $0x0  }
0x1d: {  	s5 =	simm.s32 @p1 $0x1;
	p0 =	seq.s32 s7, s2  }
0x1e: {  	s7 =	smul.u32 @!p0 $0xF7A, s2;
	p2 =	seq.s32 @!p0 s5, $0x0  }
0x1f: {  	s9 =	smul.u32 $0xF7A, s1;
	s8 =	simm.s32 @!p0 $0x1BF5;
	p2 =	por !p2, p0  }
0x20: {  	[sflag:s8] =	ssyncset.s32 @!p0 $0xFFFFF086;
	s6 =	sadd.s32 @!p0 s3, s7;
	s7 =	simm.s32 @!p0 $0x108  }
0x21: {  	s3 =	sadd.s32 s3, s9;
	s6 =	sadd.s32 @!p0 $0x88, s6;
	s7 =	simm.s32 @p2 $0x1082  }
0x22: {  	[simem:s7], [sflag:s8] =	dma.local @!p0 [hbm:s6], $0xF7A  }
0x23: {  	s9 =	sor.u32 $0xD0000000, s2;
	s6 =	simm.s32 $0x108;
	_ =	swait.ge @!p0 [sflag:s8], $0x0  }
0x24: {  	s3 =	sadd.s32 $0x88, s3;
	s6 =	simm.s32 @!p1 $0x1082;
	[sflag:s4] =	ssyncset.s32 $0xFFFFF086  }
0x25: {  	[simem:s6], [sflag:s4] =	dma.local [hbm:s3], $0xF7A  }
0x26: {  	[smem:$0x3F9F] =	sst s1;
	(tag) =	ssettag s2;
	_ =	strace s9  }
0x27: {  	s1 =	sld [smem:$0x3FAF]  }
0x28: {  	s2 =	sld [smem:$0x3FB0]  }
0x29: {  	s4 =	sld [smem:$0x3FB2]  }
0x2a: {  	p0 =	seq.s32 s5, $0x0;
	s5 =	sld [smem:$0x3FB3]  }
0x2b: {  	s6 =	sld [smem:$0x3FB4]  }
0x2c: {  	s7 =	sld [smem:$0x3FB5]  }
0x2d: {  	s3 =	simm.s32 $0x108;
	s8 =	sld [smem:$0x3FB6]  }
0x2e: {  	s3 =	simm.s32 @!p0 $0x1082;
	s9 =	sld [smem:$0x3FB7]  }
0x2f: {  	lr =	sadd.s32 s0, s3;
	s0 =	sld [smem:$0x3FAE]  }
0x30: {  	s3 =	sld [smem:$0x3FB1]  }
0x31: {  	[smem:$0x3FBA] =	sst s10  }
0x32: {  	s10 =	sld [smem:$0x3FB8];
	_ =	sdelay $0x3  }
0x33: {  	p0 =	seq.s32 s10, $0x1;
	s10 =	sld [smem:$0x3FBA];
	_ =	sdelay $0x3  }
0x34: {  	[smem:$0x3FBA] =	sst s10  }
0x35: {  	s10 =	sld [smem:$0x3FB9];
	_ =	sdelay $0x3  }
0x36: {  	p1 =	seq.s32 s10, $0x1;
	s10 =	sld [smem:$0x3FBA];
	_ =	sdelay $0x3  }
0x37: {  	[smem:$0x3FBA] =	sst s10  }
0x38: {  	s10 =	sld [smem:$0x3FBB]  }
0x39: {  	_ = 	snop;
	(pc) =	sbr.ind lr, $3  }
0x3a: {  	_ = 	snop  }
0x3b: {  	_ = 	snop  }
0x3c: {  	p2 =	seq.s32 s10, $0x1;
	s10 =	sld [smem:$0x3FBA]  }
0x3d: {  	_ =	shalt  }
0x3e: {  	_ =	shalt  }
0x3f: {  	_ =	shalt  }
0x40: {  	_ =	shalt  }
0x41: {  	_ =	shalt  }
0x42: {  	_ =	shalt  }
0x43: {  	_ =	shalt  }
0x44: {  	_ =	shalt  }
0x45: {  	_ =	shalt  }
0x46: {  	_ =	shalt  }
0x47: {  	_ =	shalt  }
0x48: {  	_ =	shalt  }
0x49: {  	_ =	shalt  }
0x4a: {  	_ =	shalt  }
0x4b: {  	_ =	shalt  }
0x4c: {  	_ =	shalt  }
0x4d: {  	_ =	shalt  }
0x4e: {  	_ =	shalt  }
0x4f: {  	_ =	shalt  }
0x50: {  	_ =	shalt  }
0x51: {  	_ =	shalt  }
0x52: {  	_ =	shalt  }
0x53: {  	_ =	shalt  }
0x54: {  	_ =	shalt  }
0x55: {  	_ =	shalt  }
0x56: {  	_ =	shalt  }
0x57: {  	_ =	shalt  }
0x58: {  	_ =	shalt  }
0x59: {  	_ =	shalt  }
0x5a: {  	_ =	shalt  }
0x5b: {  	_ =	shalt  }
0x5c: {  	_ =	shalt  }
0x5d: {  	_ =	shalt  }
0x5e: {  	_ =	shalt  }
0x5f: {  	_ =	shalt  }
0x60: {  	_ =	shalt  }
0x61: {  	_ =	shalt  }
0x62: {  	_ =	shalt  }
0x63: {  	_ =	shalt  }
0x64: {  	_ =	shalt  }
0x65: {  	_ =	shalt  }
0x66: {  	_ =	shalt  }
0x67: {  	_ =	shalt  }
0x68: {  	_ =	shalt  }
0x69: {  	_ =	shalt  }
0x6a: {  	_ =	shalt  }
0x6b: {  	_ =	shalt  }
0x6c: {  	_ =	shalt  }
0x6d: {  	_ =	shalt  }
0x6e: {  	_ =	shalt  }
0x6f: {  	_ =	shalt  }
0x70: {  	_ =	shalt  }
0x71: {  	_ =	shalt  }
0x72: {  	_ =	shalt  }
0x73: {  	_ =	shalt  }
0x74: {  	_ =	shalt  }
0x75: {  	_ =	shalt  }
0x76: {  	_ =	shalt  }
0x77: {  	_ =	shalt  }
0x78: {  	_ =	shalt  }
0x79: {  	_ =	shalt  }
0x7a: {  	_ =	shalt  }
0x7b: {  	_ =	shalt  }
0x7c: {  	_ =	shalt  }
0x7d: {  	_ =	shalt  }
0x7e: {  	_ =	shalt  }
0x7f: {  	_ =	shalt  }
0x80: {  	_ =	shalt  }
0x81: {  	_ =	shalt  }
0x82: {  	_ =	shalt  }
0x83: {  	_ =	shalt  }
0x84: {  	_ =	shalt  }
0x85: {  	_ =	shalt  }
0x86: {  	_ =	shalt  }
0x87: {  	_ =	shalt  }
.Lfunc_end0:
.L_simem_size_0:
called_computation.2_lowered:
.L_overlay_start_0:
0x88: {  	s2 =	sld [smem:$0x3FD9]  }
0x89: {  	s3 =	sld [smem:$0x3FFE];
	_ =	sdelay $0x1  }
0x8a: {  	s1 =	srdreg.scid  }
0x8b: {  	s0 =	sand.u32 $0x1, s1  }
0x8c: {  	s17 =	sshll.u32 s0, $0xA;
	s2 =	sadd.s32 s3, s2  }
0x8d: {  	s2 =	sadd.s32 s2, s17  }
0x8e: {  	[smem:$0x3FC6] =	sst s2  }
0x8f: {  	_ = 	snop  }
0x90: {  	s2 =	sld [smem:$0x3FC9];
	(tm) =	ssettm $0x1  }
0x91: {  	s18 =	sld [smem:$0x3FFB];
	_ =	sdelay $0x3  }
0x92: {  	_ =	strace s18  }
0x93: {  	s3 =	sld [smem:$0x3FFC];
	_ =	sdelay $0x3  }
0x94: {  	_ =	strace s3  }
0x95: {  	s3 =	sld [smem:$0x3FFD];
	_ =	sdelay $0x3  }
0x96: {  	_ =	strace s3  }
0x97: {  	_ =	strace $0x8FFFFFFF  }
0x98: {  	s19 =	sld [smem:$0x3FDB];
	_ =	sdelay $0x1  }
0x99: {  	s4 =	simm.s32 $_scs_section_size  }
0x9a: {  	s5 =	simm.s32 $_size__tile_overlayer_lowered;
	s6 =	simm.s32 $_tile_overlayer_lowered  }
0x9b: {  	s22 =	simm.s32 $0x1BFF;
	s21 =	sshll.u32 s6, $0x1;
	s3 =	sadd.s32 s4, s19  }
0x9c: {  	s7 =	simm.s32 $0x0;
	s20 =	sshll.u32 s5, $0x1;
	s5 =	sadd.s32 s21, s3  }
0x9d: {  	[timem:s7], [sflag:s22] =	dma.local [hbm:s5], s20  }
0x9e: {  	_ =	swait.ge [sflag:s22], s20  }
0x9f: {  	s4 =	ssub.s32 $0x0, s20;
	[sflag:s22] =	ssyncset.done $0x0  }
0xa0: {  	[sflag:s22] =	ssyncadd.s32 s4;
	_ =	sdelay $0x1  }
0xa1: {  	s23 =	simm.s32 $0x1B8B  }
0xa2: {  	_ =	swait.ge [sflag:s23], $0x1  }
0xa3: {  	[sflag:s23] =	ssyncset.done $0x0  }
0xa4: {  	s25 =	simm.s32 $0x1B8E;
	s24 =	sld [smem:$0x3FFE];
	[sflag:s23] =	ssyncadd.s32 $0xFFFFFFFF  }
0xa5: {  	s26 =	simm.s32 $execute0_lowered;
	[smem:$0x3FD2] =	sst s25  }
0xa6: {  	s5 =	sshll.u32 s26, $0x1;
	_ =	strace $0x8000004C;
	[dreg:$0x1] =	wrdreg $0xFFFFFFFF  }
0xa7: {  	s28 =	simm.s32 $_size_execute0_lowered;
	s3 =	sadd.s32 s3, s5;
	[dreg:$0x0] =	wrdreg $0x0  }
0xa8: {  	s5 =	sshll.u32 s28, $0x1;
	[dreg:$0x2] =	wrdreg s3  }
0xa9: {  	[dreg:$0x3] =	wrdreg s5  }
0xaa: {  	[dreg:$0x4] =	wrdreg $0xC0  }
0xab: {  	_ =	task [dreg:s7], $0x5FFFF  }
0xac: {  	[dreg:$0x1] =	wrdreg $0xFFFFFFFF  }
0xad: {  	[dreg:$0x0] =	wrdreg $0x60  }
0xae: {  	[dreg:$0x2] =	wrdreg s2  }
0xaf: {  	[dreg:$0x3] =	wrdreg s24  }
0xb0: {  	[dreg:$0x4] =	wrdreg $0x9  }
0xb1: {  	_ =	task.clear_ibuf [dreg:s7], $0x5FFFF;
	_ =	strace $0x9000004C  }
0xb2: {  	s29 =	simm.s32 $0x9;
	_ =	strace $0x8000004E  }
0xb3: {  	_ =	swait.ge [sflag:s29], $0x1  }
0xb4: {  	[sflag:s29] =	ssyncadd.s32 $0xFFFFFFFF  }
0xb5: {  	_ =	strace $0x9000004E  }
0xb6: {  	_ =	sfence  }
0xb7: {  	s30 =	sld [smem:$0x0];
	_ =	sdelay $0x2  }
0xb8: {  	s31 =	sshll.u32 s1, $0xD;
	s1 =	sshrl.u32 s1, $0x2  }
0xb9: {  	s3 =	sand.u32 $0x4000, s31;
	s1 =	sadd.s32 s1, s30  }
0xba: {  	s0 =	sor.u32 s3, s0;
	s1 =	sshll.u32 s1, $0x11  }
0xbb: {  	s0 =	sor.u32 s1, s0  }
0xbc: {  	s0 =	sadd.s32 $0x8F2B, s0  }
0xbd: {  	[sflag:s0] =	ssyncadd.remote.s32 $0x1  }
0xbe: {  	_ =	sfence.sel $0xFFFF  }
0xbf: {  	[dreg:$0x0] =	wrdreg $0xFFFFFFFF;
	(pc) =	sbr.abs _section_cstart, $3  }
0xc0: {  	[dreg:$0x1] =	wrdreg $0xFFFFFFFF  }
0xc1: {  	_ =	task.clear_ibuf [dreg:s7], $0x2FFFF;
	_ =	strace $0x9FFFFFFF  }
0xc2: {  	(tm) =	ssettm $0x7FFFFFFF  }
0xc3: {  	_ =	shalt  }
tec
execute0_lowered:
.L_overlay_start_1:
0x0: {  	(tag) =	ssettag $0x1  }
0x1: {  	s0 =	rddreg [dreg:$0x0]  }
0x2: {  	s1 =	rddreg [dreg:$0x1];
	s2 =	simm.s32 $0x0;
	s28 =	srdreg.scid  }
0x3: {  	s3 =	stileid.u32;
	s7 =	simm.s32 $0x2;
	s8 =	simm.s32 $0x200  }
0x4: {  	s9 =	simm.s32 $0x4200;
	s30 =	simm.s32 $0x6E00;
	s31 =	simm.s32 $0x3000  }
0x5: {  	s10 =	simm.s32 $0x3400;
	s11 =	simm.s32 $0x7400;
	s12 =	simm.s32 $0x3600  }
0x6: {  	s13 =	simm.s32 $0x7600;
	s14 =	simm.s32 $0x3800;
	s15 =	simm.s32 $0x7800  }
0x7: {  	s16 =	simm.s32 $0x3A00;
	s17 =	simm.s32 $0x7A00;
	s18 =	simm.s32 $0x3C00  }
0x8: {  	s19 =	simm.s32 $0x7C00;
	s20 =	simm.s32 $0x3E00;
	s21 =	simm.s32 $0x7E00  }
0x9: {  	s22 =	simm.s32 $0x4000;
	s23 =	simm.s32 $0x8000;
	s24 =	simm.s32 $0x1  }
0xa: {  	s25 =	simm.s32 $0x0;
	[smem:$0x7FF] =	sst s2;
	s2 =	sand.u32 $0x1, s28  }
0xb: {  	s4 =	sshll.u32 s3, $0x7;
	s5 =	sshll.u32 s2, $0x6;
	s2 =	ssub.s32 $0x2, s2  }
0xc: {  	s3 =	sadd.s32 $0x3E0C00, s1;
	s4 =	sor.u32 s5, s4;
	s29 =	sshrl.u32 s2, $0x1  }
0xd: {  	_ =	strace $0x8000004D;
	s1 =	sadd.s32 s4, s1;
	s2 =	ssub.s32 s2, s29  }
0xe: {  	s4 =	sadd.s32 s0, s4;
	s0 =	simm.s32 $0x7000;
	s5 =	sadd.s32 $0xC00, s1  }
0xf: {  	s6 =	smax.u32 s2, $0x1;
	s1 =	simm.s32 $0x3200;
	s2 =	simm.s32 $0x7200  }
.LBB2_1:
0x10: {  	s26 =	simm.s32 $0x0  }
0x11: {  	[tilespmem:s26], [sflag:$0x2] =	stream.linear.gather [hbm4b:s4+s26], $0x200, $0x38;
	[tilespmem:$0x8200] =	vst v63  }
0x12: {  	_ =	swait.ge [sflag:s7], $0x200  }
0x13: {  	[sflag:s7] =	ssyncset.done $0x0  }
0x14: {  	s26 =	simm.s32 $0x0;
	[sflag:s7] =	ssyncadd.s32 $0xFFFFFE00  }
0x15: {  	v0 =	vld [tilespmem:s26+$0x0];
	_ =	sdelay $0x4  }
0x16: {  	v1 =	vshll.u32 v0, $0x3  }
0x17: {  	v0 =	vand.u32 $0x3FFF, v0;
	v1 =	vand.u32 $0xFFFE0000, v1  }
0x18: {  	v1 =	vor.u32 v0, v1  }
0x19: {  	[tilespmem:s26+$0x200] =	vst v1;
	v0 =	vadd.s32 $0x175C000, v1  }
0x1a: {  	v2 =	vor.u32 $0x4000, v1;
	[tilespmem:s26+$0x4000] =	vst v0  }
0x1b: {  	v8 =	vadd.s32 $0xF94000, v1;
	[tilespmem:s26+$0x400] =	vst v2  }
0x1c: {  	v9 =	vadd.s32 $0xF98000, v1;
	[tilespmem:s26+$0x2C00] =	vst v8  }
0x1d: {  	v0 =	vor.u32 $0x8000, v1;
	[tilespmem:s26+$0x2E00] =	vst v9  }
0x1e: {  	v2 =	vor.u32 $0xC000, v1;
	[tilespmem:s26+$0x600] =	vst v0  }
0x1f: {  	v0 =	vor.u32 $0x10000, v1;
	[tilespmem:s26+$0x800] =	vst v2  }
0x20: {  	v2 =	vor.u32 $0x14000, v1;
	[tilespmem:s26+$0xA00] =	vst v0  }
0x21: {  	v0 =	vor.u32 $0x18000, v1;
	[tilespmem:s26+$0xC00] =	vst v2  }
0x22: {  	v2 =	vor.u32 $0x1C000, v1;
	[tilespmem:s26+$0xE00] =	vst v0  }
0x23: {  	v0 =	vadd.s32 $0x7C0000, v1;
	[tilespmem:s26+$0x1000] =	vst v2  }
0x24: {  	v2 =	vadd.s32 $0x7C4000, v1;
	[tilespmem:s26+$0x1200] =	vst v0  }
0x25: {  	v0 =	vadd.s32 $0x7C8000, v1;
	[tilespmem:s26+$0x1400] =	vst v2  }
0x26: {  	v2 =	vadd.s32 $0x7CC000, v1;
	[tilespmem:s26+$0x1600] =	vst v0  }
0x27: {  	v0 =	vadd.s32 $0x7D0000, v1;
	[tilespmem:s26+$0x1800] =	vst v2  }
0x28: {  	v2 =	vadd.s32 $0x7D4000, v1;
	[tilespmem:s26+$0x1A00] =	vst v0  }
0x29: {  	v0 =	vadd.s32 $0x7D8000, v1;
	[tilespmem:s26+$0x1C00] =	vst v2  }
0x2a: {  	v2 =	vadd.s32 $0x7DC000, v1;
	[tilespmem:s26+$0x1E00] =	vst v0  }
0x2b: {  	v0 =	vadd.s32 $0xF80000, v1;
	[tilespmem:s26+$0x2000] =	vst v2  }
0x2c: {  	v2 =	vadd.s32 $0xF84000, v1;
	[tilespmem:s26+$0x2200] =	vst v0  }
0x2d: {  	v3 =	vadd.s32 $0xF9C000, v1;
	v0 =	vadd.s32 $0xF88000, v1;
	[tilespmem:s26+$0x2400] =	vst v2  }
0x2e: {  	v5 =	vadd.s32 $0x1740000, v1;
	v6 =	vadd.s32 $0x1744000, v1;
	v2 =	vadd.s32 $0xF8C000, v1;
	[tilespmem:s26+$0x2600] =	vst v0  }
0x2f: {  	v4 =	vadd.s32 $0x1748000, v1;
	v7 =	vadd.s32 $0x174C000, v1;
	v0 =	vadd.s32 $0xF90000, v1;
	[tilespmem:s26+$0x2800] =	vst v2  }
0x30: {  	s29 =	simm.s32 $0x10;
	s28 =	simm.s32 $0x80;
	v2 =	vadd.s32 $0x1750000, v1;
	[tilespmem:s26+$0x2A00] =	vst v0;
	v0 =	vadd.s32 $0x1754000, v1;
	v1 =	vadd.s32 $0x1758000, v1  }
.LBB2_2:
0x31: {  	p0 =	sne.s32 s28, $0x7C0;
	v8 =	vld [tilespmem:s29+$0x0];
	[tilespmem:s26+$0x3000] =	vst v3  }
0x32: {  	[tilespmem:s26+$0x3200] =	vst v5  }
0x33: {  	[tilespmem:s26+$0x3400] =	vst v6  }
0x34: {  	[tilespmem:s26+$0x3600] =	vst v4  }
0x35: {  	[tilespmem:s26+$0x3800] =	vst v7  }
0x36: {  	v3 =	vshll.u32 v8, $0x3;
	[tilespmem:s26+$0x3A00] =	vst v2  }
0x37: {  	v2 =	vand.u32 $0xFFFE0000, v3;
	v3 =	vand.u32 $0x3FFF, v8;
	[tilespmem:s26+$0x3C00] =	vst v0  }
0x38: {  	v8 =	vor.u32 v3, v2;
	[tilespmem:s26+$0x3E00] =	vst v1;
	s26 =	smov.u32 s29  }
0x39: {  	[tilespmem:s26+$0x200] =	vst v8;
	v0 =	vor.u32 $0x4000, v8;
	v1 =	vor.u32 $0x8000, v8;
	v2 =	vadd.s32 $0x175C000, v8  }
0x3a: {  	v3 =	vor.u32 $0xC000, v8;
	v4 =	vor.u32 $0x10000, v8;
	v5 =	vor.u32 $0x14000, v8;
	[tilespmem:s26+$0x4000] =	vst v2  }
0x3b: {  	v7 =	vadd.s32 $0x7C0000, v8;
	v2 =	vor.u32 $0x1C000, v8;
	[tilespmem:s26+$0x400] =	vst v0;
	v0 =	vor.u32 $0x18000, v8  }
0x3c: {  	v9 =	vadd.s32 $0x7C8000, v8;
	v10 =	vadd.s32 $0x7CC000, v8;
	[tilespmem:s26+$0x600] =	vst v1;
	v1 =	vadd.s32 $0x7C4000, v8  }
0x3d: {  	v11 =	vadd.s32 $0x7D0000, v8;
	v12 =	vadd.s32 $0x7D4000, v8;
	v13 =	vadd.s32 $0x7D8000, v8;
	[tilespmem:s26+$0x800] =	vst v3  }
0x3e: {  	v14 =	vadd.s32 $0x7DC000, v8;
	v15 =	vadd.s32 $0xF80000, v8;
	v16 =	vadd.s32 $0xF84000, v8;
	[tilespmem:s26+$0xA00] =	vst v4  }
0x3f: {  	v17 =	vadd.s32 $0xF88000, v8;
	v18 =	vadd.s32 $0xF8C000, v8;
	v19 =	vadd.s32 $0xF90000, v8;
	[tilespmem:s26+$0xC00] =	vst v5  }
0x40: {  	v20 =	vadd.s32 $0xF94000, v8;
	v21 =	vadd.s32 $0xF98000, v8;
	v3 =	vadd.s32 $0xF9C000, v8;
	[tilespmem:s26+$0xE00] =	vst v0  }
0x41: {  	v6 =	vadd.s32 $0x1744000, v8;
	v4 =	vadd.s32 $0x1748000, v8;
	v5 =	vadd.s32 $0x1740000, v8;
	[tilespmem:s26+$0x1000] =	vst v2  }
0x42: {  	v0 =	vadd.s32 $0x1754000, v8;
	v2 =	vadd.s32 $0x1750000, v8;
	[tilespmem:s26+$0x1200] =	vst v7;
	v7 =	vadd.s32 $0x174C000, v8  }
0x43: {  	[tilespmem:s26+$0x1400] =	vst v1;
	v1 =	vadd.s32 $0x1758000, v8  }
0x44: {  	[tilespmem:s26+$0x1600] =	vst v9  }
0x45: {  	[tilespmem:s26+$0x1800] =	vst v10  }
0x46: {  	[tilespmem:s26+$0x1A00] =	vst v11  }
0x47: {  	[tilespmem:s26+$0x1C00] =	vst v12  }
0x48: {  	[tilespmem:s26+$0x1E00] =	vst v13  }
0x49: {  	[tilespmem:s26+$0x2000] =	vst v14  }
0x4a: {  	[tilespmem:s26+$0x2200] =	vst v15  }
0x4b: {  	[tilespmem:s26+$0x2400] =	vst v16  }
.Ltmp0:
0x4c: {  	[tilespmem:s26+$0x2600] =	vst v17;
	(pc) =	sbr.rel @p0 .LBB2_2-.Ltmp0, $4  }
0x4d: {  	[tilespmem:s26+$0x2800] =	vst v18  }
0x4e: {  	[tilespmem:s26+$0x2A00] =	vst v19  }
0x4f: {  	[tilespmem:s26+$0x2C00] =	vst v20  }
0x50: {  	s29 =	sshra.s32 s28, $0x2;
	s28 =	sadd.s32 $0x40, s28;
	[tilespmem:s26+$0x2E00] =	vst v21  }
0x51: {  	v8 =	vld [tilespmem:s29+$0x0];
	[tilespmem:s26+$0x3000] =	vst v3  }
0x52: {  	[tilespmem:s26+$0x3200] =	vst v5  }
0x53: {  	[tilespmem:s26+$0x3400] =	vst v6  }
0x54: {  	[tilespmem:s26+$0x3600] =	vst v4  }
0x55: {  	[tilespmem:s26+$0x3800] =	vst v7  }
0x56: {  	[tilespmem:s26+$0x3A00] =	vst v2;
	v31 =	vshll.u32 v8, $0x3  }
0x57: {  	[tilespmem:s26+$0x3C00] =	vst v0;
	v33 =	vand.u32 $0x3FFF, v8;
	v32 =	vand.u32 $0xFFFE0000, v31  }
0x58: {  	[tilespmem:s26+$0x3E00] =	vst v1;
	v34 =	vor.u32 v33, v32  }
0x59: {  	[tilespmem:s29+$0x200] =	vst v34;
	v35 =	vadd.s32 $0x175C000, v34  }
0x5a: {  	v2 =	vor.u32 $0x4000, v34;
	[tilespmem:s29+$0x4000] =	vst v35  }
0x5b: {  	v36 =	vor.u32 $0x8000, v34;
	[tilespmem:s29+$0x400] =	vst v2  }
0x5c: {  	v37 =	vor.u32 $0xC000, v34;
	[tilespmem:s29+$0x600] =	vst v36  }
0x5d: {  	v38 =	vor.u32 $0x10000, v34;
	[tilespmem:s29+$0x800] =	vst v37  }
0x5e: {  	v39 =	vor.u32 $0x14000, v34;
	[tilespmem:s29+$0xA00] =	vst v38  }
0x5f: {  	v40 =	vor.u32 $0x18000, v34;
	[tilespmem:s29+$0xC00] =	vst v39  }
0x60: {  	v41 =	vor.u32 $0x1C000, v34;
	[tilespmem:s29+$0xE00] =	vst v40  }
0x61: {  	v42 =	vadd.s32 $0x7C0000, v34;
	[tilespmem:s29+$0x1000] =	vst v41  }
0x62: {  	v43 =	vadd.s32 $0x7C4000, v34;
	[tilespmem:s29+$0x1200] =	vst v42  }
0x63: {  	v44 =	vadd.s32 $0x7C8000, v34;
	[tilespmem:s29+$0x1400] =	vst v43  }
0x64: {  	v45 =	vadd.s32 $0x7CC000, v34;
	[tilespmem:s29+$0x1600] =	vst v44  }
0x65: {  	v46 =	vadd.s32 $0x7D0000, v34;
	[tilespmem:s29+$0x1800] =	vst v45  }
0x66: {  	v47 =	vadd.s32 $0x7D4000, v34;
	[tilespmem:s29+$0x1A00] =	vst v46  }
0x67: {  	v48 =	vadd.s32 $0x7D8000, v34;
	[tilespmem:s29+$0x1C00] =	vst v47  }
0x68: {  	v49 =	vadd.s32 $0x7DC000, v34;
	[tilespmem:s29+$0x1E00] =	vst v48  }
0x69: {  	v50 =	vadd.s32 $0xF80000, v34;
	[tilespmem:s29+$0x2000] =	vst v49  }
0x6a: {  	v51 =	vadd.s32 $0xF84000, v34;
	[tilespmem:s29+$0x2200] =	vst v50  }
0x6b: {  	v52 =	vadd.s32 $0xF88000, v34;
	[tilespmem:s29+$0x2400] =	vst v51  }
0x6c: {  	v53 =	vadd.s32 $0xF8C000, v34;
	[tilespmem:s29+$0x2600] =	vst v52  }
0x6d: {  	v54 =	vadd.s32 $0xF90000, v34;
	[tilespmem:s29+$0x2800] =	vst v53  }
0x6e: {  	v55 =	vadd.s32 $0xF94000, v34;
	[tilespmem:s29+$0x2A00] =	vst v54  }
0x6f: {  	v56 =	vadd.s32 $0xF98000, v34;
	[tilespmem:s29+$0x2C00] =	vst v55  }
0x70: {  	v57 =	vadd.s32 $0xF9C000, v34;
	[tilespmem:s29+$0x2E00] =	vst v56  }
0x71: {  	v58 =	vadd.s32 $0x1740000, v34;
	[tilespmem:s29+$0x3000] =	vst v57  }
0x72: {  	v59 =	vadd.s32 $0x1744000, v34;
	[tilespmem:s29+$0x3200] =	vst v58  }
0x73: {  	v60 =	vadd.s32 $0x1748000, v34;
	[tilespmem:s29+$0x3400] =	vst v59  }
0x74: {  	v61 =	vadd.s32 $0x174C000, v34;
	[tilespmem:s29+$0x3600] =	vst v60  }
0x75: {  	v62 =	vadd.s32 $0x1750000, v34;
	[tilespmem:s29+$0x3800] =	vst v61  }
0x76: {  	v63 =	vadd.s32 $0x1754000, v34;
	[tilespmem:s29+$0x3A00] =	vst v62  }
0x77: {  	v0 =	vadd.s32 $0x1758000, v34;
	[tilespmem:s29+$0x3C00] =	vst v63  }
0x78: {  	[tilespmem:s29+$0x3E00] =	vst v0  }
0x79: {  	[tilespmem:s9], [sflag:$0x1] =	stream.indirect.gather [hbm4b:s3+s8], $0x1, s8, s8, $0xb8;
	[tilespmem:$0x8200] =	vst v63  }
0x7a: {  	s28 =	simm.s32 $0x4400;
	s29 =	simm.s32 $0x400  }
0x7b: {  	[tilespmem:s28], [sflag:$0x1] =	stream.indirect.gather [hbm4b:s3+s8], $0x1, s29, s8, $0xb8;
	[tilespmem:$0x8200] =	vst v63  }
0x7c: {  	s26 =	simm.s32 $0x600;
	s29 =	simm.s32 $0x4600  }
0x7d: {  	[tilespmem:s29], [sflag:$0x1] =	stream.indirect.gather [hbm4b:s3+s8], $0x1, s26, s8, $0xb8;
	[tilespmem:$0x8200] =	vst v63  }
0x7e: {  	s26 =	simm.s32 $0x800;
	s29 =	simm.s32 $0x4800  }
0x7f: {  	[tilespmem:s29], [sflag:$0x1] =	stream.indirect.gather [hbm4b:s3+s8], $0x1, s26, s8, $0xb8;
	[tilespmem:$0x8200] =	vst v63  }
0x80: {  	s26 =	simm.s32 $0xA00;
	s29 =	simm.s32 $0x4A00  }
0x81: {  	[tilespmem:s29], [sflag:$0x1] =	stream.indirect.gather [hbm4b:s3+s8], $0x1, s26, s8, $0xb8;
	[tilespmem:$0x8200] =	vst v63  }
0x82: {  	s26 =	simm.s32 $0xC00;
	s29 =	simm.s32 $0x4C00  }
0x83: {  	[tilespmem:s29], [sflag:$0x1] =	stream.indirect.gather [hbm4b:s3+s8], $0x1, s26, s8, $0xb8;
	[tilespmem:$0x8200] =	vst v63  }
0x84: {  	s26 =	simm.s32 $0xE00;
	s29 =	simm.s32 $0x4E00  }
0x85: {  	[tilespmem:s29], [sflag:$0x1] =	stream.indirect.gather [hbm4b:s3+s8], $0x1, s26, s8, $0xb8;
	[tilespmem:$0x8200] =	vst v63  }
0x86: {  	s26 =	simm.s32 $0x1000;
	s29 =	simm.s32 $0x5000  }
0x87: {  	[tilespmem:s29], [sflag:$0x1] =	stream.indirect.gather [hbm4b:s3+s8], $0x1, s26, s8, $0xb8;
	[tilespmem:$0x8200] =	vst v63  }
0x88: {  	s26 =	simm.s32 $0x1200;
	s29 =	simm.s32 $0x5200  }
0x89: {  	[tilespmem:s29], [sflag:$0x1] =	stream.indirect.gather [hbm4b:s3+s8], $0x1, s26, s8, $0xb8;
	[tilespmem:$0x8200] =	vst v63  }
0x8a: {  	s26 =	simm.s32 $0x1400;
	s29 =	simm.s32 $0x5400  }
0x8b: {  	[tilespmem:s29], [sflag:$0x1] =	stream.indirect.gather [hbm4b:s3+s8], $0x1, s26, s8, $0xb8;
	[tilespmem:$0x8200] =	vst v63  }
0x8c: {  	s26 =	simm.s32 $0x1600;
	s29 =	simm.s32 $0x5600  }
0x8d: {  	[tilespmem:s29], [sflag:$0x1] =	stream.indirect.gather [hbm4b:s3+s8], $0x1, s26, s8, $0xb8;
	[tilespmem:$0x8200] =	vst v63  }
0x8e: {  	s26 =	simm.s32 $0x1800;
	s29 =	simm.s32 $0x5800  }
0x8f: {  	[tilespmem:s29], [sflag:$0x1] =	stream.indirect.gather [hbm4b:s3+s8], $0x1, s26, s8, $0xb8;
	[tilespmem:$0x8200] =	vst v63  }
0x90: {  	s26 =	simm.s32 $0x1A00;
	s29 =	simm.s32 $0x5A00  }
0x91: {  	[tilespmem:s29], [sflag:$0x1] =	stream.indirect.gather [hbm4b:s3+s8], $0x1, s26, s8, $0xb8;
	[tilespmem:$0x8200] =	vst v63  }
0x92: {  	s26 =	simm.s32 $0x1C00;
	s29 =	simm.s32 $0x5C00  }
0x93: {  	[tilespmem:s29], [sflag:$0x1] =	stream.indirect.gather [hbm4b:s3+s8], $0x1, s26, s8, $0xb8;
	[tilespmem:$0x8200] =	vst v63  }
0x94: {  	s26 =	simm.s32 $0x1E00;
	s29 =	simm.s32 $0x5E00  }
0x95: {  	[tilespmem:s29], [sflag:$0x1] =	stream.indirect.gather [hbm4b:s3+s8], $0x1, s26, s8, $0xb8;
	[tilespmem:$0x8200] =	vst v63  }
0x96: {  	s26 =	simm.s32 $0x2000;
	s29 =	simm.s32 $0x6000  }
0x97: {  	[tilespmem:s29], [sflag:$0x1] =	stream.indirect.gather [hbm4b:s3+s8], $0x1, s26, s8, $0xb8;
	[tilespmem:$0x8200] =	vst v63  }
0x98: {  	s26 =	simm.s32 $0x2200;
	s29 =	simm.s32 $0x6200  }
0x99: {  	[tilespmem:s29], [sflag:$0x1] =	stream.indirect.gather [hbm4b:s3+s8], $0x1, s26, s8, $0xb8;
	[tilespmem:$0x8200] =	vst v63  }
0x9a: {  	s26 =	simm.s32 $0x2400;
	s29 =	simm.s32 $0x6400  }
0x9b: {  	[tilespmem:s29], [sflag:$0x1] =	stream.indirect.gather [hbm4b:s3+s8], $0x1, s26, s8, $0xb8;
	[tilespmem:$0x8200] =	vst v63  }
0x9c: {  	s26 =	simm.s32 $0x2600;
	s29 =	simm.s32 $0x6600  }
0x9d: {  	[tilespmem:s29], [sflag:$0x1] =	stream.indirect.gather [hbm4b:s3+s8], $0x1, s26, s8, $0xb8;
	[tilespmem:$0x8200] =	vst v63  }
0x9e: {  	s26 =	simm.s32 $0x2800;
	s29 =	simm.s32 $0x6800  }
0x9f: {  	[tilespmem:s29], [sflag:$0x1] =	stream.indirect.gather [hbm4b:s3+s8], $0x1, s26, s8, $0xb8;
	[tilespmem:$0x8200] =	vst v63  }
0xa0: {  	s26 =	simm.s32 $0x2A00;
	s29 =	simm.s32 $0x6A00  }
0xa1: {  	[tilespmem:s29], [sflag:$0x1] =	stream.indirect.gather [hbm4b:s3+s8], $0x1, s26, s8, $0xb8;
	[tilespmem:$0x8200] =	vst v63  }
0xa2: {  	s26 =	simm.s32 $0x2C00;
	s29 =	simm.s32 $0x6C00  }
0xa3: {  	[tilespmem:s29], [sflag:$0x1] =	stream.indirect.gather [hbm4b:s3+s8], $0x1, s26, s8, $0xb8;
	[tilespmem:$0x8200] =	vst v63  }
0xa4: {  	s29 =	simm.s32 $0x2E00  }
0xa5: {  	[tilespmem:s30], [sflag:$0x1] =	stream.indirect.gather [hbm4b:s3+s8], $0x1, s29, s8, $0xb8;
	[tilespmem:$0x8200] =	vst v63  }
0xa6: {  	_ = 	snop  }
0xa7: {  	[tilespmem:s0], [sflag:$0x1] =	stream.indirect.gather [hbm4b:s3+s8], $0x1, s31, s8, $0xb8;
	[tilespmem:$0x8200] =	vst v63  }
0xa8: {  	_ = 	snop  }
0xa9: {  	[tilespmem:s2], [sflag:$0x1] =	stream.indirect.gather [hbm4b:s3+s8], $0x1, s1, s8, $0xb8;
	[tilespmem:$0x8200] =	vst v63  }
0xaa: {  	_ = 	snop  }
0xab: {  	[tilespmem:s11], [sflag:$0x1] =	stream.indirect.gather [hbm4b:s3+s8], $0x1, s10, s8, $0xb8;
	[tilespmem:$0x8200] =	vst v63  }
0xac: {  	_ = 	snop  }
0xad: {  	[tilespmem:s13], [sflag:$0x1] =	stream.indirect.gather [hbm4b:s3+s8], $0x1, s12, s8, $0xb8;
	[tilespmem:$0x8200] =	vst v63  }
0xae: {  	_ = 	snop  }
0xaf: {  	[tilespmem:s15], [sflag:$0x1] =	stream.indirect.gather [hbm4b:s3+s8], $0x1, s14, s8, $0xb8;
	[tilespmem:$0x8200] =	vst v63  }
0xb0: {  	_ = 	snop  }
0xb1: {  	[tilespmem:s17], [sflag:$0x1] =	stream.indirect.gather [hbm4b:s3+s8], $0x1, s16, s8, $0xb8;
	[tilespmem:$0x8200] =	vst v63  }
0xb2: {  	_ = 	snop  }
0xb3: {  	[tilespmem:s19], [sflag:$0x1] =	stream.indirect.gather [hbm4b:s3+s8], $0x1, s18, s8, $0xb8;
	[tilespmem:$0x8200] =	vst v63  }
0xb4: {  	_ = 	snop  }
0xb5: {  	[tilespmem:s21], [sflag:$0x1] =	stream.indirect.gather [hbm4b:s3+s8], $0x1, s20, s8, $0xb8;
	[tilespmem:$0x8200] =	vst v63  }
0xb6: {  	_ = 	snop  }
0xb7: {  	[tilespmem:s23], [sflag:$0x1] =	stream.indirect.gather [hbm4b:s3+s8], $0x1, s22, s8, $0xb8;
	[tilespmem:$0x8200] =	vst v63  }
0xb8: {  	_ =	swait.ge [sflag:s24], $0x200  }
0xb9: {  	[sflag:s24] =	ssyncset.done $0x0  }
0xba: {  	[sflag:s24] =	ssyncadd.s32 $0xFFFFFE00  }
0xbb: {  	_ =	swait.ge [sflag:s24], $0x200  }
0xbc: {  	[sflag:s24] =	ssyncset.done $0x0  }
0xbd: {  	[sflag:s24] =	ssyncadd.s32 $0xFFFFFE00  }
0xbe: {  	_ =	swait.ge [sflag:s24], $0x200  }
0xbf: {  	[sflag:s24] =	ssyncset.done $0x0  }
0xc0: {  	[sflag:s24] =	ssyncadd.s32 $0xFFFFFE00  }
0xc1: {  	_ =	swait.ge [sflag:s24], $0x200  }
0xc2: {  	[sflag:s24] =	ssyncset.done $0x0  }
0xc3: {  	[sflag:s24] =	ssyncadd.s32 $0xFFFFFE00  }
0xc4: {  	_ =	swait.ge [sflag:s24], $0x200  }
0xc5: {  	[sflag:s24] =	ssyncset.done $0x0  }
0xc6: {  	[sflag:s24] =	ssyncadd.s32 $0xFFFFFE00  }
0xc7: {  	_ =	swait.ge [sflag:s24], $0x200  }
0xc8: {  	[sflag:s24] =	ssyncset.done $0x0  }
0xc9: {  	[sflag:s24] =	ssyncadd.s32 $0xFFFFFE00  }
0xca: {  	_ =	swait.ge [sflag:s24], $0x200  }
0xcb: {  	[sflag:s24] =	ssyncset.done $0x0  }
0xcc: {  	[sflag:s24] =	ssyncadd.s32 $0xFFFFFE00  }
0xcd: {  	_ =	swait.ge [sflag:s24], $0x200  }
0xce: {  	[sflag:s24] =	ssyncset.done $0x0  }
0xcf: {  	[sflag:s24] =	ssyncadd.s32 $0xFFFFFE00  }
0xd0: {  	_ =	swait.ge [sflag:s24], $0x200  }
0xd1: {  	[sflag:s24] =	ssyncset.done $0x0  }
0xd2: {  	[sflag:s24] =	ssyncadd.s32 $0xFFFFFE00  }
0xd3: {  	_ =	swait.ge [sflag:s24], $0x200  }
0xd4: {  	[sflag:s24] =	ssyncset.done $0x0  }
0xd5: {  	[sflag:s24] =	ssyncadd.s32 $0xFFFFFE00  }
0xd6: {  	_ =	swait.ge [sflag:s24], $0x200  }
0xd7: {  	[sflag:s24] =	ssyncset.done $0x0  }
0xd8: {  	[sflag:s24] =	ssyncadd.s32 $0xFFFFFE00  }
0xd9: {  	_ =	swait.ge [sflag:s24], $0x200  }
0xda: {  	[sflag:s24] =	ssyncset.done $0x0  }
0xdb: {  	[sflag:s24] =	ssyncadd.s32 $0xFFFFFE00  }
0xdc: {  	_ =	swait.ge [sflag:s24], $0x200  }
0xdd: {  	[sflag:s24] =	ssyncset.done $0x0  }
0xde: {  	[sflag:s24] =	ssyncadd.s32 $0xFFFFFE00  }
0xdf: {  	_ =	swait.ge [sflag:s24], $0x200  }
0xe0: {  	[sflag:s24] =	ssyncset.done $0x0  }
0xe1: {  	[sflag:s24] =	ssyncadd.s32 $0xFFFFFE00  }
0xe2: {  	_ =	swait.ge [sflag:s24], $0x200  }
0xe3: {  	[sflag:s24] =	ssyncset.done $0x0  }
0xe4: {  	[sflag:s24] =	ssyncadd.s32 $0xFFFFFE00  }
0xe5: {  	_ =	swait.ge [sflag:s24], $0x200  }
0xe6: {  	[sflag:s24] =	ssyncset.done $0x0  }
0xe7: {  	[sflag:s24] =	ssyncadd.s32 $0xFFFFFE00  }
0xe8: {  	_ =	swait.ge [sflag:s24], $0x200  }
0xe9: {  	[sflag:s24] =	ssyncset.done $0x0  }
0xea: {  	[sflag:s24] =	ssyncadd.s32 $0xFFFFFE00  }
0xeb: {  	_ =	swait.ge [sflag:s24], $0x200  }
0xec: {  	[sflag:s24] =	ssyncset.done $0x0  }
0xed: {  	[sflag:s24] =	ssyncadd.s32 $0xFFFFFE00  }
0xee: {  	_ =	swait.ge [sflag:s24], $0x200  }
0xef: {  	[sflag:s24] =	ssyncset.done $0x0  }
0xf0: {  	[sflag:s24] =	ssyncadd.s32 $0xFFFFFE00  }
0xf1: {  	_ =	swait.ge [sflag:s24], $0x200  }
0xf2: {  	[sflag:s24] =	ssyncset.done $0x0  }
0xf3: {  	[sflag:s24] =	ssyncadd.s32 $0xFFFFFE00  }
0xf4: {  	_ =	swait.ge [sflag:s24], $0x200  }
0xf5: {  	[sflag:s24] =	ssyncset.done $0x0  }
0xf6: {  	[sflag:s24] =	ssyncadd.s32 $0xFFFFFE00  }
0xf7: {  	_ =	swait.ge [sflag:s24], $0x200  }
0xf8: {  	[sflag:s24] =	ssyncset.done $0x0  }
0xf9: {  	[sflag:s24] =	ssyncadd.s32 $0xFFFFFE00  }
0xfa: {  	_ =	swait.ge [sflag:s24], $0x200  }
0xfb: {  	[sflag:s24] =	ssyncset.done $0x0  }
0xfc: {  	[sflag:s24] =	ssyncadd.s32 $0xFFFFFE00  }
0xfd: {  	_ =	swait.ge [sflag:s24], $0x200  }
0xfe: {  	[sflag:s24] =	ssyncset.done $0x0  }
0xff: {  	[sflag:s24] =	ssyncadd.s32 $0xFFFFFE00  }
0x100: {  	_ =	swait.ge [sflag:s24], $0x200  }
0x101: {  	[sflag:s24] =	ssyncset.done $0x0  }
0x102: {  	[sflag:s24] =	ssyncadd.s32 $0xFFFFFE00  }
0x103: {  	_ =	swait.ge [sflag:s24], $0x200  }
0x104: {  	[sflag:s24] =	ssyncset.done $0x0  }
0x105: {  	[sflag:s24] =	ssyncadd.s32 $0xFFFFFE00  }
0x106: {  	_ =	swait.ge [sflag:s24], $0x200  }
0x107: {  	[sflag:s24] =	ssyncset.done $0x0  }
0x108: {  	[sflag:s24] =	ssyncadd.s32 $0xFFFFFE00  }
0x109: {  	_ =	swait.ge [sflag:s24], $0x200  }
0x10a: {  	[sflag:s24] =	ssyncset.done $0x0  }
0x10b: {  	[sflag:s24] =	ssyncadd.s32 $0xFFFFFE00  }
0x10c: {  	_ =	swait.ge [sflag:s24], $0x200  }
0x10d: {  	[sflag:s24] =	ssyncset.done $0x0  }
0x10e: {  	[sflag:s24] =	ssyncadd.s32 $0xFFFFFE00  }
0x10f: {  	_ =	swait.ge [sflag:s24], $0x200  }
0x110: {  	[sflag:s24] =	ssyncset.done $0x0  }
0x111: {  	[sflag:s24] =	ssyncadd.s32 $0xFFFFFE00  }
0x112: {  	_ =	swait.ge [sflag:s24], $0x200  }
0x113: {  	[sflag:s24] =	ssyncset.done $0x0  }
0x114: {  	[sflag:s24] =	ssyncadd.s32 $0xFFFFFE00  }
0x115: {  	s25 =	sadd.s32 $0x1, s25;
	_ =	swait.ge [sflag:s24], $0x200  }
0x116: {  	p0 =	sne.s32 s25, s6;
	[sflag:s24] =	ssyncset.done $0x0  }
.Ltmp1:
0x117: {  	[sflag:s24] =	ssyncadd.s32 $0xFFFFFE00;
	(pc) =	sbr.rel @p0 .LBB2_1-.Ltmp1, $4  }
0x118: {  	[hbm4b:s5+s8] =	stream.strided.scatter [tilespmem:s9], [sflag:$0x2], $0x4000, s22, s8, $0x38;
	[tilespmem:$0x8200] =	vst v63  }
0x119: {  	_ =	swait.ge [sflag:s7], $0x4000  }
0x11a: {  	[sflag:s7] =	ssyncset.done $0x0  }
0x11b: {  	[sflag:s7] =	ssyncadd.s32 $0xFFFFC000  }
0x11c: {  	_ =	sfence.sel $0x180000  }
0x11d: {  	[bflag:$0x0] =	sbarrier.arrive $0xFFFF  }
0x11e: {  	_ =	strace $0x9000004D  }
0x11f: {  	s0 =	stileid.u32;
	[bflag:$0x2] =	sbarrier.arrive $0xFFFF  }
0x120: {  	p0 =	sne.s32 s0, $0x0;
	s0 =	rddreg [dreg:$0x2]  }
0x121: {  	s0 =	sadd.s32 @!p0 $0x100000, s0  }
0x122: {  	[sflag:s0] =	ssyncadd.tile.s32 @!p0 $0x1;
	_ =	shalt  }
.Lfunc_end2:
_tile_overlayer_lowered:
.L_overlay_start_2:
0x123: {  	(tag) =	ssettag $0x2  }
0x124: {  	s0 =	rddreg [dreg:$0x0];
	s2 =	stileid.u32  }
0x125: {  	s1 =	rddreg [dreg:$0x1];
	p0 =	sne.s32 s2, $0x0  }
0x126: {  	s3 =	rddreg [dreg:$0x2];
	[bflag:$0x3] =	sbarrier.arrive $0xFFFF;
	s2 =	simm.s32 @!p0 $0x1C02  }
0x127: {  	[timem:s3], [sflag:s2] =	dma.local @!p0 [hbm:s0], s1  }
0x128: {  	s0 =	simm.s32 @!p0 $0x2  }
0x129: {  	_ =	swait.ge @!p0 [sflag:s0], s1  }
0x12a: {  	s1 =	ssub.s32 @!p0 $0x0, s1;
	[sflag:s0] =	ssyncset.done @!p0 $0x0  }
0x12b: {  	[sflag:s0] =	ssyncadd.s32 @!p0 s1  }
0x12c: {  	[bflag:$0x3] =	sbarrier.arrive $0xFFFF  }
0x12d: {  	_ =	shalt  }

// kernel: sparse-core-data-format-call.cloned.1.call-start
scs
called_computation_lowered:
.L_overlay_start_0:
0x0: {  	s1 =	sld [smem:$0x3FD9]  }
0x1: {  	s2 =	sld [smem:$0x3FFE];
	_ =	sdelay $0x1  }
0x2: {  	s3 =	srdreg.scid  }
0x3: {  	s0 =	sand.u32 $0x1, s3  }
0x4: {  	s17 =	sshll.u32 s0, $0xA;
	s1 =	sadd.s32 s2, s1  }
0x5: {  	s1 =	sadd.s32 s1, s17  }
0x6: {  	[smem:$0x3FC6] =	sst s1  }
0x7: {  	_ = 	snop  }
0x8: {  	(tm) =	ssettm $0x1  }
0x9: {  	s18 =	sld [smem:$0x3FFB];
	_ =	sdelay $0x3  }
0xa: {  	_ =	strace s18  }
0xb: {  	s1 =	sld [smem:$0x3FFC];
	_ =	sdelay $0x3  }
0xc: {  	_ =	strace s1  }
0xd: {  	s1 =	sld [smem:$0x3FFD];
	_ =	sdelay $0x3  }
0xe: {  	_ =	strace s1  }
0xf: {  	_ =	strace $0x8FFFFFFF  }
0x10: {  	s19 =	sld [smem:$0x3FDB];
	_ =	sdelay $0x1  }
0x11: {  	s20 =	simm.s32 $_scs_section_size  }
0x12: {  	s4 =	simm.s32 $_size__tile_overlayer_lowered;
	s5 =	simm.s32 $_tile_overlayer_lowered  }
0x13: {  	s23 =	simm.s32 $0x1BFF;
	s22 =	sshll.u32 s5, $0x1;
	s1 =	sadd.s32 s20, s19  }
0x14: {  	s6 =	simm.s32 $0x0;
	s21 =	sshll.u32 s4, $0x1;
	s4 =	sadd.s32 s22, s1  }
0x15: {  	[timem:s6], [sflag:s23] =	dma.local [hbm:s4], s21  }
0x16: {  	_ =	swait.ge [sflag:s23], s21  }
0x17: {  	s2 =	ssub.s32 $0x0, s21;
	[sflag:s23] =	ssyncset.done $0x0  }
0x18: {  	[sflag:s23] =	ssyncadd.s32 s2;
	_ =	sdelay $0x1  }
0x19: {  	s24 =	simm.s32 $0x1B8B  }
0x1a: {  	_ =	swait.ge [sflag:s24], $0x1  }
0x1b: {  	[sflag:s24] =	ssyncset.done $0x0  }
0x1c: {  	s26 =	simm.s32 $0x1B8E;
	s25 =	sld [smem:$0x3FFE];
	[sflag:s24] =	ssyncadd.s32 $0xFFFFFFFF  }
0x1d: {  	s27 =	simm.s32 $execute0_lowered;
	[smem:$0x3FD2] =	sst s26  }
0x1e: {  	s4 =	sshll.u32 s27, $0x1;
	_ =	strace $0x80000049;
	[dreg:$0x1] =	wrdreg $0xFFFFFFFF  }
0x1f: {  	s28 =	simm.s32 $_size_execute0_lowered;
	s1 =	sadd.s32 s1, s4;
	[dreg:$0x0] =	wrdreg $0x0  }
0x20: {  	s4 =	sshll.u32 s28, $0x1;
	[dreg:$0x2] =	wrdreg s1  }
0x21: {  	[dreg:$0x3] =	wrdreg s4  }
0x22: {  	[dreg:$0x4] =	wrdreg $0xC0  }
0x23: {  	_ =	task [dreg:s6], $0x5FFFF  }
0x24: {  	[dreg:$0x1] =	wrdreg $0xFFFFFFFF  }
0x25: {  	[dreg:$0x0] =	wrdreg $0x60  }
0x26: {  	[dreg:$0x2] =	wrdreg s25  }
0x27: {  	[dreg:$0x3] =	wrdreg $0x9  }
0x28: {  	_ =	task.clear_ibuf [dreg:s6], $0x4FFFF;
	_ =	strace $0x90000049  }
0x29: {  	s29 =	simm.s32 $0x9;
	_ =	strace $0x8000004B  }
0x2a: {  	_ =	swait.ge [sflag:s29], $0x1  }
0x2b: {  	[sflag:s29] =	ssyncadd.s32 $0xFFFFFFFF  }
0x2c: {  	_ =	strace $0x9000004B  }
0x2d: {  	_ =	sfence  }
0x2e: {  	s30 =	sld [smem:$0x0];
	_ =	sdelay $0x2  }
0x2f: {  	s31 =	sshll.u32 s3, $0xD;
	s3 =	sshrl.u32 s3, $0x2  }
0x30: {  	s2 =	sand.u32 $0x4000, s31;
	s1 =	sadd.s32 s3, s30  }
0x31: {  	s0 =	sor.u32 s2, s0;
	s1 =	sshll.u32 s1, $0x11  }
0x32: {  	s0 =	sor.u32 s1, s0  }
0x33: {  	s0 =	sadd.s32 $0x8F2B, s0  }
0x34: {  	[sflag:s0] =	ssyncadd.remote.s32 $0x1  }
0x35: {  	_ =	sfence.sel $0xFFFF  }
0x36: {  	[dreg:$0x0] =	wrdreg $0xFFFFFFFF;
	(pc) =	sbr.abs _section_cstart, $3  }
0x37: {  	[dreg:$0x1] =	wrdreg $0xFFFFFFFF  }
0x38: {  	_ =	task.clear_ibuf [dreg:s6], $0x2FFFF;
	_ =	strace $0x9FFFFFFF  }
0x39: {  	(tm) =	ssettm $0x7FFFFFFF  }
tec
execute0_lowered:
.L_overlay_start_1:
0x0: {  	(tag) =	ssettag $0x1  }
0x1: {  	s0 =	stileid.u32;
	s1 =	srdreg.scid  }
0x2: {  	s4 =	rddreg [dreg:$0x0];
	s2 =	sshll.u32 s0, $0x2;
	s1 =	sshll.u32 s1, $0x6  }
0x3: {  	s8 =	simm.s32 $0x2;
	s14 =	simm.s32 $0x0;
	s1 =	sor.u32 s2, s1  }
0x4: {  	s9 =	simm.s32 $0x800;
	s10 =	simm.s32 $0x4000;
	s2 =	sand.u32 $0x70, s1  }
0x5: {  	s11 =	simm.s32 $0x0;
	s15 =	simm.s32 $0x0;
	s3 =	ssub.s32 $0x80, s2  }
0x6: {  	s13 =	simm.s32 $0x0;
	s1 =	rddreg [dreg:$0x1];
	s5 =	sand.u32 $0x70, s3  }
0x7: {  	s6 =	sshll.u32 s2, $0x7;
	p0 =	sne.s32 s5, $0x0;
	s5 =	simm.s32 $0x1  }
.Ltmp0:
0x8: {  	s3 =	sshrl.u32 s3, $0x7;
	s5 =	simm.s32 @!p0 $0x0;
	(pc) =	sbr.rel .LBB1_1-.Ltmp0, $4  }
0x9: {  	_ =	strace $0x8000004A;
	s7 =	sadd.s32 s6, s4;
	s5 =	sadd.s32 s5, s3  }
0xa: {  	s3 =	sadd.s32 $0x3E0C00, s4;
	s4 =	simm.s32 $0x1;
	s5 =	smul.u32 $0x3E, s5  }
0xb: {  	s6 =	sand.u32 $0x3, s0;
	s7 =	sadd.s32 $0xC00, s7;
	[sflag:s4] =	ssyncpa.u1 $0x0  }
0xc: {  	s12 =	smov.u32 s6;
	[sflag:s8] =	ssyncpa.u1 $0x0;
	s8 =	sor.u32 $0x1, s5  }
.LBB1_7:
0xd: {  	s16 =	sadd.s32 $0x4, s12  }
0xe: {  	p1 =	sgt.s32 s16, $0xF7  }
0xf: {  	s16 =	smov.u32 @p1 s6;
	p1 =	sne.s32 s13, s8  }
.Ltmp1:
0x10: {  	p0 =	slt.u32 s13, $0x2;
	(pc) =	sbr.rel @!p1 .LBB1_8-.Ltmp1, $4  }
0x11: {  	s14 =	simm.s32 @!p0 $0x2  }
0x12: {  	s17 =	sadd.s32 $0x1, s13;
	s15 =	smov.u32 s12;
	_ =	swait.ge @!p0 [sflag:s14], $0x4000  }
0x13: {  	s11 =	sadd.s32 $0x4000, s11;
	s13 =	smov.u32 s17;
	[sflag:s14] =	ssyncset.done @!p0 $0x0  }
0x14: {  	s12 =	smov.u32 s16;
	[sflag:s14] =	ssyncadd.s32 @!p0 $0xFFFFC000;
	s14 =	smov.u32 s2  }
.LBB1_1:
0x15: {  	p0 =	sge.u32 s13, s5  }
0x16: {  	s16 =	sxor.u32 @!p0 $0xFFFFFFFF, s13  }
0x17: {  	s31 =	sadd.s32 $0xFFFFFFFF, s13;
	s17 =	sshll.u32 @!p0 s12, $0xE;
	s16 =	sshll.u32 @!p0 s16, $0xE  }
0x18: {  	s18 =	simm.s32 @!p0 $0x0;
	s17 =	sadd.s32 @!p0 s17, s7;
	s16 =	sand.u32 @!p0 $0x4000, s16  }
0x19: {  	[tilespmem:s16], [sflag:$0x1] =	stream.linear.gather @!p0 [hbm4b:s17+s18], $0x4000, $0x38;
	[tilespmem:$0x10000] =	vst v63  }
0x1a: {  	p0 =	sge.u32 s31, s5  }
.Ltmp2:
0x1b: {  	_ = 	snop;
	(pc) =	sbr.rel @p0 .LBB1_7-.Ltmp2, $1  }
0x1c: {  	_ =	sdelay $0x3  }
0x1d: {  	s17 =	sand.u32 $0x4000, s11  }
0x1e: {  	_ =	swait.ge [sflag:s4], $0x4000;
	s19 =	sshll.u32 s13, $0xE;
	s16 =	sor.u32 $0x8040, s17  }
0x1f: {  	s18 =	sor.u32 $0x40, s17;
	[sflag:s4] =	ssyncset.done $0x0;
	s31 =	sand.u32 $0x4000, s19  }
0x20: {  	s19 =	simm.s32 $0x0;
	[sflag:s4] =	ssyncadd.s32 $0xFFFFC000;
	s17 =	sor.u32 $0x8000, s31  }
.LBB1_3:
0x21: {  	v0 =	vmov s18;
	_ =	sdelay $0x3  }
0x22: {  	s21 =	simm.s32 $0x0  }
0x23: {  	v6 =	vld.idx.msk [tilespmem:v0+s21+$0x30 ss:$0x1], $0xffff  }
0x24: {  	v7 =	vld.idx.msk [tilespmem:v0+s21+$0xFFFFFFC0 ss:$0x1], $0xffff  }
0x25: {  	v5 =	vld.idx.msk [tilespmem:v0+s21+$0xFFFFFFD0 ss:$0x1], $0xffff  }
0x26: {  	v4 =	vld.idx.msk [tilespmem:v0+s21+$0xFFFFFFE0 ss:$0x1], $0xffff  }
0x27: {  	v3 =	vld.idx.msk [tilespmem:v0+s21+$0xFFFFFFF0 ss:$0x1], $0xffff  }
0x28: {  	v1 =	vld.idx.msk [tilespmem:v0+s21+$0x0 ss:$0x1], $0xffff  }
0x29: {  	v2 =	vld.idx.msk [tilespmem:v0+s21+$0x10 ss:$0x1], $0xffff;
	[tilespmem:s16+$0x30] =	vst v6  }
0x2a: {  	s20 =	simm.s32 $0x80;
	s22 =	simm.s32 $0x400;
	[tilespmem:s16+$0xFFFFFFC0] =	vst v7;
	v6 =	vld.idx.msk [tilespmem:v0+s21+$0x20 ss:$0x1], $0xffff;
	s21 =	smov.u32 s16  }
.LBB1_4:
0x2b: {  	p0 =	sne.s32 s22, $0xE00;
	v7 =	vld.idx.msk [tilespmem:v0+s20+$0x30 ss:$0x1], $0xffff;
	[tilespmem:s21+$0xFFFFFFD0] =	vst v5  }
0x2c: {  	v8 =	vld.idx.msk [tilespmem:v0+s20+$0xFFFFFFC0 ss:$0x1], $0xffff;
	[tilespmem:s21+$0xFFFFFFE0] =	vst v4  }
0x2d: {  	v5 =	vld.idx.msk [tilespmem:v0+s20+$0xFFFFFFD0 ss:$0x1], $0xffff;
	[tilespmem:s21+$0xFFFFFFF0] =	vst v3  }
.Ltmp3:
0x2e: {  	v4 =	vld.idx.msk [tilespmem:v0+s20+$0xFFFFFFE0 ss:$0x1], $0xffff;
	[tilespmem:s21+$0x0] =	vst v1;
	(pc) =	sbr.rel @p0 .LBB1_4-.Ltmp3, $4  }
0x2f: {  	v3 =	vld.idx.msk [tilespmem:v0+s20+$0xFFFFFFF0 ss:$0x1], $0xffff;
	[tilespmem:s21+$0x10] =	vst v2  }
0x30: {  	v1 =	vld.idx.msk [tilespmem:v0+s20+$0x0 ss:$0x1], $0xffff;
	[tilespmem:s21+$0x20] =	vst v6;
	s21 =	sadd.s32 $0x800, s21  }
0x31: {  	v2 =	vld.idx.msk [tilespmem:v0+s20+$0x10 ss:$0x1], $0xffff;
	[tilespmem:s21+$0x30] =	vst v7  }
0x32: {  	[tilespmem:s21+$0xFFFFFFC0] =	vst v8;
	v6 =	vld.idx.msk [tilespmem:v0+s20+$0x20 ss:$0x1], $0xffff;
	s20 =	sshra.s32 s22, $0x2;
	s22 =	sadd.s32 $0x200, s22  }
0x33: {  	_ =	sdelay $0x2  }
0x34: {  	[tilespmem:s21+$0xFFFFFFD0] =	vst v5  }
0x35: {  	v56 =	vld.idx.msk [tilespmem:v0+s20+$0x30 ss:$0x1], $0xffff;
	[tilespmem:s21+$0xFFFFFFE0] =	vst v4  }
0x36: {  	v57 =	vld.idx.msk [tilespmem:v0+s20+$0xFFFFFFC0 ss:$0x1], $0xffff;
	[tilespmem:s21+$0xFFFFFFF0] =	vst v3  }
0x37: {  	v58 =	vld.idx.msk [tilespmem:v0+s20+$0xFFFFFFD0 ss:$0x1], $0xffff;
	[tilespmem:s21+$0x0] =	vst v1  }
0x38: {  	v59 =	vld.idx.msk [tilespmem:v0+s20+$0xFFFFFFE0 ss:$0x1], $0xffff;
	[tilespmem:s21+$0x10] =	vst v2  }
0x39: {  	v60 =	vld.idx.msk [tilespmem:v0+s20+$0xFFFFFFF0 ss:$0x1], $0xffff;
	s31 =	sadd.s32 $0x800, s21;
	[tilespmem:s21+$0x20] =	vst v6  }
0x3a: {  	v61 =	vld.idx.msk [tilespmem:v0+s20+$0x0 ss:$0x1], $0xffff;
	[tilespmem:s31+$0x30] =	vst v56  }
0x3b: {  	v62 =	vld.idx.msk [tilespmem:v0+s20+$0x10 ss:$0x1], $0xffff;
	s19 =	sadd.s32 $0x1, s19;
	[tilespmem:s31+$0xFFFFFFC0] =	vst v57  }
0x3c: {  	v63 =	vld.idx.msk [tilespmem:v0+s20+$0x20 ss:$0x1], $0xffff;
	p0 =	sne.s32 s19, $0x10;
	[tilespmem:s31+$0xFFFFFFD0] =	vst v58  }
.Ltmp4:
0x3d: {  	[tilespmem:s31+$0xFFFFFFE0] =	vst v59;
	(pc) =	sbr.rel @p0 .LBB1_3-.Ltmp4, $4  }
0x3e: {  	[tilespmem:s31+$0xFFFFFFF0] =	vst v60  }
0x3f: {  	[tilespmem:s31+$0x0] =	vst v61  }
0x40: {  	[tilespmem:s31+$0x10] =	vst v62  }
0x41: {  	s16 =	sadd.s32 $0x80, s16;
	s18 =	sadd.s32 $0x400, s18;
	[tilespmem:s31+$0x20] =	vst v63  }
.Ltmp5:
0x42: {  	(pc) =	sbr.rel .LBB1_7-.Ltmp5, $4  }
0x43: {  	s15 =	sshll.u32 s15, $0xE  }
0x44: {  	s14 =	sshll.u32 s14, $0x4;
	s15 =	sadd.s32 s3, s15  }
0x45: {  	s14 =	sadd.s32 s14, s15  }
0x46: {  	[hbm4b:s14+s9] =	stream.strided.scatter [tilespmem:s17], [sflag:$0x2], $0x4000, s10, s9, $0x38;
	[tilespmem:$0x10000] =	vst v63  }
.LBB1_8:
0x47: {  	_ =	sfence.sel $0x180000  }
0x48: {  	s2 =	simm.s32 $0x1;
	[bflag:$0x0] =	sbarrier.arrive $0xFFFF  }
0x49: {  	s31 =	simm.s32 $0x2;
	[sflag:s2] =	ssyncpa.u1 $0x1  }
0x4a: {  	[sflag:s31] =	ssyncpa.u1 $0x1  }
0x4b: {  	p0 =	sne.s32 s0, $0x0;
	_ =	strace $0x9000004A  }
0x4c: {  	s0 =	sadd.s32 @!p0 $0x100000, s1;
	[bflag:$0x2] =	sbarrier.arrive $0xFFFF  }
0x4d: {  	[sflag:s0] =	ssyncadd.tile.s32 @!p0 $0x1;
	_ =	shalt  }
.Lfunc_end1:
_tile_overlayer_lowered:
.L_overlay_start_2:
0x4e: {  	(tag) =	ssettag $0x2  }
0x4f: {  	s0 =	rddreg [dreg:$0x0];
	s2 =	stileid.u32  }
0x50: {  	s1 =	rddreg [dreg:$0x1];
	p0 =	sne.s32 s2, $0x0  }
0x51: {  	s3 =	rddreg [dreg:$0x2];
	[bflag:$0x3] =	sbarrier.arrive $0xFFFF;
	s2 =	simm.s32 @!p0 $0x1C01  }
0x52: {  	[timem:s3], [sflag:s2] =	dma.local @!p0 [hbm:s0], s1  }
0x53: {  	s0 =	simm.s32 @!p0 $0x1  }
0x54: {  	_ =	swait.ge @!p0 [sflag:s0], s1  }
0x55: {  	s1 =	ssub.s32 @!p0 $0x0, s1;
	[sflag:s0] =	ssyncset.done @!p0 $0x0  }
0x56: {  	[sflag:s0] =	ssyncadd.s32 @!p0 s1  }
0x57: {  	[bflag:$0x3] =	sbarrier.arrive $0xFFFF  }
0x58: {  	_ =	shalt  }

</sc_bundles>
